<compile_context>
chip_gen: v7x
topology: tpu7x:2x2x1
jax: 0.10.2.dev20260603
libtpu: 0.0.44.dev20260713+nightly
codegen_flags: <defaults>
</compile_context>

<pallas_src>
import functools

import jax
import jax.numpy as jnp
from jax import lax
from jax.experimental import layout as jax_layout
from jax.experimental import pallas as pl
from jax.experimental.pallas import tpu as pltpu
from jax.experimental.pallas import tpu_sc as plsc

D = 64
W = 10
K1 = 21
NC, NS, L = 2, 16, 16
NW = NC * NS
CH = 16

CTX_IW = 80
OUT_IW = 112


def _sc_logits(ctx_idx, out_idx, input_table, output_table, B):
    b_per_w = B // NW
    nchunk = b_per_w // CH
    crpc = CH * W // CTX_IW
    orpc = CH * K1 // OUT_IW
    mesh = plsc.VectorSubcoreMesh(core_axis_name="c", subcore_axis_name="s")

    @functools.partial(
        pl.kernel,
        out_type=jax.ShapeDtypeStruct((K1, B), jnp.float32),
        mesh=mesh,
        scratch_types=[
            pltpu.VMEM((nchunk * crpc, CTX_IW), jnp.int32),
            pltpu.VMEM((nchunk * orpc, OUT_IW), jnp.int32),
            [pltpu.VMEM((CH * W, D), jnp.float32) for _ in range(2)],
            [pltpu.VMEM((CH * K1, D), jnp.float32) for _ in range(2)],
            pltpu.VMEM((K1, b_per_w), jnp.float32),
            [pltpu.SemaphoreType.DMA for _ in range(2)],
        ],
        compiler_params=pltpu.CompilerParams(
            needs_layout_passes=False, use_tc_tiling_on_sc=False),
    )
    def body(ctx_idx_hbm, out_idx_hbm, itab_hbm, otab_hbm, out_hbm,
             cidx_v, oidx_v, crows_v, orows_v, lg_v, sems):
        wid = lax.axis_index("s") * NC + lax.axis_index("c")
        iota = lax.iota(jnp.int32, L)
        row_c = iota * W
        row_o = iota * K1

        pltpu.sync_copy(
            ctx_idx_hbm.at[pl.ds(wid * nchunk * crpc, nchunk * crpc)], cidx_v)
        pltpu.sync_copy(
            out_idx_hbm.at[pl.ds(wid * nchunk * orpc, nchunk * orpc)], oidx_v)

        def issue(c, buf):
            for j in range(crpc):
                pltpu.async_copy(
                    itab_hbm.at[cidx_v.at[c * crpc + j]],
                    crows_v[buf].at[pl.ds(j * CTX_IW, CTX_IW)], sems[buf])
            for j in range(orpc):
                pltpu.async_copy(
                    otab_hbm.at[oidx_v.at[c * orpc + j]],
                    orows_v[buf].at[pl.ds(j * OUT_IW, OUT_IW)], sems[buf])

        def wait(c, buf):
            for j in range(crpc):
                pltpu.make_async_copy(
                    itab_hbm.at[cidx_v.at[c * crpc + j]],
                    crows_v[buf].at[pl.ds(j * CTX_IW, CTX_IW)],
                    sems[buf]).wait()
            for j in range(orpc):
                pltpu.make_async_copy(
                    otab_hbm.at[oidx_v.at[c * orpc + j]],
                    orows_v[buf].at[pl.ds(j * OUT_IW, OUT_IW)],
                    sems[buf]).wait()

        def compute(c, buf):
            zeros = tuple(jnp.zeros((L,), jnp.float32) for _ in range(K1))

            @plsc.parallel_loop(0, D, unroll=4, carry=zeros)
            def accs(d, acc_in):
                dd = (iota + d) & (D - 1)
                s = plsc.load_gather(crows_v[buf], [row_c, dd])
                for w in range(1, W):
                    s = s + plsc.load_gather(crows_v[buf], [row_c + w, dd])
                out = []
                for k in range(K1):
                    r = plsc.load_gather(orows_v[buf], [row_o + k, dd])
                    out.append(acc_in[k] + s * r)
                return tuple(out)

            for k in range(K1):
                lg_v[k, pl.ds(c * CH, CH)] = accs[k] * (1.0 / W)

        issue(0, 0)

        def pair_body(t, carry):
            c0 = 2 * t
            issue(c0 + 1, 1)
            wait(c0, 0)
            compute(c0, 0)

            @pl.when(t < nchunk // 2 - 1)
            def _():
                issue(c0 + 2, 0)

            wait(c0 + 1, 1)
            compute(c0 + 1, 1)
            return carry

        lax.fori_loop(0, nchunk // 2, pair_body, 0)
        pltpu.sync_copy(lg_v, out_hbm.at[:, pl.ds(wid * b_per_w, b_per_w)])

    return body(ctx_idx, out_idx, input_table, output_table)


def _loss_body(x_ref, o_ref):
    x = x_ref[...]
    rows = lax.broadcasted_iota(jnp.int32, x.shape, 0)
    lab = (rows < 128).astype(jnp.float32)
    loss = jnp.maximum(x, 0.0) - x * lab + jnp.log1p(jnp.exp(-jnp.abs(x)))
    o_ref[0, 0] = jnp.sum(loss) / (x.shape[0] * x.shape[1])


def kernel(context, target, negatives, input_table, output_table):
    B = context.shape[0]
    ctx_idx = context.astype(jnp.int32).reshape(B * W // CTX_IW, CTX_IW)
    out_idx = jnp.concatenate(
        [target.astype(jnp.int32), negatives.astype(jnp.int32)], axis=1
    ).reshape(B * K1 // OUT_IW, OUT_IW)
    lin = jax_layout.Layout(major_to_minor=(0, 1), tiling=())
    input_table, output_table = jax_layout.with_layout_constraint(
        (input_table, output_table), (lin, lin))
    logits_t = _sc_logits(ctx_idx, out_idx, input_table, output_table, B)
    x = logits_t.reshape(K1 * (B // 128), 128)
    loss = pl.pallas_call(
        _loss_body,
        out_shape=jax.ShapeDtypeStruct((1, 1), jnp.float32),
        out_specs=pl.BlockSpec(memory_space=pltpu.SMEM),
    )(x)
    return loss[0, 0]

# --- scband reference (transcript-rebuilt; emitter-appended) ---
"""Pipeline reference for scband-cbow-16372415332829 (READ-ONLY COPY).

The authoritative reference and input builder live on the scoring server;
editing this copy changes nothing except your own understanding.
"""

import jax, jax.numpy as jnp
import numpy as np

VOCAB = 1000000
EMBED = 64
B = 16384
W = 10
K = 20


def setup_inputs(seed: int = 0) -> dict:
    key = jax.random.key(seed)
    k1, k2, k3, k4, k5 = jax.random.split(key, 5)
    context = jax.random.randint(k1, (B, W), 0, VOCAB, dtype=jnp.int64) if jax.config.jax_enable_x64 else jax.random.randint(k1, (B, W), 0, VOCAB).astype(jnp.int32)
    target = jax.random.randint(k2, (B, 1), 0, VOCAB).astype(context.dtype)
    negatives = jax.random.randint(k3, (B, K), 0, VOCAB).astype(context.dtype)
    input_table = jax.random.normal(k4, (VOCAB, EMBED), dtype=jnp.float32) * 0.01
    output_table = jax.random.normal(k5, (VOCAB, EMBED), dtype=jnp.float32) * 0.01
    return {
        "context": context,
        "target": target,
        "negatives": negatives,
        "input_table": input_table,
        "output_table": output_table,
    }


def _bce_with_logits(logits, labels):
    # numerically stable BCEWithLogits, mean reduction (matches torch default)
    loss = jnp.maximum(logits, 0.0) - logits * labels + jnp.log1p(jnp.exp(-jnp.abs(logits)))
    return jnp.mean(loss)


def reference(context, target, negatives, input_table, output_table):
    # input embedding lookup: [B, W, D]
    context_embeddings = jnp.take(input_table, context, axis=0)
    # mean over context window, keepdim: [B, 1, D]
    context_mean = jnp.mean(context_embeddings, axis=1, keepdims=True)
    # output embedding lookups
    target_embeddings = jnp.take(output_table, target, axis=0)      # [B, 1, D]
    negative_embeddings = jnp.take(output_table, negatives, axis=0)  # [B, K, D]
    # positive dot product: [B, 1]
    positive_dot = jnp.sum(context_mean * target_embeddings, axis=2)
    # negative dot product via batched matmul: [B, K, D] @ [B, D, 1] -> [B, K]
    negative_dot = jnp.squeeze(
        jnp.einsum("bkd,bod->bko", negative_embeddings, context_mean), axis=2
    )
    logits = jnp.concatenate([positive_dot, negative_dot], axis=1)  # [B, 1+K]
    labels = jnp.concatenate(
        [jnp.ones_like(positive_dot), jnp.zeros_like(negative_dot)], axis=1
    )
    return _bce_with_logits(logits, labels)

if __name__ == "__main__":
    import jax
    _d = setup_inputs()
    print(jax.jit(kernel)(*tuple(_d.values())))

</pallas_src>

<mosaic_0001>
#map = affine_map<(d0, d1) -> (0, 0)>
module attributes {stable_mosaic.version = 14 : i64} {
  func.func @body(%arg0: i32, %arg1: i32, %arg2: memref<2048x80xi32, #tpu.memory_space<hbm>>, %arg3: memref<3072x112xi32, #tpu.memory_space<hbm>>, %arg4: memref<1000000x64xf32, #tpu.memory_space<hbm>>, %arg5: memref<1000000x64xf32, #tpu.memory_space<hbm>>, %arg6: memref<21x16384xf32, #tpu.memory_space<hbm>>, %arg7: memref<64x80xi32, #tpu.memory_space<vmem>>, %arg8: memref<96x112xi32, #tpu.memory_space<vmem>>, %arg9: memref<160x64xf32, #tpu.memory_space<vmem>>, %arg10: memref<160x64xf32, #tpu.memory_space<vmem>>, %arg11: memref<336x64xf32, #tpu.memory_space<vmem>>, %arg12: memref<336x64xf32, #tpu.memory_space<vmem>>, %arg13: memref<21x512xf32, #tpu.memory_space<vmem>>, %arg14: memref<!tpu.dma_semaphore, #tpu.memory_space<semaphore_mem>>, %arg15: memref<!tpu.dma_semaphore, #tpu.memory_space<semaphore_mem>>) attributes {dimension_semantics = [#tpu.dimension_semantics<core_parallel>, #tpu.dimension_semantics<subcore_parallel>], iteration_bounds = array<i64: 2, 16>, scalar_prefetch = 0 : i64, scratch_operands = 9 : i64, tpu.core_type = #tpu.core_type<sc_vector_subcore>, window_params = [{transform_indices = #map}, {transform_indices = #map}, {transform_indices = #map}, {transform_indices = #map}, {transform_indices = #map}]} {
    %mul3A = arith.constant 2 : i32
    %mul3A_0 = arith.muli %arg1, %mul3A : i32
    %add3A = arith.addi %mul3A_0, %arg0 : i32
    %iota3A = tpu.iota {dimensions = array<i32: 0>} : vector<16xi32>
    %mul3A_1 = arith.constant 10 : i32
    %mul3A_2 = vector.broadcast %mul3A_1 : i32 to vector<16xi32>
    %mul3A_3 = arith.muli %iota3A, %mul3A_2 : vector<16xi32>
    %mul3A_4 = arith.constant 21 : i32
    %mul3A_5 = vector.broadcast %mul3A_4 : i32 to vector<16xi32>
    %mul3A_6 = arith.muli %iota3A, %mul3A_5 : vector<16xi32>
    %mul3A_7 = arith.constant 32 : i32
    %mul3A_8 = arith.muli %add3A, %mul3A_7 : i32
    %mul3A_9 = arith.constant 2 : i32
    %mul3A_10 = arith.muli %mul3A_8, %mul3A_9 : i32
    "tpu.region"() ({
      %run_scoped3A = tpu.sem_alloc : memref<!tpu.dma_semaphore, #tpu.memory_space<semaphore_mem>>
      %dma_start3A_71 = arith.constant 0 : i32
      %dma_start3A_72 = tpu.memref_slice %arg2[%mul3A_10, %dma_start3A_71] : memref<2048x80xi32, #tpu.memory_space<hbm>> -> memref<64x80xi32, #tpu.memory_space<hbm>>
      %dma_start3A_73 = arith.constant 0 : i32
      %dma_start3A_74 = tpu.memref_slice %arg2[%mul3A_10, %dma_start3A_73] : memref<2048x80xi32, #tpu.memory_space<hbm>> -> memref<64x80xi32, #tpu.memory_space<hbm>>
      tpu.enqueue_dma source(%dma_start3A_74 : memref<64x80xi32, #tpu.memory_space<hbm>>) target(%arg7 : memref<64x80xi32, #tpu.memory_space<vmem>>) target_semaphore(%run_scoped3A : memref<!tpu.dma_semaphore, #tpu.memory_space<semaphore_mem>>)
      %dma_wait3A = arith.constant 0 : i32
      %dma_wait3A_75 = tpu.memref_slice %arg2[%mul3A_10, %dma_wait3A] : memref<2048x80xi32, #tpu.memory_space<hbm>> -> memref<64x80xi32, #tpu.memory_space<hbm>>
      %dma_wait3A_76 = arith.constant 0 : i32
      %dma_wait3A_77 = tpu.memref_slice %arg2[%mul3A_10, %dma_wait3A_76] : memref<2048x80xi32, #tpu.memory_space<hbm>> -> memref<64x80xi32, #tpu.memory_space<hbm>>
      tpu.wait_dma2 semaphore(%run_scoped3A : memref<!tpu.dma_semaphore, #tpu.memory_space<semaphore_mem>>) src(%dma_wait3A_77 : memref<64x80xi32, #tpu.memory_space<hbm>>) dst(%arg7 : memref<64x80xi32, #tpu.memory_space<vmem>>)
      tpu.yield
    }) : () -> ()
    %mul3A_11 = arith.constant 32 : i32
    %mul3A_12 = arith.muli %add3A, %mul3A_11 : i32
    %mul3A_13 = arith.constant 3 : i32
    %mul3A_14 = arith.muli %mul3A_12, %mul3A_13 : i32
    "tpu.region"() ({
      %run_scoped3A = tpu.sem_alloc : memref<!tpu.dma_semaphore, #tpu.memory_space<semaphore_mem>>
      %dma_start3A_71 = arith.constant 0 : i32
      %dma_start3A_72 = tpu.memref_slice %arg3[%mul3A_14, %dma_start3A_71] : memref<3072x112xi32, #tpu.memory_space<hbm>> -> memref<96x112xi32, #tpu.memory_space<hbm>>
      %dma_start3A_73 = arith.constant 0 : i32
      %dma_start3A_74 = tpu.memref_slice %arg3[%mul3A_14, %dma_start3A_73] : memref<3072x112xi32, #tpu.memory_space<hbm>> -> memref<96x112xi32, #tpu.memory_space<hbm>>
      tpu.enqueue_dma source(%dma_start3A_74 : memref<96x112xi32, #tpu.memory_space<hbm>>) target(%arg8 : memref<96x112xi32, #tpu.memory_space<vmem>>) target_semaphore(%run_scoped3A : memref<!tpu.dma_semaphore, #tpu.memory_space<semaphore_mem>>)
      %dma_wait3A = arith.constant 0 : i32
      %dma_wait3A_75 = tpu.memref_slice %arg3[%mul3A_14, %dma_wait3A] : memref<3072x112xi32, #tpu.memory_space<hbm>> -> memref<96x112xi32, #tpu.memory_space<hbm>>
      %dma_wait3A_76 = arith.constant 0 : i32
      %dma_wait3A_77 = tpu.memref_slice %arg3[%mul3A_14, %dma_wait3A_76] : memref<3072x112xi32, #tpu.memory_space<hbm>> -> memref<96x112xi32, #tpu.memory_space<hbm>>
      tpu.wait_dma2 semaphore(%run_scoped3A : memref<!tpu.dma_semaphore, #tpu.memory_space<semaphore_mem>>) src(%dma_wait3A_77 : memref<96x112xi32, #tpu.memory_space<hbm>>) dst(%arg8 : memref<96x112xi32, #tpu.memory_space<vmem>>)
      tpu.yield
    }) : () -> ()
    %dma_start3A = arith.constant 0 : i32
    %dma_start3A_15 = arith.constant 0 : i32
    %dma_start3A_16 = arith.constant 0 : i32
    %dma_start3A_17 = tpu.memref_slice %arg9[%dma_start3A_15, %dma_start3A_16] : memref<160x64xf32, #tpu.memory_space<vmem>> -> memref<80x64xf32, #tpu.memory_space<vmem>>
    %dma_start3A_18 = arith.constant 0 : i32
    %dma_start3A_19 = tpu.memref_slice %arg7[%dma_start3A, %dma_start3A_18] : memref<64x80xi32, #tpu.memory_space<vmem>> -> memref<1x80xi32, #tpu.memory_space<vmem>>
    %dma_start3A_20 = tpu.memref_squeeze %dma_start3A_19 : memref<1x80xi32, #tpu.memory_space<vmem>> -> memref<80xi32, #tpu.memory_space<vmem>>
    %dma_start3A_21 = arith.constant 0 : i32
    %dma_start3A_22 = arith.constant 0 : i32
    %dma_start3A_23 = tpu.memref_slice %arg4[%dma_start3A_21, %dma_start3A_22] : memref<1000000x64xf32, #tpu.memory_space<hbm>> -> memref<1000000x64xf32, #tpu.memory_space<hbm>>
    tpu.enqueue_indirect_dma source(%dma_start3A_23 : memref<1000000x64xf32, #tpu.memory_space<hbm>>) target(%dma_start3A_17 : memref<80x64xf32, #tpu.memory_space<vmem>>) offsets(%dma_start3A_20 : memref<80xi32, #tpu.memory_space<vmem>>) semaphore(%arg14 : memref<!tpu.dma_semaphore, #tpu.memory_space<semaphore_mem>>)
    %dma_start3A_24 = arith.constant 1 : i32
    %dma_start3A_25 = arith.constant 80 : i32
    %dma_start3A_26 = arith.constant 0 : i32
    %dma_start3A_27 = tpu.memref_slice %arg9[%dma_start3A_25, %dma_start3A_26] : memref<160x64xf32, #tpu.memory_space<vmem>> -> memref<80x64xf32, #tpu.memory_space<vmem>>
    %dma_start3A_28 = arith.constant 0 : i32
    %dma_start3A_29 = tpu.memref_slice %arg7[%dma_start3A_24, %dma_start3A_28] : memref<64x80xi32, #tpu.memory_space<vmem>> -> memref<1x80xi32, #tpu.memory_space<vmem>>
    %dma_start3A_30 = tpu.memref_squeeze %dma_start3A_29 : memref<1x80xi32, #tpu.memory_space<vmem>> -> memref<80xi32, #tpu.memory_space<vmem>>
    %dma_start3A_31 = arith.constant 0 : i32
    %dma_start3A_32 = arith.constant 0 : i32
    %dma_start3A_33 = tpu.memref_slice %arg4[%dma_start3A_31, %dma_start3A_32] : memref<1000000x64xf32, #tpu.memory_space<hbm>> -> memref<1000000x64xf32, #tpu.memory_space<hbm>>
    tpu.enqueue_indirect_dma source(%dma_start3A_33 : memref<1000000x64xf32, #tpu.memory_space<hbm>>) target(%dma_start3A_27 : memref<80x64xf32, #tpu.memory_space<vmem>>) offsets(%dma_start3A_30 : memref<80xi32, #tpu.memory_space<vmem>>) semaphore(%arg14 : memref<!tpu.dma_semaphore, #tpu.memory_space<semaphore_mem>>)
    %dma_start3A_34 = arith.constant 0 : i32
    %dma_start3A_35 = arith.constant 0 : i32
    %dma_start3A_36 = arith.constant 0 : i32
    %dma_start3A_37 = tpu.memref_slice %arg11[%dma_start3A_35, %dma_start3A_36] : memref<336x64xf32, #tpu.memory_space<vmem>> -> memref<112x64xf32, #tpu.memory_space<vmem>>
    %dma_start3A_38 = arith.constant 0 : i32
    %dma_start3A_39 = tpu.memref_slice %arg8[%dma_start3A_34, %dma_start3A_38] : memref<96x112xi32, #tpu.memory_space<vmem>> -> memref<1x112xi32, #tpu.memory_space<vmem>>
    %dma_start3A_40 = tpu.memref_squeeze %dma_start3A_39 : memref<1x112xi32, #tpu.memory_space<vmem>> -> memref<112xi32, #tpu.memory_space<vmem>>
    %dma_start3A_41 = arith.constant 0 : i32
    %dma_start3A_42 = arith.constant 0 : i32
    %dma_start3A_43 = tpu.memref_slice %arg5[%dma_start3A_41, %dma_start3A_42] : memref<1000000x64xf32, #tpu.memory_space<hbm>> -> memref<1000000x64xf32, #tpu.memory_space<hbm>>
    tpu.enqueue_indirect_dma source(%dma_start3A_43 : memref<1000000x64xf32, #tpu.memory_space<hbm>>) target(%dma_start3A_37 : memref<112x64xf32, #tpu.memory_space<vmem>>) offsets(%dma_start3A_40 : memref<112xi32, #tpu.memory_space<vmem>>) semaphore(%arg14 : memref<!tpu.dma_semaphore, #tpu.memory_space<semaphore_mem>>)
    %dma_start3A_44 = arith.constant 1 : i32
    %dma_start3A_45 = arith.constant 112 : i32
    %dma_start3A_46 = arith.constant 0 : i32
    %dma_start3A_47 = tpu.memref_slice %arg11[%dma_start3A_45, %dma_start3A_46] : memref<336x64xf32, #tpu.memory_space<vmem>> -> memref<112x64xf32, #tpu.memory_space<vmem>>
    %dma_start3A_48 = arith.constant 0 : i32
    %dma_start3A_49 = tpu.memref_slice %arg8[%dma_start3A_44, %dma_start3A_48] : memref<96x112xi32, #tpu.memory_space<vmem>> -> memref<1x112xi32, #tpu.memory_space<vmem>>
    %dma_start3A_50 = tpu.memref_squeeze %dma_start3A_49 : memref<1x112xi32, #tpu.memory_space<vmem>> -> memref<112xi32, #tpu.memory_space<vmem>>
    %dma_start3A_51 = arith.constant 0 : i32
    %dma_start3A_52 = arith.constant 0 : i32
    %dma_start3A_53 = tpu.memref_slice %arg5[%dma_start3A_51, %dma_start3A_52] : memref<1000000x64xf32, #tpu.memory_space<hbm>> -> memref<1000000x64xf32, #tpu.memory_space<hbm>>
    tpu.enqueue_indirect_dma source(%dma_start3A_53 : memref<1000000x64xf32, #tpu.memory_space<hbm>>) target(%dma_start3A_47 : memref<112x64xf32, #tpu.memory_space<vmem>>) offsets(%dma_start3A_50 : memref<112xi32, #tpu.memory_space<vmem>>) semaphore(%arg14 : memref<!tpu.dma_semaphore, #tpu.memory_space<semaphore_mem>>)
    %dma_start3A_54 = arith.constant 2 : i32
    %dma_start3A_55 = arith.constant 224 : i32
    %dma_start3A_56 = arith.constant 0 : i32
    %dma_start3A_57 = tpu.memref_slice %arg11[%dma_start3A_55, %dma_start3A_56] : memref<336x64xf32, #tpu.memory_space<vmem>> -> memref<112x64xf32, #tpu.memory_space<vmem>>
    %dma_start3A_58 = arith.constant 0 : i32
    %dma_start3A_59 = tpu.memref_slice %arg8[%dma_start3A_54, %dma_start3A_58] : memref<96x112xi32, #tpu.memory_space<vmem>> -> memref<1x112xi32, #tpu.memory_space<vmem>>
    %dma_start3A_60 = tpu.memref_squeeze %dma_start3A_59 : memref<1x112xi32, #tpu.memory_space<vmem>> -> memref<112xi32, #tpu.memory_space<vmem>>
    %dma_start3A_61 = arith.constant 0 : i32
    %dma_start3A_62 = arith.constant 0 : i32
    %dma_start3A_63 = tpu.memref_slice %arg5[%dma_start3A_61, %dma_start3A_62] : memref<1000000x64xf32, #tpu.memory_space<hbm>> -> memref<1000000x64xf32, #tpu.memory_space<hbm>>
    tpu.enqueue_indirect_dma source(%dma_start3A_63 : memref<1000000x64xf32, #tpu.memory_space<hbm>>) target(%dma_start3A_57 : memref<112x64xf32, #tpu.memory_space<vmem>>) offsets(%dma_start3A_60 : memref<112xi32, #tpu.memory_space<vmem>>) semaphore(%arg14 : memref<!tpu.dma_semaphore, #tpu.memory_space<semaphore_mem>>)
    %scan3A = arith.constant 0 : i32
    %scan3A_64 = arith.constant 0 : i32
    %scan3A_65 = arith.constant 16 : i32
    %scan3A_66 = arith.addi %scan3A_64, %scan3A_65 : i32
    %scan3A_67 = arith.constant 1 : i32
    scf.for %scan3A_71 = %scan3A_64 to %scan3A_66 step %scan3A_67  : i32 {
      %mul3A_72 = arith.constant 2 : i32
      %mul3A_73 = arith.muli %mul3A_72, %scan3A_71 : i32
      %add3A_74 = arith.constant 1 : i32
      %add3A_75 = arith.addi %mul3A_73, %add3A_74 : i32
      %mul3A_76 = arith.constant 2 : i32
      %mul3A_77 = arith.muli %add3A_75, %mul3A_76 : i32
      %add3A_78 = arith.constant 0 : i32
      %add3A_79 = arith.addi %mul3A_77, %add3A_78 : i32
      %dma_start3A_80 = arith.constant 0 : i32
      %dma_start3A_81 = arith.constant 0 : i32
      %dma_start3A_82 = tpu.memref_slice %arg10[%dma_start3A_80, %dma_start3A_81] : memref<160x64xf32, #tpu.memory_space<vmem>> -> memref<80x64xf32, #tpu.memory_space<vmem>>
      %dma_start3A_83 = arith.constant 0 : i32
      %dma_start3A_84 = tpu.memref_slice %arg7[%add3A_79, %dma_start3A_83] : memref<64x80xi32, #tpu.memory_space<vmem>> -> memref<1x80xi32, #tpu.memory_space<vmem>>
      %dma_start3A_85 = tpu.memref_squeeze %dma_start3A_84 : memref<1x80xi32, #tpu.memory_space<vmem>> -> memref<80xi32, #tpu.memory_space<vmem>>
      %dma_start3A_86 = arith.constant 0 : i32
      %dma_start3A_87 = arith.constant 0 : i32
      %dma_start3A_88 = tpu.memref_slice %arg4[%dma_start3A_86, %dma_start3A_87] : memref<1000000x64xf32, #tpu.memory_space<hbm>> -> memref<1000000x64xf32, #tpu.memory_space<hbm>>
      tpu.enqueue_indirect_dma source(%dma_start3A_88 : memref<1000000x64xf32, #tpu.memory_space<hbm>>) target(%dma_start3A_82 : memref<80x64xf32, #tpu.memory_space<vmem>>) offsets(%dma_start3A_85 : memref<80xi32, #tpu.memory_space<vmem>>) semaphore(%arg15 : memref<!tpu.dma_semaphore, #tpu.memory_space<semaphore_mem>>)
      %mul3A_89 = arith.constant 2 : i32
      %mul3A_90 = arith.muli %add3A_75, %mul3A_89 : i32
      %add3A_91 = arith.constant 1 : i32
      %add3A_92 = arith.addi %mul3A_90, %add3A_91 : i32
      %dma_start3A_93 = arith.constant 80 : i32
      %dma_start3A_94 = arith.constant 0 : i32
      %dma_start3A_95 = tpu.memref_slice %arg10[%dma_start3A_93, %dma_start3A_94] : memref<160x64xf32, #tpu.memory_space<vmem>> -> memref<80x64xf32, #tpu.memory_space<vmem>>
      %dma_start3A_96 = arith.constant 0 : i32
      %dma_start3A_97 = tpu.memref_slice %arg7[%add3A_92, %dma_start3A_96] : memref<64x80xi32, #tpu.memory_space<vmem>> -> memref<1x80xi32, #tpu.memory_space<vmem>>
      %dma_start3A_98 = tpu.memref_squeeze %dma_start3A_97 : memref<1x80xi32, #tpu.memory_space<vmem>> -> memref<80xi32, #tpu.memory_space<vmem>>
      %dma_start3A_99 = arith.constant 0 : i32
      %dma_start3A_100 = arith.constant 0 : i32
      %dma_start3A_101 = tpu.memref_slice %arg4[%dma_start3A_99, %dma_start3A_100] : memref<1000000x64xf32, #tpu.memory_space<hbm>> -> memref<1000000x64xf32, #tpu.memory_space<hbm>>
      tpu.enqueue_indirect_dma source(%dma_start3A_101 : memref<1000000x64xf32, #tpu.memory_space<hbm>>) target(%dma_start3A_95 : memref<80x64xf32, #tpu.memory_space<vmem>>) offsets(%dma_start3A_98 : memref<80xi32, #tpu.memory_space<vmem>>) semaphore(%arg15 : memref<!tpu.dma_semaphore, #tpu.memory_space<semaphore_mem>>)
      %mul3A_102 = arith.constant 3 : i32
      %mul3A_103 = arith.muli %add3A_75, %mul3A_102 : i32
      %add3A_104 = arith.constant 0 : i32
      %add3A_105 = arith.addi %mul3A_103, %add3A_104 : i32
      %dma_start3A_106 = arith.constant 0 : i32
      %dma_start3A_107 = arith.constant 0 : i32
      %dma_start3A_108 = tpu.memref_slice %arg12[%dma_start3A_106, %dma_start3A_107] : memref<336x64xf32, #tpu.memory_space<vmem>> -> memref<112x64xf32, #tpu.memory_space<vmem>>
      %dma_start3A_109 = arith.constant 0 : i32
      %dma_start3A_110 = tpu.memref_slice %arg8[%add3A_105, %dma_start3A_109] : memref<96x112xi32, #tpu.memory_space<vmem>> -> memref<1x112xi32, #tpu.memory_space<vmem>>
      %dma_start3A_111 = tpu.memref_squeeze %dma_start3A_110 : memref<1x112xi32, #tpu.memory_space<vmem>> -> memref<112xi32, #tpu.memory_space<vmem>>
      %dma_start3A_112 = arith.constant 0 : i32
      %dma_start3A_113 = arith.constant 0 : i32
      %dma_start3A_114 = tpu.memref_slice %arg5[%dma_start3A_112, %dma_start3A_113] : memref<1000000x64xf32, #tpu.memory_space<hbm>> -> memref<1000000x64xf32, #tpu.memory_space<hbm>>
      tpu.enqueue_indirect_dma source(%dma_start3A_114 : memref<1000000x64xf32, #tpu.memory_space<hbm>>) target(%dma_start3A_108 : memref<112x64xf32, #tpu.memory_space<vmem>>) offsets(%dma_start3A_111 : memref<112xi32, #tpu.memory_space<vmem>>) semaphore(%arg15 : memref<!tpu.dma_semaphore, #tpu.memory_space<semaphore_mem>>)
      %mul3A_115 = arith.constant 3 : i32
      %mul3A_116 = arith.muli %add3A_75, %mul3A_115 : i32
      %add3A_117 = arith.constant 1 : i32
      %add3A_118 = arith.addi %mul3A_116, %add3A_117 : i32
      %dma_start3A_119 = arith.constant 112 : i32
      %dma_start3A_120 = arith.constant 0 : i32
      %dma_start3A_121 = tpu.memref_slice %arg12[%dma_start3A_119, %dma_start3A_120] : memref<336x64xf32, #tpu.memory_space<vmem>> -> memref<112x64xf32, #tpu.memory_space<vmem>>
      %dma_start3A_122 = arith.constant 0 : i32
      %dma_start3A_123 = tpu.memref_slice %arg8[%add3A_118, %dma_start3A_122] : memref<96x112xi32, #tpu.memory_space<vmem>> -> memref<1x112xi32, #tpu.memory_space<vmem>>
      %dma_start3A_124 = tpu.memref_squeeze %dma_start3A_123 : memref<1x112xi32, #tpu.memory_space<vmem>> -> memref<112xi32, #tpu.memory_space<vmem>>
      %dma_start3A_125 = arith.constant 0 : i32
      %dma_start3A_126 = arith.constant 0 : i32
      %dma_start3A_127 = tpu.memref_slice %arg5[%dma_start3A_125, %dma_start3A_126] : memref<1000000x64xf32, #tpu.memory_space<hbm>> -> memref<1000000x64xf32, #tpu.memory_space<hbm>>
      tpu.enqueue_indirect_dma source(%dma_start3A_127 : memref<1000000x64xf32, #tpu.memory_space<hbm>>) target(%dma_start3A_121 : memref<112x64xf32, #tpu.memory_space<vmem>>) offsets(%dma_start3A_124 : memref<112xi32, #tpu.memory_space<vmem>>) semaphore(%arg15 : memref<!tpu.dma_semaphore, #tpu.memory_space<semaphore_mem>>)
      %mul3A_128 = arith.constant 3 : i32
      %mul3A_129 = arith.muli %add3A_75, %mul3A_128 : i32
      %add3A_130 = arith.constant 2 : i32
      %add3A_131 = arith.addi %mul3A_129, %add3A_130 : i32
      %dma_start3A_132 = arith.constant 224 : i32
      %dma_start3A_133 = arith.constant 0 : i32
      %dma_start3A_134 = tpu.memref_slice %arg12[%dma_start3A_132, %dma_start3A_133] : memref<336x64xf32, #tpu.memory_space<vmem>> -> memref<112x64xf32, #tpu.memory_space<vmem>>
      %dma_start3A_135 = arith.constant 0 : i32
      %dma_start3A_136 = tpu.memref_slice %arg8[%add3A_131, %dma_start3A_135] : memref<96x112xi32, #tpu.memory_space<vmem>> -> memref<1x112xi32, #tpu.memory_space<vmem>>
      %dma_start3A_137 = tpu.memref_squeeze %dma_start3A_136 : memref<1x112xi32, #tpu.memory_space<vmem>> -> memref<112xi32, #tpu.memory_space<vmem>>
      %dma_start3A_138 = arith.constant 0 : i32
      %dma_start3A_139 = arith.constant 0 : i32
      %dma_start3A_140 = tpu.memref_slice %arg5[%dma_start3A_138, %dma_start3A_139] : memref<1000000x64xf32, #tpu.memory_space<hbm>> -> memref<1000000x64xf32, #tpu.memory_space<hbm>>
      tpu.enqueue_indirect_dma source(%dma_start3A_140 : memref<1000000x64xf32, #tpu.memory_space<hbm>>) target(%dma_start3A_134 : memref<112x64xf32, #tpu.memory_space<vmem>>) offsets(%dma_start3A_137 : memref<112xi32, #tpu.memory_space<vmem>>) semaphore(%arg15 : memref<!tpu.dma_semaphore, #tpu.memory_space<semaphore_mem>>)
      %mul3A_141 = arith.constant 2 : i32
      %mul3A_142 = arith.muli %mul3A_73, %mul3A_141 : i32
      %add3A_143 = arith.constant 0 : i32
      %add3A_144 = arith.addi %mul3A_142, %add3A_143 : i32
      %dma_wait3A = arith.constant 0 : i32
      %dma_wait3A_145 = arith.constant 0 : i32
      %dma_wait3A_146 = tpu.memref_slice %arg9[%dma_wait3A, %dma_wait3A_145] : memref<160x64xf32, #tpu.memory_space<vmem>> -> memref<80x64xf32, #tpu.memory_space<vmem>>
      %dma_wait3A_147 = arith.constant 0 : i32
      %dma_wait3A_148 = tpu.memref_slice %arg7[%add3A_144, %dma_wait3A_147] : memref<64x80xi32, #tpu.memory_space<vmem>> -> memref<1x80xi32, #tpu.memory_space<vmem>>
      %dma_wait3A_149 = tpu.memref_squeeze %dma_wait3A_148 : memref<1x80xi32, #tpu.memory_space<vmem>> -> memref<80xi32, #tpu.memory_space<vmem>>
      %dma_wait3A_150 = arith.constant 0 : i32
      %dma_wait3A_151 = arith.constant 0 : i32
      %dma_wait3A_152 = tpu.memref_slice %arg4[%dma_wait3A_150, %dma_wait3A_151] : memref<1000000x64xf32, #tpu.memory_space<hbm>> -> memref<1000000x64xf32, #tpu.memory_space<hbm>>
      tpu.wait_indirect_dma semaphore(%arg14 : memref<!tpu.dma_semaphore, #tpu.memory_space<semaphore_mem>>) src(%dma_wait3A_152 : memref<1000000x64xf32, #tpu.memory_space<hbm>>) dst(%dma_wait3A_146 : memref<80x64xf32, #tpu.memory_space<vmem>>)
      %mul3A_153 = arith.constant 2 : i32
      %mul3A_154 = arith.muli %mul3A_73, %mul3A_153 : i32
      %add3A_155 = arith.constant 1 : i32
      %add3A_156 = arith.addi %mul3A_154, %add3A_155 : i32
      %dma_wait3A_157 = arith.constant 80 : i32
      %dma_wait3A_158 = arith.constant 0 : i32
      %dma_wait3A_159 = tpu.memref_slice %arg9[%dma_wait3A_157, %dma_wait3A_158] : memref<160x64xf32, #tpu.memory_space<vmem>> -> memref<80x64xf32, #tpu.memory_space<vmem>>
      %dma_wait3A_160 = arith.constant 0 : i32
      %dma_wait3A_161 = tpu.memref_slice %arg7[%add3A_156, %dma_wait3A_160] : memref<64x80xi32, #tpu.memory_space<vmem>> -> memref<1x80xi32, #tpu.memory_space<vmem>>
      %dma_wait3A_162 = tpu.memref_squeeze %dma_wait3A_161 : memref<1x80xi32, #tpu.memory_space<vmem>> -> memref<80xi32, #tpu.memory_space<vmem>>
      %dma_wait3A_163 = arith.constant 0 : i32
      %dma_wait3A_164 = arith.constant 0 : i32
      %dma_wait3A_165 = tpu.memref_slice %arg4[%dma_wait3A_163, %dma_wait3A_164] : memref<1000000x64xf32, #tpu.memory_space<hbm>> -> memref<1000000x64xf32, #tpu.memory_space<hbm>>
      tpu.wait_indirect_dma semaphore(%arg14 : memref<!tpu.dma_semaphore, #tpu.memory_space<semaphore_mem>>) src(%dma_wait3A_165 : memref<1000000x64xf32, #tpu.memory_space<hbm>>) dst(%dma_wait3A_159 : memref<80x64xf32, #tpu.memory_space<vmem>>)
      %mul3A_166 = arith.constant 3 : i32
      %mul3A_167 = arith.muli %mul3A_73, %mul3A_166 : i32
      %add3A_168 = arith.constant 0 : i32
      %add3A_169 = arith.addi %mul3A_167, %add3A_168 : i32
      %dma_wait3A_170 = arith.constant 0 : i32
      %dma_wait3A_171 = arith.constant 0 : i32
      %dma_wait3A_172 = tpu.memref_slice %arg11[%dma_wait3A_170, %dma_wait3A_171] : memref<336x64xf32, #tpu.memory_space<vmem>> -> memref<112x64xf32, #tpu.memory_space<vmem>>
      %dma_wait3A_173 = arith.constant 0 : i32
      %dma_wait3A_174 = tpu.memref_slice %arg8[%add3A_169, %dma_wait3A_173] : memref<96x112xi32, #tpu.memory_space<vmem>> -> memref<1x112xi32, #tpu.memory_space<vmem>>
      %dma_wait3A_175 = tpu.memref_squeeze %dma_wait3A_174 : memref<1x112xi32, #tpu.memory_space<vmem>> -> memref<112xi32, #tpu.memory_space<vmem>>
      %dma_wait3A_176 = arith.constant 0 : i32
      %dma_wait3A_177 = arith.constant 0 : i32
      %dma_wait3A_178 = tpu.memref_slice %arg5[%dma_wait3A_176, %dma_wait3A_177] : memref<1000000x64xf32, #tpu.memory_space<hbm>> -> memref<1000000x64xf32, #tpu.memory_space<hbm>>
      tpu.wait_indirect_dma semaphore(%arg14 : memref<!tpu.dma_semaphore, #tpu.memory_space<semaphore_mem>>) src(%dma_wait3A_178 : memref<1000000x64xf32, #tpu.memory_space<hbm>>) dst(%dma_wait3A_172 : memref<112x64xf32, #tpu.memory_space<vmem>>)
      %mul3A_179 = arith.constant 3 : i32
      %mul3A_180 = arith.muli %mul3A_73, %mul3A_179 : i32
      %add3A_181 = arith.constant 1 : i32
      %add3A_182 = arith.addi %mul3A_180, %add3A_181 : i32
      %dma_wait3A_183 = arith.constant 112 : i32
      %dma_wait3A_184 = arith.constant 0 : i32
      %dma_wait3A_185 = tpu.memref_slice %arg11[%dma_wait3A_183, %dma_wait3A_184] : memref<336x64xf32, #tpu.memory_space<vmem>> -> memref<112x64xf32, #tpu.memory_space<vmem>>
      %dma_wait3A_186 = arith.constant 0 : i32
      %dma_wait3A_187 = tpu.memref_slice %arg8[%add3A_182, %dma_wait3A_186] : memref<96x112xi32, #tpu.memory_space<vmem>> -> memref<1x112xi32, #tpu.memory_space<vmem>>
      %dma_wait3A_188 = tpu.memref_squeeze %dma_wait3A_187 : memref<1x112xi32, #tpu.memory_space<vmem>> -> memref<112xi32, #tpu.memory_space<vmem>>
      %dma_wait3A_189 = arith.constant 0 : i32
      %dma_wait3A_190 = arith.constant 0 : i32
      %dma_wait3A_191 = tpu.memref_slice %arg5[%dma_wait3A_189, %dma_wait3A_190] : memref<1000000x64xf32, #tpu.memory_space<hbm>> -> memref<1000000x64xf32, #tpu.memory_space<hbm>>
      tpu.wait_indirect_dma semaphore(%arg14 : memref<!tpu.dma_semaphore, #tpu.memory_space<semaphore_mem>>) src(%dma_wait3A_191 : memref<1000000x64xf32, #tpu.memory_space<hbm>>) dst(%dma_wait3A_185 : memref<112x64xf32, #tpu.memory_space<vmem>>)
      %mul3A_192 = arith.constant 3 : i32
      %mul3A_193 = arith.muli %mul3A_73, %mul3A_192 : i32
      %add3A_194 = arith.constant 2 : i32
      %add3A_195 = arith.addi %mul3A_193, %add3A_194 : i32
      %dma_wait3A_196 = arith.constant 224 : i32
      %dma_wait3A_197 = arith.constant 0 : i32
      %dma_wait3A_198 = tpu.memref_slice %arg11[%dma_wait3A_196, %dma_wait3A_197] : memref<336x64xf32, #tpu.memory_space<vmem>> -> memref<112x64xf32, #tpu.memory_space<vmem>>
      %dma_wait3A_199 = arith.constant 0 : i32
      %dma_wait3A_200 = tpu.memref_slice %arg8[%add3A_195, %dma_wait3A_199] : memref<96x112xi32, #tpu.memory_space<vmem>> -> memref<1x112xi32, #tpu.memory_space<vmem>>
      %dma_wait3A_201 = tpu.memref_squeeze %dma_wait3A_200 : memref<1x112xi32, #tpu.memory_space<vmem>> -> memref<112xi32, #tpu.memory_space<vmem>>
      %dma_wait3A_202 = arith.constant 0 : i32
      %dma_wait3A_203 = arith.constant 0 : i32
      %dma_wait3A_204 = tpu.memref_slice %arg5[%dma_wait3A_202, %dma_wait3A_203] : memref<1000000x64xf32, #tpu.memory_space<hbm>> -> memref<1000000x64xf32, #tpu.memory_space<hbm>>
      tpu.wait_indirect_dma semaphore(%arg14 : memref<!tpu.dma_semaphore, #tpu.memory_space<semaphore_mem>>) src(%dma_wait3A_204 : memref<1000000x64xf32, #tpu.memory_space<hbm>>) dst(%dma_wait3A_198 : memref<112x64xf32, #tpu.memory_space<vmem>>)
      %broadcast_in_dim3A = arith.constant 0.000000e+00 : f32
      %broadcast_in_dim3A_205 = vector.broadcast %broadcast_in_dim3A : f32 to vector<16xf32>
      %broadcast_in_dim3A_206 = arith.constant 0.000000e+00 : f32
      %broadcast_in_dim3A_207 = vector.broadcast %broadcast_in_dim3A_206 : f32 to vector<16xf32>
      %broadcast_in_dim3A_208 = arith.constant 0.000000e+00 : f32
      %broadcast_in_dim3A_209 = vector.broadcast %broadcast_in_dim3A_208 : f32 to vector<16xf32>
      %broadcast_in_dim3A_210 = arith.constant 0.000000e+00 : f32
      %broadcast_in_dim3A_211 = vector.broadcast %broadcast_in_dim3A_210 : f32 to vector<16xf32>
      %broadcast_in_dim3A_212 = arith.constant 0.000000e+00 : f32
      %broadcast_in_dim3A_213 = vector.broadcast %broadcast_in_dim3A_212 : f32 to vector<16xf32>
      %broadcast_in_dim3A_214 = arith.constant 0.000000e+00 : f32
      %broadcast_in_dim3A_215 = vector.broadcast %broadcast_in_dim3A_214 : f32 to vector<16xf32>
      %broadcast_in_dim3A_216 = arith.constant 0.000000e+00 : f32
      %broadcast_in_dim3A_217 = vector.broadcast %broadcast_in_dim3A_216 : f32 to vector<16xf32>
      %broadcast_in_dim3A_218 = arith.constant 0.000000e+00 : f32
      %broadcast_in_dim3A_219 = vector.broadcast %broadcast_in_dim3A_218 : f32 to vector<16xf32>
      %broadcast_in_dim3A_220 = arith.constant 0.000000e+00 : f32
      %broadcast_in_dim3A_221 = vector.broadcast %broadcast_in_dim3A_220 : f32 to vector<16xf32>
      %broadcast_in_dim3A_222 = arith.constant 0.000000e+00 : f32
      %broadcast_in_dim3A_223 = vector.broadcast %broadcast_in_dim3A_222 : f32 to vector<16xf32>
      %broadcast_in_dim3A_224 = arith.constant 0.000000e+00 : f32
      %broadcast_in_dim3A_225 = vector.broadcast %broadcast_in_dim3A_224 : f32 to vector<16xf32>
      %broadcast_in_dim3A_226 = arith.constant 0.000000e+00 : f32
      %broadcast_in_dim3A_227 = vector.broadcast %broadcast_in_dim3A_226 : f32 to vector<16xf32>
      %broadcast_in_dim3A_228 = arith.constant 0.000000e+00 : f32
      %broadcast_in_dim3A_229 = vector.broadcast %broadcast_in_dim3A_228 : f32 to vector<16xf32>
      %broadcast_in_dim3A_230 = arith.constant 0.000000e+00 : f32
      %broadcast_in_dim3A_231 = vector.broadcast %broadcast_in_dim3A_230 : f32 to vector<16xf32>
      %broadcast_in_dim3A_232 = arith.constant 0.000000e+00 : f32
      %broadcast_in_dim3A_233 = vector.broadcast %broadcast_in_dim3A_232 : f32 to vector<16xf32>
      %broadcast_in_dim3A_234 = arith.constant 0.000000e+00 : f32
      %broadcast_in_dim3A_235 = vector.broadcast %broadcast_in_dim3A_234 : f32 to vector<16xf32>
      %broadcast_in_dim3A_236 = arith.constant 0.000000e+00 : f32
      %broadcast_in_dim3A_237 = vector.broadcast %broadcast_in_dim3A_236 : f32 to vector<16xf32>
      %broadcast_in_dim3A_238 = arith.constant 0.000000e+00 : f32
      %broadcast_in_dim3A_239 = vector.broadcast %broadcast_in_dim3A_238 : f32 to vector<16xf32>
      %broadcast_in_dim3A_240 = arith.constant 0.000000e+00 : f32
      %broadcast_in_dim3A_241 = vector.broadcast %broadcast_in_dim3A_240 : f32 to vector<16xf32>
      %broadcast_in_dim3A_242 = arith.constant 0.000000e+00 : f32
      %broadcast_in_dim3A_243 = vector.broadcast %broadcast_in_dim3A_242 : f32 to vector<16xf32>
      %broadcast_in_dim3A_244 = arith.constant 0.000000e+00 : f32
      %broadcast_in_dim3A_245 = vector.broadcast %broadcast_in_dim3A_244 : f32 to vector<16xf32>
      %parallel_loop3A = arith.constant 0 : i32
      %parallel_loop3A_246 = arith.constant 64 : i32
      %parallel_loop3A_247 = arith.constant 1 : i32
      %parallel_loop3A_248:21 = scf.for %parallel_loop3A_743 = %parallel_loop3A to %parallel_loop3A_246 step %parallel_loop3A_247 iter_args(%parallel_loop3A_744 = %broadcast_in_dim3A_205, %parallel_loop3A_745 = %broadcast_in_dim3A_207, %parallel_loop3A_746 = %broadcast_in_dim3A_209, %parallel_loop3A_747 = %broadcast_in_dim3A_211, %parallel_loop3A_748 = %broadcast_in_dim3A_213, %parallel_loop3A_749 = %broadcast_in_dim3A_215, %parallel_loop3A_750 = %broadcast_in_dim3A_217, %parallel_loop3A_751 = %broadcast_in_dim3A_219, %parallel_loop3A_752 = %broadcast_in_dim3A_221, %parallel_loop3A_753 = %broadcast_in_dim3A_223, %parallel_loop3A_754 = %broadcast_in_dim3A_225, %parallel_loop3A_755 = %broadcast_in_dim3A_227, %parallel_loop3A_756 = %broadcast_in_dim3A_229, %parallel_loop3A_757 = %broadcast_in_dim3A_231, %parallel_loop3A_758 = %broadcast_in_dim3A_233, %parallel_loop3A_759 = %broadcast_in_dim3A_235, %parallel_loop3A_760 = %broadcast_in_dim3A_237, %parallel_loop3A_761 = %broadcast_in_dim3A_239, %parallel_loop3A_762 = %broadcast_in_dim3A_241, %parallel_loop3A_763 = %broadcast_in_dim3A_243, %parallel_loop3A_764 = %broadcast_in_dim3A_245) -> (vector<16xf32>, vector<16xf32>, vector<16xf32>, vector<16xf32>, vector<16xf32>, vector<16xf32>, vector<16xf32>, vector<16xf32>, vector<16xf32>, vector<16xf32>, vector<16xf32>, vector<16xf32>, vector<16xf32>, vector<16xf32>, vector<16xf32>, vector<16xf32>, vector<16xf32>, vector<16xf32>, vector<16xf32>, vector<16xf32>, vector<16xf32>)  : i32 {
        %parallel_loop3A_765 = vector.broadcast %parallel_loop3A_743 : i32 to vector<16xi32>
        %parallel_loop3A_766 = arith.addi %iota3A, %parallel_loop3A_765 : vector<16xi32>
        %parallel_loop3A_767 = arith.constant 63 : i32
        %parallel_loop3A_768 = vector.broadcast %parallel_loop3A_767 : i32 to vector<16xi32>
        %parallel_loop3A_769 = arith.andi %parallel_loop3A_766, %parallel_loop3A_768 : vector<16xi32>
        %parallel_loop3A_770 = tpu.vector_load_idx %arg9[%mul3A_3, %parallel_loop3A_769] : memref<160x64xf32, #tpu.memory_space<vmem>>[vector<16xi32>, vector<16xi32>], vector<16xf32>,
        %parallel_loop3A_771 = arith.constant 1 : i32
        %parallel_loop3A_772 = vector.broadcast %parallel_loop3A_771 : i32 to vector<16xi32>
        %parallel_loop3A_773 = arith.addi %mul3A_3, %parallel_loop3A_772 : vector<16xi32>
        %parallel_loop3A_774 = tpu.vector_load_idx %arg9[%parallel_loop3A_773, %parallel_loop3A_769] : memref<160x64xf32, #tpu.memory_space<vmem>>[vector<16xi32>, vector<16xi32>], vector<16xf32>,
        %parallel_loop3A_775 = arith.addf %parallel_loop3A_770, %parallel_loop3A_774 : vector<16xf32>
        %parallel_loop3A_776 = arith.constant 2 : i32
        %parallel_loop3A_777 = vector.broadcast %parallel_loop3A_776 : i32 to vector<16xi32>
        %parallel_loop3A_778 = arith.addi %mul3A_3, %parallel_loop3A_777 : vector<16xi32>
        %parallel_loop3A_779 = tpu.vector_load_idx %arg9[%parallel_loop3A_778, %parallel_loop3A_769] : memref<160x64xf32, #tpu.memory_space<vmem>>[vector<16xi32>, vector<16xi32>], vector<16xf32>,
        %parallel_loop3A_780 = arith.addf %parallel_loop3A_775, %parallel_loop3A_779 : vector<16xf32>
        %parallel_loop3A_781 = arith.constant 3 : i32
        %parallel_loop3A_782 = vector.broadcast %parallel_loop3A_781 : i32 to vector<16xi32>
        %parallel_loop3A_783 = arith.addi %mul3A_3, %parallel_loop3A_782 : vector<16xi32>
        %parallel_loop3A_784 = tpu.vector_load_idx %arg9[%parallel_loop3A_783, %parallel_loop3A_769] : memref<160x64xf32, #tpu.memory_space<vmem>>[vector<16xi32>, vector<16xi32>], vector<16xf32>,
        %parallel_loop3A_785 = arith.addf %parallel_loop3A_780, %parallel_loop3A_784 : vector<16xf32>
        %parallel_loop3A_786 = arith.constant 4 : i32
        %parallel_loop3A_787 = vector.broadcast %parallel_loop3A_786 : i32 to vector<16xi32>
        %parallel_loop3A_788 = arith.addi %mul3A_3, %parallel_loop3A_787 : vector<16xi32>
        %parallel_loop3A_789 = tpu.vector_load_idx %arg9[%parallel_loop3A_788, %parallel_loop3A_769] : memref<160x64xf32, #tpu.memory_space<vmem>>[vector<16xi32>, vector<16xi32>], vector<16xf32>,
        %parallel_loop3A_790 = arith.addf %parallel_loop3A_785, %parallel_loop3A_789 : vector<16xf32>
        %parallel_loop3A_791 = arith.constant 5 : i32
        %parallel_loop3A_792 = vector.broadcast %parallel_loop3A_791 : i32 to vector<16xi32>
        %parallel_loop3A_793 = arith.addi %mul3A_3, %parallel_loop3A_792 : vector<16xi32>
        %parallel_loop3A_794 = tpu.vector_load_idx %arg9[%parallel_loop3A_793, %parallel_loop3A_769] : memref<160x64xf32, #tpu.memory_space<vmem>>[vector<16xi32>, vector<16xi32>], vector<16xf32>,
        %parallel_loop3A_795 = arith.addf %parallel_loop3A_790, %parallel_loop3A_794 : vector<16xf32>
        %parallel_loop3A_796 = arith.constant 6 : i32
        %parallel_loop3A_797 = vector.broadcast %parallel_loop3A_796 : i32 to vector<16xi32>
        %parallel_loop3A_798 = arith.addi %mul3A_3, %parallel_loop3A_797 : vector<16xi32>
        %parallel_loop3A_799 = tpu.vector_load_idx %arg9[%parallel_loop3A_798, %parallel_loop3A_769] : memref<160x64xf32, #tpu.memory_space<vmem>>[vector<16xi32>, vector<16xi32>], vector<16xf32>,
        %parallel_loop3A_800 = arith.addf %parallel_loop3A_795, %parallel_loop3A_799 : vector<16xf32>
        %parallel_loop3A_801 = arith.constant 7 : i32
        %parallel_loop3A_802 = vector.broadcast %parallel_loop3A_801 : i32 to vector<16xi32>
        %parallel_loop3A_803 = arith.addi %mul3A_3, %parallel_loop3A_802 : vector<16xi32>
        %parallel_loop3A_804 = tpu.vector_load_idx %arg9[%parallel_loop3A_803, %parallel_loop3A_769] : memref<160x64xf32, #tpu.memory_space<vmem>>[vector<16xi32>, vector<16xi32>], vector<16xf32>,
        %parallel_loop3A_805 = arith.addf %parallel_loop3A_800, %parallel_loop3A_804 : vector<16xf32>
        %parallel_loop3A_806 = arith.constant 8 : i32
        %parallel_loop3A_807 = vector.broadcast %parallel_loop3A_806 : i32 to vector<16xi32>
        %parallel_loop3A_808 = arith.addi %mul3A_3, %parallel_loop3A_807 : vector<16xi32>
        %parallel_loop3A_809 = tpu.vector_load_idx %arg9[%parallel_loop3A_808, %parallel_loop3A_769] : memref<160x64xf32, #tpu.memory_space<vmem>>[vector<16xi32>, vector<16xi32>], vector<16xf32>,
        %parallel_loop3A_810 = arith.addf %parallel_loop3A_805, %parallel_loop3A_809 : vector<16xf32>
        %parallel_loop3A_811 = arith.constant 9 : i32
        %parallel_loop3A_812 = vector.broadcast %parallel_loop3A_811 : i32 to vector<16xi32>
        %parallel_loop3A_813 = arith.addi %mul3A_3, %parallel_loop3A_812 : vector<16xi32>
        %parallel_loop3A_814 = tpu.vector_load_idx %arg9[%parallel_loop3A_813, %parallel_loop3A_769] : memref<160x64xf32, #tpu.memory_space<vmem>>[vector<16xi32>, vector<16xi32>], vector<16xf32>,
        %parallel_loop3A_815 = arith.addf %parallel_loop3A_810, %parallel_loop3A_814 : vector<16xf32>
        %parallel_loop3A_816 = arith.constant 0 : i32
        %parallel_loop3A_817 = vector.broadcast %parallel_loop3A_816 : i32 to vector<16xi32>
        %parallel_loop3A_818 = arith.addi %mul3A_6, %parallel_loop3A_817 : vector<16xi32>
        %parallel_loop3A_819 = tpu.vector_load_idx %arg11[%parallel_loop3A_818, %parallel_loop3A_769] : memref<336x64xf32, #tpu.memory_space<vmem>>[vector<16xi32>, vector<16xi32>], vector<16xf32>,
        %parallel_loop3A_820 = arith.mulf %parallel_loop3A_815, %parallel_loop3A_819 : vector<16xf32>
        %parallel_loop3A_821 = arith.addf %parallel_loop3A_744, %parallel_loop3A_820 : vector<16xf32>
        %parallel_loop3A_822 = arith.constant 1 : i32
        %parallel_loop3A_823 = vector.broadcast %parallel_loop3A_822 : i32 to vector<16xi32>
        %parallel_loop3A_824 = arith.addi %mul3A_6, %parallel_loop3A_823 : vector<16xi32>
        %parallel_loop3A_825 = tpu.vector_load_idx %arg11[%parallel_loop3A_824, %parallel_loop3A_769] : memref<336x64xf32, #tpu.memory_space<vmem>>[vector<16xi32>, vector<16xi32>], vector<16xf32>,
        %parallel_loop3A_826 = arith.mulf %parallel_loop3A_815, %parallel_loop3A_825 : vector<16xf32>
        %parallel_loop3A_827 = arith.addf %parallel_loop3A_745, %parallel_loop3A_826 : vector<16xf32>
        %parallel_loop3A_828 = arith.constant 2 : i32
        %parallel_loop3A_829 = vector.broadcast %parallel_loop3A_828 : i32 to vector<16xi32>
        %parallel_loop3A_830 = arith.addi %mul3A_6, %parallel_loop3A_829 : vector<16xi32>
        %parallel_loop3A_831 = tpu.vector_load_idx %arg11[%parallel_loop3A_830, %parallel_loop3A_769] : memref<336x64xf32, #tpu.memory_space<vmem>>[vector<16xi32>, vector<16xi32>], vector<16xf32>,
        %parallel_loop3A_832 = arith.mulf %parallel_loop3A_815, %parallel_loop3A_831 : vector<16xf32>
        %parallel_loop3A_833 = arith.addf %parallel_loop3A_746, %parallel_loop3A_832 : vector<16xf32>
        %parallel_loop3A_834 = arith.constant 3 : i32
        %parallel_loop3A_835 = vector.broadcast %parallel_loop3A_834 : i32 to vector<16xi32>
        %parallel_loop3A_836 = arith.addi %mul3A_6, %parallel_loop3A_835 : vector<16xi32>
        %parallel_loop3A_837 = tpu.vector_load_idx %arg11[%parallel_loop3A_836, %parallel_loop3A_769] : memref<336x64xf32, #tpu.memory_space<vmem>>[vector<16xi32>, vector<16xi32>], vector<16xf32>,
        %parallel_loop3A_838 = arith.mulf %parallel_loop3A_815, %parallel_loop3A_837 : vector<16xf32>
        %parallel_loop3A_839 = arith.addf %parallel_loop3A_747, %parallel_loop3A_838 : vector<16xf32>
        %parallel_loop3A_840 = arith.constant 4 : i32
        %parallel_loop3A_841 = vector.broadcast %parallel_loop3A_840 : i32 to vector<16xi32>
        %parallel_loop3A_842 = arith.addi %mul3A_6, %parallel_loop3A_841 : vector<16xi32>
        %parallel_loop3A_843 = tpu.vector_load_idx %arg11[%parallel_loop3A_842, %parallel_loop3A_769] : memref<336x64xf32, #tpu.memory_space<vmem>>[vector<16xi32>, vector<16xi32>], vector<16xf32>,
        %parallel_loop3A_844 = arith.mulf %parallel_loop3A_815, %parallel_loop3A_843 : vector<16xf32>
        %parallel_loop3A_845 = arith.addf %parallel_loop3A_748, %parallel_loop3A_844 : vector<16xf32>
        %parallel_loop3A_846 = arith.constant 5 : i32
        %parallel_loop3A_847 = vector.broadcast %parallel_loop3A_846 : i32 to vector<16xi32>
        %parallel_loop3A_848 = arith.addi %mul3A_6, %parallel_loop3A_847 : vector<16xi32>
        %parallel_loop3A_849 = tpu.vector_load_idx %arg11[%parallel_loop3A_848, %parallel_loop3A_769] : memref<336x64xf32, #tpu.memory_space<vmem>>[vector<16xi32>, vector<16xi32>], vector<16xf32>,
        %parallel_loop3A_850 = arith.mulf %parallel_loop3A_815, %parallel_loop3A_849 : vector<16xf32>
        %parallel_loop3A_851 = arith.addf %parallel_loop3A_749, %parallel_loop3A_850 : vector<16xf32>
        %parallel_loop3A_852 = arith.constant 6 : i32
        %parallel_loop3A_853 = vector.broadcast %parallel_loop3A_852 : i32 to vector<16xi32>
        %parallel_loop3A_854 = arith.addi %mul3A_6, %parallel_loop3A_853 : vector<16xi32>
        %parallel_loop3A_855 = tpu.vector_load_idx %arg11[%parallel_loop3A_854, %parallel_loop3A_769] : memref<336x64xf32, #tpu.memory_space<vmem>>[vector<16xi32>, vector<16xi32>], vector<16xf32>,
        %parallel_loop3A_856 = arith.mulf %parallel_loop3A_815, %parallel_loop3A_855 : vector<16xf32>
        %parallel_loop3A_857 = arith.addf %parallel_loop3A_750, %parallel_loop3A_856 : vector<16xf32>
        %parallel_loop3A_858 = arith.constant 7 : i32
        %parallel_loop3A_859 = vector.broadcast %parallel_loop3A_858 : i32 to vector<16xi32>
        %parallel_loop3A_860 = arith.addi %mul3A_6, %parallel_loop3A_859 : vector<16xi32>
        %parallel_loop3A_861 = tpu.vector_load_idx %arg11[%parallel_loop3A_860, %parallel_loop3A_769] : memref<336x64xf32, #tpu.memory_space<vmem>>[vector<16xi32>, vector<16xi32>], vector<16xf32>,
        %parallel_loop3A_862 = arith.mulf %parallel_loop3A_815, %parallel_loop3A_861 : vector<16xf32>
        %parallel_loop3A_863 = arith.addf %parallel_loop3A_751, %parallel_loop3A_862 : vector<16xf32>
        %parallel_loop3A_864 = arith.constant 8 : i32
        %parallel_loop3A_865 = vector.broadcast %parallel_loop3A_864 : i32 to vector<16xi32>
        %parallel_loop3A_866 = arith.addi %mul3A_6, %parallel_loop3A_865 : vector<16xi32>
        %parallel_loop3A_867 = tpu.vector_load_idx %arg11[%parallel_loop3A_866, %parallel_loop3A_769] : memref<336x64xf32, #tpu.memory_space<vmem>>[vector<16xi32>, vector<16xi32>], vector<16xf32>,
        %parallel_loop3A_868 = arith.mulf %parallel_loop3A_815, %parallel_loop3A_867 : vector<16xf32>
        %parallel_loop3A_869 = arith.addf %parallel_loop3A_752, %parallel_loop3A_868 : vector<16xf32>
        %parallel_loop3A_870 = arith.constant 9 : i32
        %parallel_loop3A_871 = vector.broadcast %parallel_loop3A_870 : i32 to vector<16xi32>
        %parallel_loop3A_872 = arith.addi %mul3A_6, %parallel_loop3A_871 : vector<16xi32>
        %parallel_loop3A_873 = tpu.vector_load_idx %arg11[%parallel_loop3A_872, %parallel_loop3A_769] : memref<336x64xf32, #tpu.memory_space<vmem>>[vector<16xi32>, vector<16xi32>], vector<16xf32>,
        %parallel_loop3A_874 = arith.mulf %parallel_loop3A_815, %parallel_loop3A_873 : vector<16xf32>
        %parallel_loop3A_875 = arith.addf %parallel_loop3A_753, %parallel_loop3A_874 : vector<16xf32>
        %parallel_loop3A_876 = arith.constant 10 : i32
        %parallel_loop3A_877 = vector.broadcast %parallel_loop3A_876 : i32 to vector<16xi32>
        %parallel_loop3A_878 = arith.addi %mul3A_6, %parallel_loop3A_877 : vector<16xi32>
        %parallel_loop3A_879 = tpu.vector_load_idx %arg11[%parallel_loop3A_878, %parallel_loop3A_769] : memref<336x64xf32, #tpu.memory_space<vmem>>[vector<16xi32>, vector<16xi32>], vector<16xf32>,
        %parallel_loop3A_880 = arith.mulf %parallel_loop3A_815, %parallel_loop3A_879 : vector<16xf32>
        %parallel_loop3A_881 = arith.addf %parallel_loop3A_754, %parallel_loop3A_880 : vector<16xf32>
        %parallel_loop3A_882 = arith.constant 11 : i32
        %parallel_loop3A_883 = vector.broadcast %parallel_loop3A_882 : i32 to vector<16xi32>
        %parallel_loop3A_884 = arith.addi %mul3A_6, %parallel_loop3A_883 : vector<16xi32>
        %parallel_loop3A_885 = tpu.vector_load_idx %arg11[%parallel_loop3A_884, %parallel_loop3A_769] : memref<336x64xf32, #tpu.memory_space<vmem>>[vector<16xi32>, vector<16xi32>], vector<16xf32>,
        %parallel_loop3A_886 = arith.mulf %parallel_loop3A_815, %parallel_loop3A_885 : vector<16xf32>
        %parallel_loop3A_887 = arith.addf %parallel_loop3A_755, %parallel_loop3A_886 : vector<16xf32>
        %parallel_loop3A_888 = arith.constant 12 : i32
        %parallel_loop3A_889 = vector.broadcast %parallel_loop3A_888 : i32 to vector<16xi32>
        %parallel_loop3A_890 = arith.addi %mul3A_6, %parallel_loop3A_889 : vector<16xi32>
        %parallel_loop3A_891 = tpu.vector_load_idx %arg11[%parallel_loop3A_890, %parallel_loop3A_769] : memref<336x64xf32, #tpu.memory_space<vmem>>[vector<16xi32>, vector<16xi32>], vector<16xf32>,
        %parallel_loop3A_892 = arith.mulf %parallel_loop3A_815, %parallel_loop3A_891 : vector<16xf32>
        %parallel_loop3A_893 = arith.addf %parallel_loop3A_756, %parallel_loop3A_892 : vector<16xf32>
        %parallel_loop3A_894 = arith.constant 13 : i32
        %parallel_loop3A_895 = vector.broadcast %parallel_loop3A_894 : i32 to vector<16xi32>
        %parallel_loop3A_896 = arith.addi %mul3A_6, %parallel_loop3A_895 : vector<16xi32>
        %parallel_loop3A_897 = tpu.vector_load_idx %arg11[%parallel_loop3A_896, %parallel_loop3A_769] : memref<336x64xf32, #tpu.memory_space<vmem>>[vector<16xi32>, vector<16xi32>], vector<16xf32>,
        %parallel_loop3A_898 = arith.mulf %parallel_loop3A_815, %parallel_loop3A_897 : vector<16xf32>
        %parallel_loop3A_899 = arith.addf %parallel_loop3A_757, %parallel_loop3A_898 : vector<16xf32>
        %parallel_loop3A_900 = arith.constant 14 : i32
        %parallel_loop3A_901 = vector.broadcast %parallel_loop3A_900 : i32 to vector<16xi32>
        %parallel_loop3A_902 = arith.addi %mul3A_6, %parallel_loop3A_901 : vector<16xi32>
        %parallel_loop3A_903 = tpu.vector_load_idx %arg11[%parallel_loop3A_902, %parallel_loop3A_769] : memref<336x64xf32, #tpu.memory_space<vmem>>[vector<16xi32>, vector<16xi32>], vector<16xf32>,
        %parallel_loop3A_904 = arith.mulf %parallel_loop3A_815, %parallel_loop3A_903 : vector<16xf32>
        %parallel_loop3A_905 = arith.addf %parallel_loop3A_758, %parallel_loop3A_904 : vector<16xf32>
        %parallel_loop3A_906 = arith.constant 15 : i32
        %parallel_loop3A_907 = vector.broadcast %parallel_loop3A_906 : i32 to vector<16xi32>
        %parallel_loop3A_908 = arith.addi %mul3A_6, %parallel_loop3A_907 : vector<16xi32>
        %parallel_loop3A_909 = tpu.vector_load_idx %arg11[%parallel_loop3A_908, %parallel_loop3A_769] : memref<336x64xf32, #tpu.memory_space<vmem>>[vector<16xi32>, vector<16xi32>], vector<16xf32>,
        %parallel_loop3A_910 = arith.mulf %parallel_loop3A_815, %parallel_loop3A_909 : vector<16xf32>
        %parallel_loop3A_911 = arith.addf %parallel_loop3A_759, %parallel_loop3A_910 : vector<16xf32>
        %parallel_loop3A_912 = arith.constant 16 : i32
        %parallel_loop3A_913 = vector.broadcast %parallel_loop3A_912 : i32 to vector<16xi32>
        %parallel_loop3A_914 = arith.addi %mul3A_6, %parallel_loop3A_913 : vector<16xi32>
        %parallel_loop3A_915 = tpu.vector_load_idx %arg11[%parallel_loop3A_914, %parallel_loop3A_769] : memref<336x64xf32, #tpu.memory_space<vmem>>[vector<16xi32>, vector<16xi32>], vector<16xf32>,
        %parallel_loop3A_916 = arith.mulf %parallel_loop3A_815, %parallel_loop3A_915 : vector<16xf32>
        %parallel_loop3A_917 = arith.addf %parallel_loop3A_760, %parallel_loop3A_916 : vector<16xf32>
        %parallel_loop3A_918 = arith.constant 17 : i32
        %parallel_loop3A_919 = vector.broadcast %parallel_loop3A_918 : i32 to vector<16xi32>
        %parallel_loop3A_920 = arith.addi %mul3A_6, %parallel_loop3A_919 : vector<16xi32>
        %parallel_loop3A_921 = tpu.vector_load_idx %arg11[%parallel_loop3A_920, %parallel_loop3A_769] : memref<336x64xf32, #tpu.memory_space<vmem>>[vector<16xi32>, vector<16xi32>], vector<16xf32>,
        %parallel_loop3A_922 = arith.mulf %parallel_loop3A_815, %parallel_loop3A_921 : vector<16xf32>
        %parallel_loop3A_923 = arith.addf %parallel_loop3A_761, %parallel_loop3A_922 : vector<16xf32>
        %parallel_loop3A_924 = arith.constant 18 : i32
        %parallel_loop3A_925 = vector.broadcast %parallel_loop3A_924 : i32 to vector<16xi32>
        %parallel_loop3A_926 = arith.addi %mul3A_6, %parallel_loop3A_925 : vector<16xi32>
        %parallel_loop3A_927 = tpu.vector_load_idx %arg11[%parallel_loop3A_926, %parallel_loop3A_769] : memref<336x64xf32, #tpu.memory_space<vmem>>[vector<16xi32>, vector<16xi32>], vector<16xf32>,
        %parallel_loop3A_928 = arith.mulf %parallel_loop3A_815, %parallel_loop3A_927 : vector<16xf32>
        %parallel_loop3A_929 = arith.addf %parallel_loop3A_762, %parallel_loop3A_928 : vector<16xf32>
        %parallel_loop3A_930 = arith.constant 19 : i32
        %parallel_loop3A_931 = vector.broadcast %parallel_loop3A_930 : i32 to vector<16xi32>
        %parallel_loop3A_932 = arith.addi %mul3A_6, %parallel_loop3A_931 : vector<16xi32>
        %parallel_loop3A_933 = tpu.vector_load_idx %arg11[%parallel_loop3A_932, %parallel_loop3A_769] : memref<336x64xf32, #tpu.memory_space<vmem>>[vector<16xi32>, vector<16xi32>], vector<16xf32>,
        %parallel_loop3A_934 = arith.mulf %parallel_loop3A_815, %parallel_loop3A_933 : vector<16xf32>
        %parallel_loop3A_935 = arith.addf %parallel_loop3A_763, %parallel_loop3A_934 : vector<16xf32>
        %parallel_loop3A_936 = arith.constant 20 : i32
        %parallel_loop3A_937 = vector.broadcast %parallel_loop3A_936 : i32 to vector<16xi32>
        %parallel_loop3A_938 = arith.addi %mul3A_6, %parallel_loop3A_937 : vector<16xi32>
        %parallel_loop3A_939 = tpu.vector_load_idx %arg11[%parallel_loop3A_938, %parallel_loop3A_769] : memref<336x64xf32, #tpu.memory_space<vmem>>[vector<16xi32>, vector<16xi32>], vector<16xf32>,
        %parallel_loop3A_940 = arith.mulf %parallel_loop3A_815, %parallel_loop3A_939 : vector<16xf32>
        %parallel_loop3A_941 = arith.addf %parallel_loop3A_764, %parallel_loop3A_940 : vector<16xf32>
        scf.yield %parallel_loop3A_821, %parallel_loop3A_827, %parallel_loop3A_833, %parallel_loop3A_839, %parallel_loop3A_845, %parallel_loop3A_851, %parallel_loop3A_857, %parallel_loop3A_863, %parallel_loop3A_869, %parallel_loop3A_875, %parallel_loop3A_881, %parallel_loop3A_887, %parallel_loop3A_893, %parallel_loop3A_899, %parallel_loop3A_905, %parallel_loop3A_911, %parallel_loop3A_917, %parallel_loop3A_923, %parallel_loop3A_929, %parallel_loop3A_935, %parallel_loop3A_941 : vector<16xf32>, vector<16xf32>, vector<16xf32>, vector<16xf32>, vector<16xf32>, vector<16xf32>, vector<16xf32>, vector<16xf32>, vector<16xf32>, vector<16xf32>, vector<16xf32>, vector<16xf32>, vector<16xf32>, vector<16xf32>, vector<16xf32>, vector<16xf32>, vector<16xf32>, vector<16xf32>, vector<16xf32>, vector<16xf32>, vector<16xf32>
      } {sc.loop_unroll_factor = 4 : i64, sc.parallel_access}
      %mul3A_249 = arith.constant 1.000000e-01 : f32
      %mul3A_250 = vector.broadcast %mul3A_249 : f32 to vector<16xf32>
      %mul3A_251 = arith.mulf %parallel_loop3A_248#0, %mul3A_250 : vector<16xf32>
      %mul3A_252 = arith.constant 16 : i32
      %mul3A_253 = arith.muli %mul3A_73, %mul3A_252 : i32
      %swap3A = arith.constant 0 : i32
      %swap3A_254 = arith.index_cast %swap3A : i32 to index
      %swap3A_255 = arith.index_cast %mul3A_253 : i32 to index
      %swap3A_256 = tpu.vector_load %arg13[%swap3A_254, %swap3A_255] {strides = array<i32>} : memref<21x512xf32, #tpu.memory_space<vmem>>, vector<16xf32>,
      tpu.vector_store %arg13[%swap3A_254, %swap3A_255], %mul3A_251 {strides = array<i32>} : memref<21x512xf32, #tpu.memory_space<vmem>>, vector<16xf32>,
      %mul3A_257 = arith.constant 1.000000e-01 : f32
      %mul3A_258 = vector.broadcast %mul3A_257 : f32 to vector<16xf32>
      %mul3A_259 = arith.mulf %parallel_loop3A_248#1, %mul3A_258 : vector<16xf32>
      %mul3A_260 = arith.constant 16 : i32
      %mul3A_261 = arith.muli %mul3A_73, %mul3A_260 : i32
      %swap3A_262 = arith.constant 1 : i32
      %swap3A_263 = arith.index_cast %swap3A_262 : i32 to index
      %swap3A_264 = arith.index_cast %mul3A_261 : i32 to index
      %swap3A_265 = tpu.vector_load %arg13[%swap3A_263, %swap3A_264] {strides = array<i32>} : memref<21x512xf32, #tpu.memory_space<vmem>>, vector<16xf32>,
      tpu.vector_store %arg13[%swap3A_263, %swap3A_264], %mul3A_259 {strides = array<i32>} : memref<21x512xf32, #tpu.memory_space<vmem>>, vector<16xf32>,
      %mul3A_266 = arith.constant 1.000000e-01 : f32
      %mul3A_267 = vector.broadcast %mul3A_266 : f32 to vector<16xf32>
      %mul3A_268 = arith.mulf %parallel_loop3A_248#2, %mul3A_267 : vector<16xf32>
      %mul3A_269 = arith.constant 16 : i32
      %mul3A_270 = arith.muli %mul3A_73, %mul3A_269 : i32
      %swap3A_271 = arith.constant 2 : i32
      %swap3A_272 = arith.index_cast %swap3A_271 : i32 to index
      %swap3A_273 = arith.index_cast %mul3A_270 : i32 to index
      %swap3A_274 = tpu.vector_load %arg13[%swap3A_272, %swap3A_273] {strides = array<i32>} : memref<21x512xf32, #tpu.memory_space<vmem>>, vector<16xf32>,
      tpu.vector_store %arg13[%swap3A_272, %swap3A_273], %mul3A_268 {strides = array<i32>} : memref<21x512xf32, #tpu.memory_space<vmem>>, vector<16xf32>,
      %mul3A_275 = arith.constant 1.000000e-01 : f32
      %mul3A_276 = vector.broadcast %mul3A_275 : f32 to vector<16xf32>
      %mul3A_277 = arith.mulf %parallel_loop3A_248#3, %mul3A_276 : vector<16xf32>
      %mul3A_278 = arith.constant 16 : i32
      %mul3A_279 = arith.muli %mul3A_73, %mul3A_278 : i32
      %swap3A_280 = arith.constant 3 : i32
      %swap3A_281 = arith.index_cast %swap3A_280 : i32 to index
      %swap3A_282 = arith.index_cast %mul3A_279 : i32 to index
      %swap3A_283 = tpu.vector_load %arg13[%swap3A_281, %swap3A_282] {strides = array<i32>} : memref<21x512xf32, #tpu.memory_space<vmem>>, vector<16xf32>,
      tpu.vector_store %arg13[%swap3A_281, %swap3A_282], %mul3A_277 {strides = array<i32>} : memref<21x512xf32, #tpu.memory_space<vmem>>, vector<16xf32>,
      %mul3A_284 = arith.constant 1.000000e-01 : f32
      %mul3A_285 = vector.broadcast %mul3A_284 : f32 to vector<16xf32>
      %mul3A_286 = arith.mulf %parallel_loop3A_248#4, %mul3A_285 : vector<16xf32>
      %mul3A_287 = arith.constant 16 : i32
      %mul3A_288 = arith.muli %mul3A_73, %mul3A_287 : i32
      %swap3A_289 = arith.constant 4 : i32
      %swap3A_290 = arith.index_cast %swap3A_289 : i32 to index
      %swap3A_291 = arith.index_cast %mul3A_288 : i32 to index
      %swap3A_292 = tpu.vector_load %arg13[%swap3A_290, %swap3A_291] {strides = array<i32>} : memref<21x512xf32, #tpu.memory_space<vmem>>, vector<16xf32>,
      tpu.vector_store %arg13[%swap3A_290, %swap3A_291], %mul3A_286 {strides = array<i32>} : memref<21x512xf32, #tpu.memory_space<vmem>>, vector<16xf32>,
      %mul3A_293 = arith.constant 1.000000e-01 : f32
      %mul3A_294 = vector.broadcast %mul3A_293 : f32 to vector<16xf32>
      %mul3A_295 = arith.mulf %parallel_loop3A_248#5, %mul3A_294 : vector<16xf32>
      %mul3A_296 = arith.constant 16 : i32
      %mul3A_297 = arith.muli %mul3A_73, %mul3A_296 : i32
      %swap3A_298 = arith.constant 5 : i32
      %swap3A_299 = arith.index_cast %swap3A_298 : i32 to index
      %swap3A_300 = arith.index_cast %mul3A_297 : i32 to index
      %swap3A_301 = tpu.vector_load %arg13[%swap3A_299, %swap3A_300] {strides = array<i32>} : memref<21x512xf32, #tpu.memory_space<vmem>>, vector<16xf32>,
      tpu.vector_store %arg13[%swap3A_299, %swap3A_300], %mul3A_295 {strides = array<i32>} : memref<21x512xf32, #tpu.memory_space<vmem>>, vector<16xf32>,
      %mul3A_302 = arith.constant 1.000000e-01 : f32
      %mul3A_303 = vector.broadcast %mul3A_302 : f32 to vector<16xf32>
      %mul3A_304 = arith.mulf %parallel_loop3A_248#6, %mul3A_303 : vector<16xf32>
      %mul3A_305 = arith.constant 16 : i32
      %mul3A_306 = arith.muli %mul3A_73, %mul3A_305 : i32
      %swap3A_307 = arith.constant 6 : i32
      %swap3A_308 = arith.index_cast %swap3A_307 : i32 to index
      %swap3A_309 = arith.index_cast %mul3A_306 : i32 to index
      %swap3A_310 = tpu.vector_load %arg13[%swap3A_308, %swap3A_309] {strides = array<i32>} : memref<21x512xf32, #tpu.memory_space<vmem>>, vector<16xf32>,
      tpu.vector_store %arg13[%swap3A_308, %swap3A_309], %mul3A_304 {strides = array<i32>} : memref<21x512xf32, #tpu.memory_space<vmem>>, vector<16xf32>,
      %mul3A_311 = arith.constant 1.000000e-01 : f32
      %mul3A_312 = vector.broadcast %mul3A_311 : f32 to vector<16xf32>
      %mul3A_313 = arith.mulf %parallel_loop3A_248#7, %mul3A_312 : vector<16xf32>
      %mul3A_314 = arith.constant 16 : i32
      %mul3A_315 = arith.muli %mul3A_73, %mul3A_314 : i32
      %swap3A_316 = arith.constant 7 : i32
      %swap3A_317 = arith.index_cast %swap3A_316 : i32 to index
      %swap3A_318 = arith.index_cast %mul3A_315 : i32 to index
      %swap3A_319 = tpu.vector_load %arg13[%swap3A_317, %swap3A_318] {strides = array<i32>} : memref<21x512xf32, #tpu.memory_space<vmem>>, vector<16xf32>,
      tpu.vector_store %arg13[%swap3A_317, %swap3A_318], %mul3A_313 {strides = array<i32>} : memref<21x512xf32, #tpu.memory_space<vmem>>, vector<16xf32>,
      %mul3A_320 = arith.constant 1.000000e-01 : f32
      %mul3A_321 = vector.broadcast %mul3A_320 : f32 to vector<16xf32>
      %mul3A_322 = arith.mulf %parallel_loop3A_248#8, %mul3A_321 : vector<16xf32>
      %mul3A_323 = arith.constant 16 : i32
      %mul3A_324 = arith.muli %mul3A_73, %mul3A_323 : i32
      %swap3A_325 = arith.constant 8 : i32
      %swap3A_326 = arith.index_cast %swap3A_325 : i32 to index
      %swap3A_327 = arith.index_cast %mul3A_324 : i32 to index
      %swap3A_328 = tpu.vector_load %arg13[%swap3A_326, %swap3A_327] {strides = array<i32>} : memref<21x512xf32, #tpu.memory_space<vmem>>, vector<16xf32>,
      tpu.vector_store %arg13[%swap3A_326, %swap3A_327], %mul3A_322 {strides = array<i32>} : memref<21x512xf32, #tpu.memory_space<vmem>>, vector<16xf32>,
      %mul3A_329 = arith.constant 1.000000e-01 : f32
      %mul3A_330 = vector.broadcast %mul3A_329 : f32 to vector<16xf32>
      %mul3A_331 = arith.mulf %parallel_loop3A_248#9, %mul3A_330 : vector<16xf32>
      %mul3A_332 = arith.constant 16 : i32
      %mul3A_333 = arith.muli %mul3A_73, %mul3A_332 : i32
      %swap3A_334 = arith.constant 9 : i32
      %swap3A_335 = arith.index_cast %swap3A_334 : i32 to index
      %swap3A_336 = arith.index_cast %mul3A_333 : i32 to index
      %swap3A_337 = tpu.vector_load %arg13[%swap3A_335, %swap3A_336] {strides = array<i32>} : memref<21x512xf32, #tpu.memory_space<vmem>>, vector<16xf32>,
      tpu.vector_store %arg13[%swap3A_335, %swap3A_336], %mul3A_331 {strides = array<i32>} : memref<21x512xf32, #tpu.memory_space<vmem>>, vector<16xf32>,
      %mul3A_338 = arith.constant 1.000000e-01 : f32
      %mul3A_339 = vector.broadcast %mul3A_338 : f32 to vector<16xf32>
      %mul3A_340 = arith.mulf %parallel_loop3A_248#10, %mul3A_339 : vector<16xf32>
      %mul3A_341 = arith.constant 16 : i32
      %mul3A_342 = arith.muli %mul3A_73, %mul3A_341 : i32
      %swap3A_343 = arith.constant 10 : i32
      %swap3A_344 = arith.index_cast %swap3A_343 : i32 to index
      %swap3A_345 = arith.index_cast %mul3A_342 : i32 to index
      %swap3A_346 = tpu.vector_load %arg13[%swap3A_344, %swap3A_345] {strides = array<i32>} : memref<21x512xf32, #tpu.memory_space<vmem>>, vector<16xf32>,
      tpu.vector_store %arg13[%swap3A_344, %swap3A_345], %mul3A_340 {strides = array<i32>} : memref<21x512xf32, #tpu.memory_space<vmem>>, vector<16xf32>,
      %mul3A_347 = arith.constant 1.000000e-01 : f32
      %mul3A_348 = vector.broadcast %mul3A_347 : f32 to vector<16xf32>
      %mul3A_349 = arith.mulf %parallel_loop3A_248#11, %mul3A_348 : vector<16xf32>
      %mul3A_350 = arith.constant 16 : i32
      %mul3A_351 = arith.muli %mul3A_73, %mul3A_350 : i32
      %swap3A_352 = arith.constant 11 : i32
      %swap3A_353 = arith.index_cast %swap3A_352 : i32 to index
      %swap3A_354 = arith.index_cast %mul3A_351 : i32 to index
      %swap3A_355 = tpu.vector_load %arg13[%swap3A_353, %swap3A_354] {strides = array<i32>} : memref<21x512xf32, #tpu.memory_space<vmem>>, vector<16xf32>,
      tpu.vector_store %arg13[%swap3A_353, %swap3A_354], %mul3A_349 {strides = array<i32>} : memref<21x512xf32, #tpu.memory_space<vmem>>, vector<16xf32>,
      %mul3A_356 = arith.constant 1.000000e-01 : f32
      %mul3A_357 = vector.broadcast %mul3A_356 : f32 to vector<16xf32>
      %mul3A_358 = arith.mulf %parallel_loop3A_248#12, %mul3A_357 : vector<16xf32>
      %mul3A_359 = arith.constant 16 : i32
      %mul3A_360 = arith.muli %mul3A_73, %mul3A_359 : i32
      %swap3A_361 = arith.constant 12 : i32
      %swap3A_362 = arith.index_cast %swap3A_361 : i32 to index
      %swap3A_363 = arith.index_cast %mul3A_360 : i32 to index
      %swap3A_364 = tpu.vector_load %arg13[%swap3A_362, %swap3A_363] {strides = array<i32>} : memref<21x512xf32, #tpu.memory_space<vmem>>, vector<16xf32>,
      tpu.vector_store %arg13[%swap3A_362, %swap3A_363], %mul3A_358 {strides = array<i32>} : memref<21x512xf32, #tpu.memory_space<vmem>>, vector<16xf32>,
      %mul3A_365 = arith.constant 1.000000e-01 : f32
      %mul3A_366 = vector.broadcast %mul3A_365 : f32 to vector<16xf32>
      %mul3A_367 = arith.mulf %parallel_loop3A_248#13, %mul3A_366 : vector<16xf32>
      %mul3A_368 = arith.constant 16 : i32
      %mul3A_369 = arith.muli %mul3A_73, %mul3A_368 : i32
      %swap3A_370 = arith.constant 13 : i32
      %swap3A_371 = arith.index_cast %swap3A_370 : i32 to index
      %swap3A_372 = arith.index_cast %mul3A_369 : i32 to index
      %swap3A_373 = tpu.vector_load %arg13[%swap3A_371, %swap3A_372] {strides = array<i32>} : memref<21x512xf32, #tpu.memory_space<vmem>>, vector<16xf32>,
      tpu.vector_store %arg13[%swap3A_371, %swap3A_372], %mul3A_367 {strides = array<i32>} : memref<21x512xf32, #tpu.memory_space<vmem>>, vector<16xf32>,
      %mul3A_374 = arith.constant 1.000000e-01 : f32
      %mul3A_375 = vector.broadcast %mul3A_374 : f32 to vector<16xf32>
      %mul3A_376 = arith.mulf %parallel_loop3A_248#14, %mul3A_375 : vector<16xf32>
      %mul3A_377 = arith.constant 16 : i32
      %mul3A_378 = arith.muli %mul3A_73, %mul3A_377 : i32
      %swap3A_379 = arith.constant 14 : i32
      %swap3A_380 = arith.index_cast %swap3A_379 : i32 to index
      %swap3A_381 = arith.index_cast %mul3A_378 : i32 to index
      %swap3A_382 = tpu.vector_load %arg13[%swap3A_380, %swap3A_381] {strides = array<i32>} : memref<21x512xf32, #tpu.memory_space<vmem>>, vector<16xf32>,
      tpu.vector_store %arg13[%swap3A_380, %swap3A_381], %mul3A_376 {strides = array<i32>} : memref<21x512xf32, #tpu.memory_space<vmem>>, vector<16xf32>,
      %mul3A_383 = arith.constant 1.000000e-01 : f32
      %mul3A_384 = vector.broadcast %mul3A_383 : f32 to vector<16xf32>
      %mul3A_385 = arith.mulf %parallel_loop3A_248#15, %mul3A_384 : vector<16xf32>
      %mul3A_386 = arith.constant 16 : i32
      %mul3A_387 = arith.muli %mul3A_73, %mul3A_386 : i32
      %swap3A_388 = arith.constant 15 : i32
      %swap3A_389 = arith.index_cast %swap3A_388 : i32 to index
      %swap3A_390 = arith.index_cast %mul3A_387 : i32 to index
      %swap3A_391 = tpu.vector_load %arg13[%swap3A_389, %swap3A_390] {strides = array<i32>} : memref<21x512xf32, #tpu.memory_space<vmem>>, vector<16xf32>,
      tpu.vector_store %arg13[%swap3A_389, %swap3A_390], %mul3A_385 {strides = array<i32>} : memref<21x512xf32, #tpu.memory_space<vmem>>, vector<16xf32>,
      %mul3A_392 = arith.constant 1.000000e-01 : f32
      %mul3A_393 = vector.broadcast %mul3A_392 : f32 to vector<16xf32>
      %mul3A_394 = arith.mulf %parallel_loop3A_248#16, %mul3A_393 : vector<16xf32>
      %mul3A_395 = arith.constant 16 : i32
      %mul3A_396 = arith.muli %mul3A_73, %mul3A_395 : i32
      %swap3A_397 = arith.constant 16 : i32
      %swap3A_398 = arith.index_cast %swap3A_397 : i32 to index
      %swap3A_399 = arith.index_cast %mul3A_396 : i32 to index
      %swap3A_400 = tpu.vector_load %arg13[%swap3A_398, %swap3A_399] {strides = array<i32>} : memref<21x512xf32, #tpu.memory_space<vmem>>, vector<16xf32>,
      tpu.vector_store %arg13[%swap3A_398, %swap3A_399], %mul3A_394 {strides = array<i32>} : memref<21x512xf32, #tpu.memory_space<vmem>>, vector<16xf32>,
      %mul3A_401 = arith.constant 1.000000e-01 : f32
      %mul3A_402 = vector.broadcast %mul3A_401 : f32 to vector<16xf32>
      %mul3A_403 = arith.mulf %parallel_loop3A_248#17, %mul3A_402 : vector<16xf32>
      %mul3A_404 = arith.constant 16 : i32
      %mul3A_405 = arith.muli %mul3A_73, %mul3A_404 : i32
      %swap3A_406 = arith.constant 17 : i32
      %swap3A_407 = arith.index_cast %swap3A_406 : i32 to index
      %swap3A_408 = arith.index_cast %mul3A_405 : i32 to index
      %swap3A_409 = tpu.vector_load %arg13[%swap3A_407, %swap3A_408] {strides = array<i32>} : memref<21x512xf32, #tpu.memory_space<vmem>>, vector<16xf32>,
      tpu.vector_store %arg13[%swap3A_407, %swap3A_408], %mul3A_403 {strides = array<i32>} : memref<21x512xf32, #tpu.memory_space<vmem>>, vector<16xf32>,
      %mul3A_410 = arith.constant 1.000000e-01 : f32
      %mul3A_411 = vector.broadcast %mul3A_410 : f32 to vector<16xf32>
      %mul3A_412 = arith.mulf %parallel_loop3A_248#18, %mul3A_411 : vector<16xf32>
      %mul3A_413 = arith.constant 16 : i32
      %mul3A_414 = arith.muli %mul3A_73, %mul3A_413 : i32
      %swap3A_415 = arith.constant 18 : i32
      %swap3A_416 = arith.index_cast %swap3A_415 : i32 to index
      %swap3A_417 = arith.index_cast %mul3A_414 : i32 to index
      %swap3A_418 = tpu.vector_load %arg13[%swap3A_416, %swap3A_417] {strides = array<i32>} : memref<21x512xf32, #tpu.memory_space<vmem>>, vector<16xf32>,
      tpu.vector_store %arg13[%swap3A_416, %swap3A_417], %mul3A_412 {strides = array<i32>} : memref<21x512xf32, #tpu.memory_space<vmem>>, vector<16xf32>,
      %mul3A_419 = arith.constant 1.000000e-01 : f32
      %mul3A_420 = vector.broadcast %mul3A_419 : f32 to vector<16xf32>
      %mul3A_421 = arith.mulf %parallel_loop3A_248#19, %mul3A_420 : vector<16xf32>
      %mul3A_422 = arith.constant 16 : i32
      %mul3A_423 = arith.muli %mul3A_73, %mul3A_422 : i32
      %swap3A_424 = arith.constant 19 : i32
      %swap3A_425 = arith.index_cast %swap3A_424 : i32 to index
      %swap3A_426 = arith.index_cast %mul3A_423 : i32 to index
      %swap3A_427 = tpu.vector_load %arg13[%swap3A_425, %swap3A_426] {strides = array<i32>} : memref<21x512xf32, #tpu.memory_space<vmem>>, vector<16xf32>,
      tpu.vector_store %arg13[%swap3A_425, %swap3A_426], %mul3A_421 {strides = array<i32>} : memref<21x512xf32, #tpu.memory_space<vmem>>, vector<16xf32>,
      %mul3A_428 = arith.constant 1.000000e-01 : f32
      %mul3A_429 = vector.broadcast %mul3A_428 : f32 to vector<16xf32>
      %mul3A_430 = arith.mulf %parallel_loop3A_248#20, %mul3A_429 : vector<16xf32>
      %mul3A_431 = arith.constant 16 : i32
      %mul3A_432 = arith.muli %mul3A_73, %mul3A_431 : i32
      %swap3A_433 = arith.constant 20 : i32
      %swap3A_434 = arith.index_cast %swap3A_433 : i32 to index
      %swap3A_435 = arith.index_cast %mul3A_432 : i32 to index
      %swap3A_436 = tpu.vector_load %arg13[%swap3A_434, %swap3A_435] {strides = array<i32>} : memref<21x512xf32, #tpu.memory_space<vmem>>, vector<16xf32>,
      tpu.vector_store %arg13[%swap3A_434, %swap3A_435], %mul3A_430 {strides = array<i32>} : memref<21x512xf32, #tpu.memory_space<vmem>>, vector<16xf32>,
      %lt3A = arith.constant 15 : i32
      %lt3A_437 = arith.cmpi slt, %scan3A_71, %lt3A : i32
      %convert_element_type3A = arith.extui %lt3A_437 : i1 to i32
      %cond3A = arith.constant 0 : i32
      %cond3A_438 = arith.cmpi ne, %convert_element_type3A, %cond3A : i32
      scf.if %cond3A_438 {
        %add3A_743 = arith.constant 2 : i32
        %add3A_744 = arith.addi %mul3A_73, %add3A_743 : i32
        %mul3A_745 = arith.constant 2 : i32
        %mul3A_746 = arith.muli %add3A_744, %mul3A_745 : i32
        %add3A_747 = arith.constant 0 : i32
        %add3A_748 = arith.addi %mul3A_746, %add3A_747 : i32
        %dma_start3A_749 = arith.constant 0 : i32
        %dma_start3A_750 = arith.constant 0 : i32
        %dma_start3A_751 = tpu.memref_slice %arg9[%dma_start3A_749, %dma_start3A_750] : memref<160x64xf32, #tpu.memory_space<vmem>> -> memref<80x64xf32, #tpu.memory_space<vmem>>
        %dma_start3A_752 = arith.constant 0 : i32
        %dma_start3A_753 = tpu.memref_slice %arg7[%add3A_748, %dma_start3A_752] : memref<64x80xi32, #tpu.memory_space<vmem>> -> memref<1x80xi32, #tpu.memory_space<vmem>>
        %dma_start3A_754 = tpu.memref_squeeze %dma_start3A_753 : memref<1x80xi32, #tpu.memory_space<vmem>> -> memref<80xi32, #tpu.memory_space<vmem>>
        %dma_start3A_755 = arith.constant 0 : i32
        %dma_start3A_756 = arith.constant 0 : i32
        %dma_start3A_757 = tpu.memref_slice %arg4[%dma_start3A_755, %dma_start3A_756] : memref<1000000x64xf32, #tpu.memory_space<hbm>> -> memref<1000000x64xf32, #tpu.memory_space<hbm>>
        tpu.enqueue_indirect_dma source(%dma_start3A_757 : memref<1000000x64xf32, #tpu.memory_space<hbm>>) target(%dma_start3A_751 : memref<80x64xf32, #tpu.memory_space<vmem>>) offsets(%dma_start3A_754 : memref<80xi32, #tpu.memory_space<vmem>>) semaphore(%arg14 : memref<!tpu.dma_semaphore, #tpu.memory_space<semaphore_mem>>)
        %mul3A_758 = arith.constant 2 : i32
        %mul3A_759 = arith.muli %add3A_744, %mul3A_758 : i32
        %add3A_760 = arith.constant 1 : i32
        %add3A_761 = arith.addi %mul3A_759, %add3A_760 : i32
        %dma_start3A_762 = arith.constant 80 : i32
        %dma_start3A_763 = arith.constant 0 : i32
        %dma_start3A_764 = tpu.memref_slice %arg9[%dma_start3A_762, %dma_start3A_763] : memref<160x64xf32, #tpu.memory_space<vmem>> -> memref<80x64xf32, #tpu.memory_space<vmem>>
        %dma_start3A_765 = arith.constant 0 : i32
        %dma_start3A_766 = tpu.memref_slice %arg7[%add3A_761, %dma_start3A_765] : memref<64x80xi32, #tpu.memory_space<vmem>> -> memref<1x80xi32, #tpu.memory_space<vmem>>
        %dma_start3A_767 = tpu.memref_squeeze %dma_start3A_766 : memref<1x80xi32, #tpu.memory_space<vmem>> -> memref<80xi32, #tpu.memory_space<vmem>>
        %dma_start3A_768 = arith.constant 0 : i32
        %dma_start3A_769 = arith.constant 0 : i32
        %dma_start3A_770 = tpu.memref_slice %arg4[%dma_start3A_768, %dma_start3A_769] : memref<1000000x64xf32, #tpu.memory_space<hbm>> -> memref<1000000x64xf32, #tpu.memory_space<hbm>>
        tpu.enqueue_indirect_dma source(%dma_start3A_770 : memref<1000000x64xf32, #tpu.memory_space<hbm>>) target(%dma_start3A_764 : memref<80x64xf32, #tpu.memory_space<vmem>>) offsets(%dma_start3A_767 : memref<80xi32, #tpu.memory_space<vmem>>) semaphore(%arg14 : memref<!tpu.dma_semaphore, #tpu.memory_space<semaphore_mem>>)
        %mul3A_771 = arith.constant 3 : i32
        %mul3A_772 = arith.muli %add3A_744, %mul3A_771 : i32
        %add3A_773 = arith.constant 0 : i32
        %add3A_774 = arith.addi %mul3A_772, %add3A_773 : i32
        %dma_start3A_775 = arith.constant 0 : i32
        %dma_start3A_776 = arith.constant 0 : i32
        %dma_start3A_777 = tpu.memref_slice %arg11[%dma_start3A_775, %dma_start3A_776] : memref<336x64xf32, #tpu.memory_space<vmem>> -> memref<112x64xf32, #tpu.memory_space<vmem>>
        %dma_start3A_778 = arith.constant 0 : i32
        %dma_start3A_779 = tpu.memref_slice %arg8[%add3A_774, %dma_start3A_778] : memref<96x112xi32, #tpu.memory_space<vmem>> -> memref<1x112xi32, #tpu.memory_space<vmem>>
        %dma_start3A_780 = tpu.memref_squeeze %dma_start3A_779 : memref<1x112xi32, #tpu.memory_space<vmem>> -> memref<112xi32, #tpu.memory_space<vmem>>
        %dma_start3A_781 = arith.constant 0 : i32
        %dma_start3A_782 = arith.constant 0 : i32
        %dma_start3A_783 = tpu.memref_slice %arg5[%dma_start3A_781, %dma_start3A_782] : memref<1000000x64xf32, #tpu.memory_space<hbm>> -> memref<1000000x64xf32, #tpu.memory_space<hbm>>
        tpu.enqueue_indirect_dma source(%dma_start3A_783 : memref<1000000x64xf32, #tpu.memory_space<hbm>>) target(%dma_start3A_777 : memref<112x64xf32, #tpu.memory_space<vmem>>) offsets(%dma_start3A_780 : memref<112xi32, #tpu.memory_space<vmem>>) semaphore(%arg14 : memref<!tpu.dma_semaphore, #tpu.memory_space<semaphore_mem>>)
        %mul3A_784 = arith.constant 3 : i32
        %mul3A_785 = arith.muli %add3A_744, %mul3A_784 : i32
        %add3A_786 = arith.constant 1 : i32
        %add3A_787 = arith.addi %mul3A_785, %add3A_786 : i32
        %dma_start3A_788 = arith.constant 112 : i32
        %dma_start3A_789 = arith.constant 0 : i32
        %dma_start3A_790 = tpu.memref_slice %arg11[%dma_start3A_788, %dma_start3A_789] : memref<336x64xf32, #tpu.memory_space<vmem>> -> memref<112x64xf32, #tpu.memory_space<vmem>>
        %dma_start3A_791 = arith.constant 0 : i32
        %dma_start3A_792 = tpu.memref_slice %arg8[%add3A_787, %dma_start3A_791] : memref<96x112xi32, #tpu.memory_space<vmem>> -> memref<1x112xi32, #tpu.memory_space<vmem>>
        %dma_start3A_793 = tpu.memref_squeeze %dma_start3A_792 : memref<1x112xi32, #tpu.memory_space<vmem>> -> memref<112xi32, #tpu.memory_space<vmem>>
        %dma_start3A_794 = arith.constant 0 : i32
        %dma_start3A_795 = arith.constant 0 : i32
        %dma_start3A_796 = tpu.memref_slice %arg5[%dma_start3A_794, %dma_start3A_795] : memref<1000000x64xf32, #tpu.memory_space<hbm>> -> memref<1000000x64xf32, #tpu.memory_space<hbm>>
        tpu.enqueue_indirect_dma source(%dma_start3A_796 : memref<1000000x64xf32, #tpu.memory_space<hbm>>) target(%dma_start3A_790 : memref<112x64xf32, #tpu.memory_space<vmem>>) offsets(%dma_start3A_793 : memref<112xi32, #tpu.memory_space<vmem>>) semaphore(%arg14 : memref<!tpu.dma_semaphore, #tpu.memory_space<semaphore_mem>>)
        %mul3A_797 = arith.constant 3 : i32
        %mul3A_798 = arith.muli %add3A_744, %mul3A_797 : i32
        %add3A_799 = arith.constant 2 : i32
        %add3A_800 = arith.addi %mul3A_798, %add3A_799 : i32
        %dma_start3A_801 = arith.constant 224 : i32
        %dma_start3A_802 = arith.constant 0 : i32
        %dma_start3A_803 = tpu.memref_slice %arg11[%dma_start3A_801, %dma_start3A_802] : memref<336x64xf32, #tpu.memory_space<vmem>> -> memref<112x64xf32, #tpu.memory_space<vmem>>
        %dma_start3A_804 = arith.constant 0 : i32
        %dma_start3A_805 = tpu.memref_slice %arg8[%add3A_800, %dma_start3A_804] : memref<96x112xi32, #tpu.memory_space<vmem>> -> memref<1x112xi32, #tpu.memory_space<vmem>>
        %dma_start3A_806 = tpu.memref_squeeze %dma_start3A_805 : memref<1x112xi32, #tpu.memory_space<vmem>> -> memref<112xi32, #tpu.memory_space<vmem>>
        %dma_start3A_807 = arith.constant 0 : i32
        %dma_start3A_808 = arith.constant 0 : i32
        %dma_start3A_809 = tpu.memref_slice %arg5[%dma_start3A_807, %dma_start3A_808] : memref<1000000x64xf32, #tpu.memory_space<hbm>> -> memref<1000000x64xf32, #tpu.memory_space<hbm>>
        tpu.enqueue_indirect_dma source(%dma_start3A_809 : memref<1000000x64xf32, #tpu.memory_space<hbm>>) target(%dma_start3A_803 : memref<112x64xf32, #tpu.memory_space<vmem>>) offsets(%dma_start3A_806 : memref<112xi32, #tpu.memory_space<vmem>>) semaphore(%arg14 : memref<!tpu.dma_semaphore, #tpu.memory_space<semaphore_mem>>)
      } else {
      }
      %add3A_439 = arith.constant 1 : i32
      %add3A_440 = arith.addi %mul3A_73, %add3A_439 : i32
      %mul3A_441 = arith.constant 2 : i32
      %mul3A_442 = arith.muli %add3A_440, %mul3A_441 : i32
      %add3A_443 = arith.constant 0 : i32
      %add3A_444 = arith.addi %mul3A_442, %add3A_443 : i32
      %dma_wait3A_445 = arith.constant 0 : i32
      %dma_wait3A_446 = arith.constant 0 : i32
      %dma_wait3A_447 = tpu.memref_slice %arg10[%dma_wait3A_445, %dma_wait3A_446] : memref<160x64xf32, #tpu.memory_space<vmem>> -> memref<80x64xf32, #tpu.memory_space<vmem>>
      %dma_wait3A_448 = arith.constant 0 : i32
      %dma_wait3A_449 = tpu.memref_slice %arg7[%add3A_444, %dma_wait3A_448] : memref<64x80xi32, #tpu.memory_space<vmem>> -> memref<1x80xi32, #tpu.memory_space<vmem>>
      %dma_wait3A_450 = tpu.memref_squeeze %dma_wait3A_449 : memref<1x80xi32, #tpu.memory_space<vmem>> -> memref<80xi32, #tpu.memory_space<vmem>>
      %dma_wait3A_451 = arith.constant 0 : i32
      %dma_wait3A_452 = arith.constant 0 : i32
      %dma_wait3A_453 = tpu.memref_slice %arg4[%dma_wait3A_451, %dma_wait3A_452] : memref<1000000x64xf32, #tpu.memory_space<hbm>> -> memref<1000000x64xf32, #tpu.memory_space<hbm>>
      tpu.wait_indirect_dma semaphore(%arg15 : memref<!tpu.dma_semaphore, #tpu.memory_space<semaphore_mem>>) src(%dma_wait3A_453 : memref<1000000x64xf32, #tpu.memory_space<hbm>>) dst(%dma_wait3A_447 : memref<80x64xf32, #tpu.memory_space<vmem>>)
      %mul3A_454 = arith.constant 2 : i32
      %mul3A_455 = arith.muli %add3A_440, %mul3A_454 : i32
      %add3A_456 = arith.constant 1 : i32
      %add3A_457 = arith.addi %mul3A_455, %add3A_456 : i32
      %dma_wait3A_458 = arith.constant 80 : i32
      %dma_wait3A_459 = arith.constant 0 : i32
      %dma_wait3A_460 = tpu.memref_slice %arg10[%dma_wait3A_458, %dma_wait3A_459] : memref<160x64xf32, #tpu.memory_space<vmem>> -> memref<80x64xf32, #tpu.memory_space<vmem>>
      %dma_wait3A_461 = arith.constant 0 : i32
      %dma_wait3A_462 = tpu.memref_slice %arg7[%add3A_457, %dma_wait3A_461] : memref<64x80xi32, #tpu.memory_space<vmem>> -> memref<1x80xi32, #tpu.memory_space<vmem>>
      %dma_wait3A_463 = tpu.memref_squeeze %dma_wait3A_462 : memref<1x80xi32, #tpu.memory_space<vmem>> -> memref<80xi32, #tpu.memory_space<vmem>>
      %dma_wait3A_464 = arith.constant 0 : i32
      %dma_wait3A_465 = arith.constant 0 : i32
      %dma_wait3A_466 = tpu.memref_slice %arg4[%dma_wait3A_464, %dma_wait3A_465] : memref<1000000x64xf32, #tpu.memory_space<hbm>> -> memref<1000000x64xf32, #tpu.memory_space<hbm>>
      tpu.wait_indirect_dma semaphore(%arg15 : memref<!tpu.dma_semaphore, #tpu.memory_space<semaphore_mem>>) src(%dma_wait3A_466 : memref<1000000x64xf32, #tpu.memory_space<hbm>>) dst(%dma_wait3A_460 : memref<80x64xf32, #tpu.memory_space<vmem>>)
      %mul3A_467 = arith.constant 3 : i32
      %mul3A_468 = arith.muli %add3A_440, %mul3A_467 : i32
      %add3A_469 = arith.constant 0 : i32
      %add3A_470 = arith.addi %mul3A_468, %add3A_469 : i32
      %dma_wait3A_471 = arith.constant 0 : i32
      %dma_wait3A_472 = arith.constant 0 : i32
      %dma_wait3A_473 = tpu.memref_slice %arg12[%dma_wait3A_471, %dma_wait3A_472] : memref<336x64xf32, #tpu.memory_space<vmem>> -> memref<112x64xf32, #tpu.memory_space<vmem>>
      %dma_wait3A_474 = arith.constant 0 : i32
      %dma_wait3A_475 = tpu.memref_slice %arg8[%add3A_470, %dma_wait3A_474] : memref<96x112xi32, #tpu.memory_space<vmem>> -> memref<1x112xi32, #tpu.memory_space<vmem>>
      %dma_wait3A_476 = tpu.memref_squeeze %dma_wait3A_475 : memref<1x112xi32, #tpu.memory_space<vmem>> -> memref<112xi32, #tpu.memory_space<vmem>>
      %dma_wait3A_477 = arith.constant 0 : i32
      %dma_wait3A_478 = arith.constant 0 : i32
      %dma_wait3A_479 = tpu.memref_slice %arg5[%dma_wait3A_477, %dma_wait3A_478] : memref<1000000x64xf32, #tpu.memory_space<hbm>> -> memref<1000000x64xf32, #tpu.memory_space<hbm>>
      tpu.wait_indirect_dma semaphore(%arg15 : memref<!tpu.dma_semaphore, #tpu.memory_space<semaphore_mem>>) src(%dma_wait3A_479 : memref<1000000x64xf32, #tpu.memory_space<hbm>>) dst(%dma_wait3A_473 : memref<112x64xf32, #tpu.memory_space<vmem>>)
      %mul3A_480 = arith.constant 3 : i32
      %mul3A_481 = arith.muli %add3A_440, %mul3A_480 : i32
      %add3A_482 = arith.constant 1 : i32
      %add3A_483 = arith.addi %mul3A_481, %add3A_482 : i32
      %dma_wait3A_484 = arith.constant 112 : i32
      %dma_wait3A_485 = arith.constant 0 : i32
      %dma_wait3A_486 = tpu.memref_slice %arg12[%dma_wait3A_484, %dma_wait3A_485] : memref<336x64xf32, #tpu.memory_space<vmem>> -> memref<112x64xf32, #tpu.memory_space<vmem>>
      %dma_wait3A_487 = arith.constant 0 : i32
      %dma_wait3A_488 = tpu.memref_slice %arg8[%add3A_483, %dma_wait3A_487] : memref<96x112xi32, #tpu.memory_space<vmem>> -> memref<1x112xi32, #tpu.memory_space<vmem>>
      %dma_wait3A_489 = tpu.memref_squeeze %dma_wait3A_488 : memref<1x112xi32, #tpu.memory_space<vmem>> -> memref<112xi32, #tpu.memory_space<vmem>>
      %dma_wait3A_490 = arith.constant 0 : i32
      %dma_wait3A_491 = arith.constant 0 : i32
      %dma_wait3A_492 = tpu.memref_slice %arg5[%dma_wait3A_490, %dma_wait3A_491] : memref<1000000x64xf32, #tpu.memory_space<hbm>> -> memref<1000000x64xf32, #tpu.memory_space<hbm>>
      tpu.wait_indirect_dma semaphore(%arg15 : memref<!tpu.dma_semaphore, #tpu.memory_space<semaphore_mem>>) src(%dma_wait3A_492 : memref<1000000x64xf32, #tpu.memory_space<hbm>>) dst(%dma_wait3A_486 : memref<112x64xf32, #tpu.memory_space<vmem>>)
      %mul3A_493 = arith.constant 3 : i32
      %mul3A_494 = arith.muli %add3A_440, %mul3A_493 : i32
      %add3A_495 = arith.constant 2 : i32
      %add3A_496 = arith.addi %mul3A_494, %add3A_495 : i32
      %dma_wait3A_497 = arith.constant 224 : i32
      %dma_wait3A_498 = arith.constant 0 : i32
      %dma_wait3A_499 = tpu.memref_slice %arg12[%dma_wait3A_497, %dma_wait3A_498] : memref<336x64xf32, #tpu.memory_space<vmem>> -> memref<112x64xf32, #tpu.memory_space<vmem>>
      %dma_wait3A_500 = arith.constant 0 : i32
      %dma_wait3A_501 = tpu.memref_slice %arg8[%add3A_496, %dma_wait3A_500] : memref<96x112xi32, #tpu.memory_space<vmem>> -> memref<1x112xi32, #tpu.memory_space<vmem>>
      %dma_wait3A_502 = tpu.memref_squeeze %dma_wait3A_501 : memref<1x112xi32, #tpu.memory_space<vmem>> -> memref<112xi32, #tpu.memory_space<vmem>>
      %dma_wait3A_503 = arith.constant 0 : i32
      %dma_wait3A_504 = arith.constant 0 : i32
      %dma_wait3A_505 = tpu.memref_slice %arg5[%dma_wait3A_503, %dma_wait3A_504] : memref<1000000x64xf32, #tpu.memory_space<hbm>> -> memref<1000000x64xf32, #tpu.memory_space<hbm>>
      tpu.wait_indirect_dma semaphore(%arg15 : memref<!tpu.dma_semaphore, #tpu.memory_space<semaphore_mem>>) src(%dma_wait3A_505 : memref<1000000x64xf32, #tpu.memory_space<hbm>>) dst(%dma_wait3A_499 : memref<112x64xf32, #tpu.memory_space<vmem>>)
      %add3A_506 = arith.constant 1 : i32
      %add3A_507 = arith.addi %mul3A_73, %add3A_506 : i32
      %broadcast_in_dim3A_508 = arith.constant 0.000000e+00 : f32
      %broadcast_in_dim3A_509 = vector.broadcast %broadcast_in_dim3A_508 : f32 to vector<16xf32>
      %broadcast_in_dim3A_510 = arith.constant 0.000000e+00 : f32
      %broadcast_in_dim3A_511 = vector.broadcast %broadcast_in_dim3A_510 : f32 to vector<16xf32>
      %broadcast_in_dim3A_512 = arith.constant 0.000000e+00 : f32
      %broadcast_in_dim3A_513 = vector.broadcast %broadcast_in_dim3A_512 : f32 to vector<16xf32>
      %broadcast_in_dim3A_514 = arith.constant 0.000000e+00 : f32
      %broadcast_in_dim3A_515 = vector.broadcast %broadcast_in_dim3A_514 : f32 to vector<16xf32>
      %broadcast_in_dim3A_516 = arith.constant 0.000000e+00 : f32
      %broadcast_in_dim3A_517 = vector.broadcast %broadcast_in_dim3A_516 : f32 to vector<16xf32>
      %broadcast_in_dim3A_518 = arith.constant 0.000000e+00 : f32
      %broadcast_in_dim3A_519 = vector.broadcast %broadcast_in_dim3A_518 : f32 to vector<16xf32>
      %broadcast_in_dim3A_520 = arith.constant 0.000000e+00 : f32
      %broadcast_in_dim3A_521 = vector.broadcast %broadcast_in_dim3A_520 : f32 to vector<16xf32>
      %broadcast_in_dim3A_522 = arith.constant 0.000000e+00 : f32
      %broadcast_in_dim3A_523 = vector.broadcast %broadcast_in_dim3A_522 : f32 to vector<16xf32>
      %broadcast_in_dim3A_524 = arith.constant 0.000000e+00 : f32
      %broadcast_in_dim3A_525 = vector.broadcast %broadcast_in_dim3A_524 : f32 to vector<16xf32>
      %broadcast_in_dim3A_526 = arith.constant 0.000000e+00 : f32
      %broadcast_in_dim3A_527 = vector.broadcast %broadcast_in_dim3A_526 : f32 to vector<16xf32>
      %broadcast_in_dim3A_528 = arith.constant 0.000000e+00 : f32
      %broadcast_in_dim3A_529 = vector.broadcast %broadcast_in_dim3A_528 : f32 to vector<16xf32>
      %broadcast_in_dim3A_530 = arith.constant 0.000000e+00 : f32
      %broadcast_in_dim3A_531 = vector.broadcast %broadcast_in_dim3A_530 : f32 to vector<16xf32>
      %broadcast_in_dim3A_532 = arith.constant 0.000000e+00 : f32
      %broadcast_in_dim3A_533 = vector.broadcast %broadcast_in_dim3A_532 : f32 to vector<16xf32>
      %broadcast_in_dim3A_534 = arith.constant 0.000000e+00 : f32
      %broadcast_in_dim3A_535 = vector.broadcast %broadcast_in_dim3A_534 : f32 to vector<16xf32>
      %broadcast_in_dim3A_536 = arith.constant 0.000000e+00 : f32
      %broadcast_in_dim3A_537 = vector.broadcast %broadcast_in_dim3A_536 : f32 to vector<16xf32>
      %broadcast_in_dim3A_538 = arith.constant 0.000000e+00 : f32
      %broadcast_in_dim3A_539 = vector.broadcast %broadcast_in_dim3A_538 : f32 to vector<16xf32>
      %broadcast_in_dim3A_540 = arith.constant 0.000000e+00 : f32
      %broadcast_in_dim3A_541 = vector.broadcast %broadcast_in_dim3A_540 : f32 to vector<16xf32>
      %broadcast_in_dim3A_542 = arith.constant 0.000000e+00 : f32
      %broadcast_in_dim3A_543 = vector.broadcast %broadcast_in_dim3A_542 : f32 to vector<16xf32>
      %broadcast_in_dim3A_544 = arith.constant 0.000000e+00 : f32
      %broadcast_in_dim3A_545 = vector.broadcast %broadcast_in_dim3A_544 : f32 to vector<16xf32>
      %broadcast_in_dim3A_546 = arith.constant 0.000000e+00 : f32
      %broadcast_in_dim3A_547 = vector.broadcast %broadcast_in_dim3A_546 : f32 to vector<16xf32>
      %broadcast_in_dim3A_548 = arith.constant 0.000000e+00 : f32
      %broadcast_in_dim3A_549 = vector.broadcast %broadcast_in_dim3A_548 : f32 to vector<16xf32>
      %parallel_loop3A_550 = arith.constant 0 : i32
      %parallel_loop3A_551 = arith.constant 64 : i32
      %parallel_loop3A_552 = arith.constant 1 : i32
      %parallel_loop3A_553:21 = scf.for %parallel_loop3A_743 = %parallel_loop3A_550 to %parallel_loop3A_551 step %parallel_loop3A_552 iter_args(%parallel_loop3A_744 = %broadcast_in_dim3A_509, %parallel_loop3A_745 = %broadcast_in_dim3A_511, %parallel_loop3A_746 = %broadcast_in_dim3A_513, %parallel_loop3A_747 = %broadcast_in_dim3A_515, %parallel_loop3A_748 = %broadcast_in_dim3A_517, %parallel_loop3A_749 = %broadcast_in_dim3A_519, %parallel_loop3A_750 = %broadcast_in_dim3A_521, %parallel_loop3A_751 = %broadcast_in_dim3A_523, %parallel_loop3A_752 = %broadcast_in_dim3A_525, %parallel_loop3A_753 = %broadcast_in_dim3A_527, %parallel_loop3A_754 = %broadcast_in_dim3A_529, %parallel_loop3A_755 = %broadcast_in_dim3A_531, %parallel_loop3A_756 = %broadcast_in_dim3A_533, %parallel_loop3A_757 = %broadcast_in_dim3A_535, %parallel_loop3A_758 = %broadcast_in_dim3A_537, %parallel_loop3A_759 = %broadcast_in_dim3A_539, %parallel_loop3A_760 = %broadcast_in_dim3A_541, %parallel_loop3A_761 = %broadcast_in_dim3A_543, %parallel_loop3A_762 = %broadcast_in_dim3A_545, %parallel_loop3A_763 = %broadcast_in_dim3A_547, %parallel_loop3A_764 = %broadcast_in_dim3A_549) -> (vector<16xf32>, vector<16xf32>, vector<16xf32>, vector<16xf32>, vector<16xf32>, vector<16xf32>, vector<16xf32>, vector<16xf32>, vector<16xf32>, vector<16xf32>, vector<16xf32>, vector<16xf32>, vector<16xf32>, vector<16xf32>, vector<16xf32>, vector<16xf32>, vector<16xf32>, vector<16xf32>, vector<16xf32>, vector<16xf32>, vector<16xf32>)  : i32 {
        %parallel_loop3A_765 = vector.broadcast %parallel_loop3A_743 : i32 to vector<16xi32>
        %parallel_loop3A_766 = arith.addi %iota3A, %parallel_loop3A_765 : vector<16xi32>
        %parallel_loop3A_767 = arith.constant 63 : i32
        %parallel_loop3A_768 = vector.broadcast %parallel_loop3A_767 : i32 to vector<16xi32>
        %parallel_loop3A_769 = arith.andi %parallel_loop3A_766, %parallel_loop3A_768 : vector<16xi32>
        %parallel_loop3A_770 = tpu.vector_load_idx %arg10[%mul3A_3, %parallel_loop3A_769] : memref<160x64xf32, #tpu.memory_space<vmem>>[vector<16xi32>, vector<16xi32>], vector<16xf32>,
        %parallel_loop3A_771 = arith.constant 1 : i32
        %parallel_loop3A_772 = vector.broadcast %parallel_loop3A_771 : i32 to vector<16xi32>
        %parallel_loop3A_773 = arith.addi %mul3A_3, %parallel_loop3A_772 : vector<16xi32>
        %parallel_loop3A_774 = tpu.vector_load_idx %arg10[%parallel_loop3A_773, %parallel_loop3A_769] : memref<160x64xf32, #tpu.memory_space<vmem>>[vector<16xi32>, vector<16xi32>], vector<16xf32>,
        %parallel_loop3A_775 = arith.addf %parallel_loop3A_770, %parallel_loop3A_774 : vector<16xf32>
        %parallel_loop3A_776 = arith.constant 2 : i32
        %parallel_loop3A_777 = vector.broadcast %parallel_loop3A_776 : i32 to vector<16xi32>
        %parallel_loop3A_778 = arith.addi %mul3A_3, %parallel_loop3A_777 : vector<16xi32>
        %parallel_loop3A_779 = tpu.vector_load_idx %arg10[%parallel_loop3A_778, %parallel_loop3A_769] : memref<160x64xf32, #tpu.memory_space<vmem>>[vector<16xi32>, vector<16xi32>], vector<16xf32>,
        %parallel_loop3A_780 = arith.addf %parallel_loop3A_775, %parallel_loop3A_779 : vector<16xf32>
        %parallel_loop3A_781 = arith.constant 3 : i32
        %parallel_loop3A_782 = vector.broadcast %parallel_loop3A_781 : i32 to vector<16xi32>
        %parallel_loop3A_783 = arith.addi %mul3A_3, %parallel_loop3A_782 : vector<16xi32>
        %parallel_loop3A_784 = tpu.vector_load_idx %arg10[%parallel_loop3A_783, %parallel_loop3A_769] : memref<160x64xf32, #tpu.memory_space<vmem>>[vector<16xi32>, vector<16xi32>], vector<16xf32>,
        %parallel_loop3A_785 = arith.addf %parallel_loop3A_780, %parallel_loop3A_784 : vector<16xf32>
        %parallel_loop3A_786 = arith.constant 4 : i32
        %parallel_loop3A_787 = vector.broadcast %parallel_loop3A_786 : i32 to vector<16xi32>
        %parallel_loop3A_788 = arith.addi %mul3A_3, %parallel_loop3A_787 : vector<16xi32>
        %parallel_loop3A_789 = tpu.vector_load_idx %arg10[%parallel_loop3A_788, %parallel_loop3A_769] : memref<160x64xf32, #tpu.memory_space<vmem>>[vector<16xi32>, vector<16xi32>], vector<16xf32>,
        %parallel_loop3A_790 = arith.addf %parallel_loop3A_785, %parallel_loop3A_789 : vector<16xf32>
        %parallel_loop3A_791 = arith.constant 5 : i32
        %parallel_loop3A_792 = vector.broadcast %parallel_loop3A_791 : i32 to vector<16xi32>
        %parallel_loop3A_793 = arith.addi %mul3A_3, %parallel_loop3A_792 : vector<16xi32>
        %parallel_loop3A_794 = tpu.vector_load_idx %arg10[%parallel_loop3A_793, %parallel_loop3A_769] : memref<160x64xf32, #tpu.memory_space<vmem>>[vector<16xi32>, vector<16xi32>], vector<16xf32>,
        %parallel_loop3A_795 = arith.addf %parallel_loop3A_790, %parallel_loop3A_794 : vector<16xf32>
        %parallel_loop3A_796 = arith.constant 6 : i32
        %parallel_loop3A_797 = vector.broadcast %parallel_loop3A_796 : i32 to vector<16xi32>
        %parallel_loop3A_798 = arith.addi %mul3A_3, %parallel_loop3A_797 : vector<16xi32>
        %parallel_loop3A_799 = tpu.vector_load_idx %arg10[%parallel_loop3A_798, %parallel_loop3A_769] : memref<160x64xf32, #tpu.memory_space<vmem>>[vector<16xi32>, vector<16xi32>], vector<16xf32>,
        %parallel_loop3A_800 = arith.addf %parallel_loop3A_795, %parallel_loop3A_799 : vector<16xf32>
        %parallel_loop3A_801 = arith.constant 7 : i32
        %parallel_loop3A_802 = vector.broadcast %parallel_loop3A_801 : i32 to vector<16xi32>
        %parallel_loop3A_803 = arith.addi %mul3A_3, %parallel_loop3A_802 : vector<16xi32>
        %parallel_loop3A_804 = tpu.vector_load_idx %arg10[%parallel_loop3A_803, %parallel_loop3A_769] : memref<160x64xf32, #tpu.memory_space<vmem>>[vector<16xi32>, vector<16xi32>], vector<16xf32>,
        %parallel_loop3A_805 = arith.addf %parallel_loop3A_800, %parallel_loop3A_804 : vector<16xf32>
        %parallel_loop3A_806 = arith.constant 8 : i32
        %parallel_loop3A_807 = vector.broadcast %parallel_loop3A_806 : i32 to vector<16xi32>
        %parallel_loop3A_808 = arith.addi %mul3A_3, %parallel_loop3A_807 : vector<16xi32>
        %parallel_loop3A_809 = tpu.vector_load_idx %arg10[%parallel_loop3A_808, %parallel_loop3A_769] : memref<160x64xf32, #tpu.memory_space<vmem>>[vector<16xi32>, vector<16xi32>], vector<16xf32>,
        %parallel_loop3A_810 = arith.addf %parallel_loop3A_805, %parallel_loop3A_809 : vector<16xf32>
        %parallel_loop3A_811 = arith.constant 9 : i32
        %parallel_loop3A_812 = vector.broadcast %parallel_loop3A_811 : i32 to vector<16xi32>
        %parallel_loop3A_813 = arith.addi %mul3A_3, %parallel_loop3A_812 : vector<16xi32>
        %parallel_loop3A_814 = tpu.vector_load_idx %arg10[%parallel_loop3A_813, %parallel_loop3A_769] : memref<160x64xf32, #tpu.memory_space<vmem>>[vector<16xi32>, vector<16xi32>], vector<16xf32>,
        %parallel_loop3A_815 = arith.addf %parallel_loop3A_810, %parallel_loop3A_814 : vector<16xf32>
        %parallel_loop3A_816 = arith.constant 0 : i32
        %parallel_loop3A_817 = vector.broadcast %parallel_loop3A_816 : i32 to vector<16xi32>
        %parallel_loop3A_818 = arith.addi %mul3A_6, %parallel_loop3A_817 : vector<16xi32>
        %parallel_loop3A_819 = tpu.vector_load_idx %arg12[%parallel_loop3A_818, %parallel_loop3A_769] : memref<336x64xf32, #tpu.memory_space<vmem>>[vector<16xi32>, vector<16xi32>], vector<16xf32>,
        %parallel_loop3A_820 = arith.mulf %parallel_loop3A_815, %parallel_loop3A_819 : vector<16xf32>
        %parallel_loop3A_821 = arith.addf %parallel_loop3A_744, %parallel_loop3A_820 : vector<16xf32>
        %parallel_loop3A_822 = arith.constant 1 : i32
        %parallel_loop3A_823 = vector.broadcast %parallel_loop3A_822 : i32 to vector<16xi32>
        %parallel_loop3A_824 = arith.addi %mul3A_6, %parallel_loop3A_823 : vector<16xi32>
        %parallel_loop3A_825 = tpu.vector_load_idx %arg12[%parallel_loop3A_824, %parallel_loop3A_769] : memref<336x64xf32, #tpu.memory_space<vmem>>[vector<16xi32>, vector<16xi32>], vector<16xf32>,
        %parallel_loop3A_826 = arith.mulf %parallel_loop3A_815, %parallel_loop3A_825 : vector<16xf32>
        %parallel_loop3A_827 = arith.addf %parallel_loop3A_745, %parallel_loop3A_826 : vector<16xf32>
        %parallel_loop3A_828 = arith.constant 2 : i32
        %parallel_loop3A_829 = vector.broadcast %parallel_loop3A_828 : i32 to vector<16xi32>
        %parallel_loop3A_830 = arith.addi %mul3A_6, %parallel_loop3A_829 : vector<16xi32>
        %parallel_loop3A_831 = tpu.vector_load_idx %arg12[%parallel_loop3A_830, %parallel_loop3A_769] : memref<336x64xf32, #tpu.memory_space<vmem>>[vector<16xi32>, vector<16xi32>], vector<16xf32>,
        %parallel_loop3A_832 = arith.mulf %parallel_loop3A_815, %parallel_loop3A_831 : vector<16xf32>
        %parallel_loop3A_833 = arith.addf %parallel_loop3A_746, %parallel_loop3A_832 : vector<16xf32>
        %parallel_loop3A_834 = arith.constant 3 : i32
        %parallel_loop3A_835 = vector.broadcast %parallel_loop3A_834 : i32 to vector<16xi32>
        %parallel_loop3A_836 = arith.addi %mul3A_6, %parallel_loop3A_835 : vector<16xi32>
        %parallel_loop3A_837 = tpu.vector_load_idx %arg12[%parallel_loop3A_836, %parallel_loop3A_769] : memref<336x64xf32, #tpu.memory_space<vmem>>[vector<16xi32>, vector<16xi32>], vector<16xf32>,
        %parallel_loop3A_838 = arith.mulf %parallel_loop3A_815, %parallel_loop3A_837 : vector<16xf32>
        %parallel_loop3A_839 = arith.addf %parallel_loop3A_747, %parallel_loop3A_838 : vector<16xf32>
        %parallel_loop3A_840 = arith.constant 4 : i32
        %parallel_loop3A_841 = vector.broadcast %parallel_loop3A_840 : i32 to vector<16xi32>
        %parallel_loop3A_842 = arith.addi %mul3A_6, %parallel_loop3A_841 : vector<16xi32>
        %parallel_loop3A_843 = tpu.vector_load_idx %arg12[%parallel_loop3A_842, %parallel_loop3A_769] : memref<336x64xf32, #tpu.memory_space<vmem>>[vector<16xi32>, vector<16xi32>], vector<16xf32>,
        %parallel_loop3A_844 = arith.mulf %parallel_loop3A_815, %parallel_loop3A_843 : vector<16xf32>
        %parallel_loop3A_845 = arith.addf %parallel_loop3A_748, %parallel_loop3A_844 : vector<16xf32>
        %parallel_loop3A_846 = arith.constant 5 : i32
        %parallel_loop3A_847 = vector.broadcast %parallel_loop3A_846 : i32 to vector<16xi32>
        %parallel_loop3A_848 = arith.addi %mul3A_6, %parallel_loop3A_847 : vector<16xi32>
        %parallel_loop3A_849 = tpu.vector_load_idx %arg12[%parallel_loop3A_848, %parallel_loop3A_769] : memref<336x64xf32, #tpu.memory_space<vmem>>[vector<16xi32>, vector<16xi32>], vector<16xf32>,
        %parallel_loop3A_850 = arith.mulf %parallel_loop3A_815, %parallel_loop3A_849 : vector<16xf32>
        %parallel_loop3A_851 = arith.addf %parallel_loop3A_749, %parallel_loop3A_850 : vector<16xf32>
        %parallel_loop3A_852 = arith.constant 6 : i32
        %parallel_loop3A_853 = vector.broadcast %parallel_loop3A_852 : i32 to vector<16xi32>
        %parallel_loop3A_854 = arith.addi %mul3A_6, %parallel_loop3A_853 : vector<16xi32>
        %parallel_loop3A_855 = tpu.vector_load_idx %arg12[%parallel_loop3A_854, %parallel_loop3A_769] : memref<336x64xf32, #tpu.memory_space<vmem>>[vector<16xi32>, vector<16xi32>], vector<16xf32>,
        %parallel_loop3A_856 = arith.mulf %parallel_loop3A_815, %parallel_loop3A_855 : vector<16xf32>
        %parallel_loop3A_857 = arith.addf %parallel_loop3A_750, %parallel_loop3A_856 : vector<16xf32>
        %parallel_loop3A_858 = arith.constant 7 : i32
        %parallel_loop3A_859 = vector.broadcast %parallel_loop3A_858 : i32 to vector<16xi32>
        %parallel_loop3A_860 = arith.addi %mul3A_6, %parallel_loop3A_859 : vector<16xi32>
        %parallel_loop3A_861 = tpu.vector_load_idx %arg12[%parallel_loop3A_860, %parallel_loop3A_769] : memref<336x64xf32, #tpu.memory_space<vmem>>[vector<16xi32>, vector<16xi32>], vector<16xf32>,
        %parallel_loop3A_862 = arith.mulf %parallel_loop3A_815, %parallel_loop3A_861 : vector<16xf32>
        %parallel_loop3A_863 = arith.addf %parallel_loop3A_751, %parallel_loop3A_862 : vector<16xf32>
        %parallel_loop3A_864 = arith.constant 8 : i32
        %parallel_loop3A_865 = vector.broadcast %parallel_loop3A_864 : i32 to vector<16xi32>
        %parallel_loop3A_866 = arith.addi %mul3A_6, %parallel_loop3A_865 : vector<16xi32>
        %parallel_loop3A_867 = tpu.vector_load_idx %arg12[%parallel_loop3A_866, %parallel_loop3A_769] : memref<336x64xf32, #tpu.memory_space<vmem>>[vector<16xi32>, vector<16xi32>], vector<16xf32>,
        %parallel_loop3A_868 = arith.mulf %parallel_loop3A_815, %parallel_loop3A_867 : vector<16xf32>
        %parallel_loop3A_869 = arith.addf %parallel_loop3A_752, %parallel_loop3A_868 : vector<16xf32>
        %parallel_loop3A_870 = arith.constant 9 : i32
        %parallel_loop3A_871 = vector.broadcast %parallel_loop3A_870 : i32 to vector<16xi32>
        %parallel_loop3A_872 = arith.addi %mul3A_6, %parallel_loop3A_871 : vector<16xi32>
        %parallel_loop3A_873 = tpu.vector_load_idx %arg12[%parallel_loop3A_872, %parallel_loop3A_769] : memref<336x64xf32, #tpu.memory_space<vmem>>[vector<16xi32>, vector<16xi32>], vector<16xf32>,
        %parallel_loop3A_874 = arith.mulf %parallel_loop3A_815, %parallel_loop3A_873 : vector<16xf32>
        %parallel_loop3A_875 = arith.addf %parallel_loop3A_753, %parallel_loop3A_874 : vector<16xf32>
        %parallel_loop3A_876 = arith.constant 10 : i32
        %parallel_loop3A_877 = vector.broadcast %parallel_loop3A_876 : i32 to vector<16xi32>
        %parallel_loop3A_878 = arith.addi %mul3A_6, %parallel_loop3A_877 : vector<16xi32>
        %parallel_loop3A_879 = tpu.vector_load_idx %arg12[%parallel_loop3A_878, %parallel_loop3A_769] : memref<336x64xf32, #tpu.memory_space<vmem>>[vector<16xi32>, vector<16xi32>], vector<16xf32>,
        %parallel_loop3A_880 = arith.mulf %parallel_loop3A_815, %parallel_loop3A_879 : vector<16xf32>
        %parallel_loop3A_881 = arith.addf %parallel_loop3A_754, %parallel_loop3A_880 : vector<16xf32>
        %parallel_loop3A_882 = arith.constant 11 : i32
        %parallel_loop3A_883 = vector.broadcast %parallel_loop3A_882 : i32 to vector<16xi32>
        %parallel_loop3A_884 = arith.addi %mul3A_6, %parallel_loop3A_883 : vector<16xi32>
        %parallel_loop3A_885 = tpu.vector_load_idx %arg12[%parallel_loop3A_884, %parallel_loop3A_769] : memref<336x64xf32, #tpu.memory_space<vmem>>[vector<16xi32>, vector<16xi32>], vector<16xf32>,
        %parallel_loop3A_886 = arith.mulf %parallel_loop3A_815, %parallel_loop3A_885 : vector<16xf32>
        %parallel_loop3A_887 = arith.addf %parallel_loop3A_755, %parallel_loop3A_886 : vector<16xf32>
        %parallel_loop3A_888 = arith.constant 12 : i32
        %parallel_loop3A_889 = vector.broadcast %parallel_loop3A_888 : i32 to vector<16xi32>
        %parallel_loop3A_890 = arith.addi %mul3A_6, %parallel_loop3A_889 : vector<16xi32>
        %parallel_loop3A_891 = tpu.vector_load_idx %arg12[%parallel_loop3A_890, %parallel_loop3A_769] : memref<336x64xf32, #tpu.memory_space<vmem>>[vector<16xi32>, vector<16xi32>], vector<16xf32>,
        %parallel_loop3A_892 = arith.mulf %parallel_loop3A_815, %parallel_loop3A_891 : vector<16xf32>
        %parallel_loop3A_893 = arith.addf %parallel_loop3A_756, %parallel_loop3A_892 : vector<16xf32>
        %parallel_loop3A_894 = arith.constant 13 : i32
        %parallel_loop3A_895 = vector.broadcast %parallel_loop3A_894 : i32 to vector<16xi32>
        %parallel_loop3A_896 = arith.addi %mul3A_6, %parallel_loop3A_895 : vector<16xi32>
        %parallel_loop3A_897 = tpu.vector_load_idx %arg12[%parallel_loop3A_896, %parallel_loop3A_769] : memref<336x64xf32, #tpu.memory_space<vmem>>[vector<16xi32>, vector<16xi32>], vector<16xf32>,
        %parallel_loop3A_898 = arith.mulf %parallel_loop3A_815, %parallel_loop3A_897 : vector<16xf32>
        %parallel_loop3A_899 = arith.addf %parallel_loop3A_757, %parallel_loop3A_898 : vector<16xf32>
        %parallel_loop3A_900 = arith.constant 14 : i32
        %parallel_loop3A_901 = vector.broadcast %parallel_loop3A_900 : i32 to vector<16xi32>
        %parallel_loop3A_902 = arith.addi %mul3A_6, %parallel_loop3A_901 : vector<16xi32>
        %parallel_loop3A_903 = tpu.vector_load_idx %arg12[%parallel_loop3A_902, %parallel_loop3A_769] : memref<336x64xf32, #tpu.memory_space<vmem>>[vector<16xi32>, vector<16xi32>], vector<16xf32>,
        %parallel_loop3A_904 = arith.mulf %parallel_loop3A_815, %parallel_loop3A_903 : vector<16xf32>
        %parallel_loop3A_905 = arith.addf %parallel_loop3A_758, %parallel_loop3A_904 : vector<16xf32>
        %parallel_loop3A_906 = arith.constant 15 : i32
        %parallel_loop3A_907 = vector.broadcast %parallel_loop3A_906 : i32 to vector<16xi32>
        %parallel_loop3A_908 = arith.addi %mul3A_6, %parallel_loop3A_907 : vector<16xi32>
        %parallel_loop3A_909 = tpu.vector_load_idx %arg12[%parallel_loop3A_908, %parallel_loop3A_769] : memref<336x64xf32, #tpu.memory_space<vmem>>[vector<16xi32>, vector<16xi32>], vector<16xf32>,
        %parallel_loop3A_910 = arith.mulf %parallel_loop3A_815, %parallel_loop3A_909 : vector<16xf32>
        %parallel_loop3A_911 = arith.addf %parallel_loop3A_759, %parallel_loop3A_910 : vector<16xf32>
        %parallel_loop3A_912 = arith.constant 16 : i32
        %parallel_loop3A_913 = vector.broadcast %parallel_loop3A_912 : i32 to vector<16xi32>
        %parallel_loop3A_914 = arith.addi %mul3A_6, %parallel_loop3A_913 : vector<16xi32>
        %parallel_loop3A_915 = tpu.vector_load_idx %arg12[%parallel_loop3A_914, %parallel_loop3A_769] : memref<336x64xf32, #tpu.memory_space<vmem>>[vector<16xi32>, vector<16xi32>], vector<16xf32>,
        %parallel_loop3A_916 = arith.mulf %parallel_loop3A_815, %parallel_loop3A_915 : vector<16xf32>
        %parallel_loop3A_917 = arith.addf %parallel_loop3A_760, %parallel_loop3A_916 : vector<16xf32>
        %parallel_loop3A_918 = arith.constant 17 : i32
        %parallel_loop3A_919 = vector.broadcast %parallel_loop3A_918 : i32 to vector<16xi32>
        %parallel_loop3A_920 = arith.addi %mul3A_6, %parallel_loop3A_919 : vector<16xi32>
        %parallel_loop3A_921 = tpu.vector_load_idx %arg12[%parallel_loop3A_920, %parallel_loop3A_769] : memref<336x64xf32, #tpu.memory_space<vmem>>[vector<16xi32>, vector<16xi32>], vector<16xf32>,
        %parallel_loop3A_922 = arith.mulf %parallel_loop3A_815, %parallel_loop3A_921 : vector<16xf32>
        %parallel_loop3A_923 = arith.addf %parallel_loop3A_761, %parallel_loop3A_922 : vector<16xf32>
        %parallel_loop3A_924 = arith.constant 18 : i32
        %parallel_loop3A_925 = vector.broadcast %parallel_loop3A_924 : i32 to vector<16xi32>
        %parallel_loop3A_926 = arith.addi %mul3A_6, %parallel_loop3A_925 : vector<16xi32>
        %parallel_loop3A_927 = tpu.vector_load_idx %arg12[%parallel_loop3A_926, %parallel_loop3A_769] : memref<336x64xf32, #tpu.memory_space<vmem>>[vector<16xi32>, vector<16xi32>], vector<16xf32>,
        %parallel_loop3A_928 = arith.mulf %parallel_loop3A_815, %parallel_loop3A_927 : vector<16xf32>
        %parallel_loop3A_929 = arith.addf %parallel_loop3A_762, %parallel_loop3A_928 : vector<16xf32>
        %parallel_loop3A_930 = arith.constant 19 : i32
        %parallel_loop3A_931 = vector.broadcast %parallel_loop3A_930 : i32 to vector<16xi32>
        %parallel_loop3A_932 = arith.addi %mul3A_6, %parallel_loop3A_931 : vector<16xi32>
        %parallel_loop3A_933 = tpu.vector_load_idx %arg12[%parallel_loop3A_932, %parallel_loop3A_769] : memref<336x64xf32, #tpu.memory_space<vmem>>[vector<16xi32>, vector<16xi32>], vector<16xf32>,
        %parallel_loop3A_934 = arith.mulf %parallel_loop3A_815, %parallel_loop3A_933 : vector<16xf32>
        %parallel_loop3A_935 = arith.addf %parallel_loop3A_763, %parallel_loop3A_934 : vector<16xf32>
        %parallel_loop3A_936 = arith.constant 20 : i32
        %parallel_loop3A_937 = vector.broadcast %parallel_loop3A_936 : i32 to vector<16xi32>
        %parallel_loop3A_938 = arith.addi %mul3A_6, %parallel_loop3A_937 : vector<16xi32>
        %parallel_loop3A_939 = tpu.vector_load_idx %arg12[%parallel_loop3A_938, %parallel_loop3A_769] : memref<336x64xf32, #tpu.memory_space<vmem>>[vector<16xi32>, vector<16xi32>], vector<16xf32>,
        %parallel_loop3A_940 = arith.mulf %parallel_loop3A_815, %parallel_loop3A_939 : vector<16xf32>
        %parallel_loop3A_941 = arith.addf %parallel_loop3A_764, %parallel_loop3A_940 : vector<16xf32>
        scf.yield %parallel_loop3A_821, %parallel_loop3A_827, %parallel_loop3A_833, %parallel_loop3A_839, %parallel_loop3A_845, %parallel_loop3A_851, %parallel_loop3A_857, %parallel_loop3A_863, %parallel_loop3A_869, %parallel_loop3A_875, %parallel_loop3A_881, %parallel_loop3A_887, %parallel_loop3A_893, %parallel_loop3A_899, %parallel_loop3A_905, %parallel_loop3A_911, %parallel_loop3A_917, %parallel_loop3A_923, %parallel_loop3A_929, %parallel_loop3A_935, %parallel_loop3A_941 : vector<16xf32>, vector<16xf32>, vector<16xf32>, vector<16xf32>, vector<16xf32>, vector<16xf32>, vector<16xf32>, vector<16xf32>, vector<16xf32>, vector<16xf32>, vector<16xf32>, vector<16xf32>, vector<16xf32>, vector<16xf32>, vector<16xf32>, vector<16xf32>, vector<16xf32>, vector<16xf32>, vector<16xf32>, vector<16xf32>, vector<16xf32>
      } {sc.loop_unroll_factor = 4 : i64, sc.parallel_access}
      %mul3A_554 = arith.constant 1.000000e-01 : f32
      %mul3A_555 = vector.broadcast %mul3A_554 : f32 to vector<16xf32>
      %mul3A_556 = arith.mulf %parallel_loop3A_553#0, %mul3A_555 : vector<16xf32>
      %mul3A_557 = arith.constant 16 : i32
      %mul3A_558 = arith.muli %add3A_507, %mul3A_557 : i32
      %swap3A_559 = arith.constant 0 : i32
      %swap3A_560 = arith.index_cast %swap3A_559 : i32 to index
      %swap3A_561 = arith.index_cast %mul3A_558 : i32 to index
      %swap3A_562 = tpu.vector_load %arg13[%swap3A_560, %swap3A_561] {strides = array<i32>} : memref<21x512xf32, #tpu.memory_space<vmem>>, vector<16xf32>,
      tpu.vector_store %arg13[%swap3A_560, %swap3A_561], %mul3A_556 {strides = array<i32>} : memref<21x512xf32, #tpu.memory_space<vmem>>, vector<16xf32>,
      %mul3A_563 = arith.constant 1.000000e-01 : f32
      %mul3A_564 = vector.broadcast %mul3A_563 : f32 to vector<16xf32>
      %mul3A_565 = arith.mulf %parallel_loop3A_553#1, %mul3A_564 : vector<16xf32>
      %mul3A_566 = arith.constant 16 : i32
      %mul3A_567 = arith.muli %add3A_507, %mul3A_566 : i32
      %swap3A_568 = arith.constant 1 : i32
      %swap3A_569 = arith.index_cast %swap3A_568 : i32 to index
      %swap3A_570 = arith.index_cast %mul3A_567 : i32 to index
      %swap3A_571 = tpu.vector_load %arg13[%swap3A_569, %swap3A_570] {strides = array<i32>} : memref<21x512xf32, #tpu.memory_space<vmem>>, vector<16xf32>,
      tpu.vector_store %arg13[%swap3A_569, %swap3A_570], %mul3A_565 {strides = array<i32>} : memref<21x512xf32, #tpu.memory_space<vmem>>, vector<16xf32>,
      %mul3A_572 = arith.constant 1.000000e-01 : f32
      %mul3A_573 = vector.broadcast %mul3A_572 : f32 to vector<16xf32>
      %mul3A_574 = arith.mulf %parallel_loop3A_553#2, %mul3A_573 : vector<16xf32>
      %mul3A_575 = arith.constant 16 : i32
      %mul3A_576 = arith.muli %add3A_507, %mul3A_575 : i32
      %swap3A_577 = arith.constant 2 : i32
      %swap3A_578 = arith.index_cast %swap3A_577 : i32 to index
      %swap3A_579 = arith.index_cast %mul3A_576 : i32 to index
      %swap3A_580 = tpu.vector_load %arg13[%swap3A_578, %swap3A_579] {strides = array<i32>} : memref<21x512xf32, #tpu.memory_space<vmem>>, vector<16xf32>,
      tpu.vector_store %arg13[%swap3A_578, %swap3A_579], %mul3A_574 {strides = array<i32>} : memref<21x512xf32, #tpu.memory_space<vmem>>, vector<16xf32>,
      %mul3A_581 = arith.constant 1.000000e-01 : f32
      %mul3A_582 = vector.broadcast %mul3A_581 : f32 to vector<16xf32>
      %mul3A_583 = arith.mulf %parallel_loop3A_553#3, %mul3A_582 : vector<16xf32>
      %mul3A_584 = arith.constant 16 : i32
      %mul3A_585 = arith.muli %add3A_507, %mul3A_584 : i32
      %swap3A_586 = arith.constant 3 : i32
      %swap3A_587 = arith.index_cast %swap3A_586 : i32 to index
      %swap3A_588 = arith.index_cast %mul3A_585 : i32 to index
      %swap3A_589 = tpu.vector_load %arg13[%swap3A_587, %swap3A_588] {strides = array<i32>} : memref<21x512xf32, #tpu.memory_space<vmem>>, vector<16xf32>,
      tpu.vector_store %arg13[%swap3A_587, %swap3A_588], %mul3A_583 {strides = array<i32>} : memref<21x512xf32, #tpu.memory_space<vmem>>, vector<16xf32>,
      %mul3A_590 = arith.constant 1.000000e-01 : f32
      %mul3A_591 = vector.broadcast %mul3A_590 : f32 to vector<16xf32>
      %mul3A_592 = arith.mulf %parallel_loop3A_553#4, %mul3A_591 : vector<16xf32>
      %mul3A_593 = arith.constant 16 : i32
      %mul3A_594 = arith.muli %add3A_507, %mul3A_593 : i32
      %swap3A_595 = arith.constant 4 : i32
      %swap3A_596 = arith.index_cast %swap3A_595 : i32 to index
      %swap3A_597 = arith.index_cast %mul3A_594 : i32 to index
      %swap3A_598 = tpu.vector_load %arg13[%swap3A_596, %swap3A_597] {strides = array<i32>} : memref<21x512xf32, #tpu.memory_space<vmem>>, vector<16xf32>,
      tpu.vector_store %arg13[%swap3A_596, %swap3A_597], %mul3A_592 {strides = array<i32>} : memref<21x512xf32, #tpu.memory_space<vmem>>, vector<16xf32>,
      %mul3A_599 = arith.constant 1.000000e-01 : f32
      %mul3A_600 = vector.broadcast %mul3A_599 : f32 to vector<16xf32>
      %mul3A_601 = arith.mulf %parallel_loop3A_553#5, %mul3A_600 : vector<16xf32>
      %mul3A_602 = arith.constant 16 : i32
      %mul3A_603 = arith.muli %add3A_507, %mul3A_602 : i32
      %swap3A_604 = arith.constant 5 : i32
      %swap3A_605 = arith.index_cast %swap3A_604 : i32 to index
      %swap3A_606 = arith.index_cast %mul3A_603 : i32 to index
      %swap3A_607 = tpu.vector_load %arg13[%swap3A_605, %swap3A_606] {strides = array<i32>} : memref<21x512xf32, #tpu.memory_space<vmem>>, vector<16xf32>,
      tpu.vector_store %arg13[%swap3A_605, %swap3A_606], %mul3A_601 {strides = array<i32>} : memref<21x512xf32, #tpu.memory_space<vmem>>, vector<16xf32>,
      %mul3A_608 = arith.constant 1.000000e-01 : f32
      %mul3A_609 = vector.broadcast %mul3A_608 : f32 to vector<16xf32>
      %mul3A_610 = arith.mulf %parallel_loop3A_553#6, %mul3A_609 : vector<16xf32>
      %mul3A_611 = arith.constant 16 : i32
      %mul3A_612 = arith.muli %add3A_507, %mul3A_611 : i32
      %swap3A_613 = arith.constant 6 : i32
      %swap3A_614 = arith.index_cast %swap3A_613 : i32 to index
      %swap3A_615 = arith.index_cast %mul3A_612 : i32 to index
      %swap3A_616 = tpu.vector_load %arg13[%swap3A_614, %swap3A_615] {strides = array<i32>} : memref<21x512xf32, #tpu.memory_space<vmem>>, vector<16xf32>,
      tpu.vector_store %arg13[%swap3A_614, %swap3A_615], %mul3A_610 {strides = array<i32>} : memref<21x512xf32, #tpu.memory_space<vmem>>, vector<16xf32>,
      %mul3A_617 = arith.constant 1.000000e-01 : f32
      %mul3A_618 = vector.broadcast %mul3A_617 : f32 to vector<16xf32>
      %mul3A_619 = arith.mulf %parallel_loop3A_553#7, %mul3A_618 : vector<16xf32>
      %mul3A_620 = arith.constant 16 : i32
      %mul3A_621 = arith.muli %add3A_507, %mul3A_620 : i32
      %swap3A_622 = arith.constant 7 : i32
      %swap3A_623 = arith.index_cast %swap3A_622 : i32 to index
      %swap3A_624 = arith.index_cast %mul3A_621 : i32 to index
      %swap3A_625 = tpu.vector_load %arg13[%swap3A_623, %swap3A_624] {strides = array<i32>} : memref<21x512xf32, #tpu.memory_space<vmem>>, vector<16xf32>,
      tpu.vector_store %arg13[%swap3A_623, %swap3A_624], %mul3A_619 {strides = array<i32>} : memref<21x512xf32, #tpu.memory_space<vmem>>, vector<16xf32>,
      %mul3A_626 = arith.constant 1.000000e-01 : f32
      %mul3A_627 = vector.broadcast %mul3A_626 : f32 to vector<16xf32>
      %mul3A_628 = arith.mulf %parallel_loop3A_553#8, %mul3A_627 : vector<16xf32>
      %mul3A_629 = arith.constant 16 : i32
      %mul3A_630 = arith.muli %add3A_507, %mul3A_629 : i32
      %swap3A_631 = arith.constant 8 : i32
      %swap3A_632 = arith.index_cast %swap3A_631 : i32 to index
      %swap3A_633 = arith.index_cast %mul3A_630 : i32 to index
      %swap3A_634 = tpu.vector_load %arg13[%swap3A_632, %swap3A_633] {strides = array<i32>} : memref<21x512xf32, #tpu.memory_space<vmem>>, vector<16xf32>,
      tpu.vector_store %arg13[%swap3A_632, %swap3A_633], %mul3A_628 {strides = array<i32>} : memref<21x512xf32, #tpu.memory_space<vmem>>, vector<16xf32>,
      %mul3A_635 = arith.constant 1.000000e-01 : f32
      %mul3A_636 = vector.broadcast %mul3A_635 : f32 to vector<16xf32>
      %mul3A_637 = arith.mulf %parallel_loop3A_553#9, %mul3A_636 : vector<16xf32>
      %mul3A_638 = arith.constant 16 : i32
      %mul3A_639 = arith.muli %add3A_507, %mul3A_638 : i32
      %swap3A_640 = arith.constant 9 : i32
      %swap3A_641 = arith.index_cast %swap3A_640 : i32 to index
      %swap3A_642 = arith.index_cast %mul3A_639 : i32 to index
      %swap3A_643 = tpu.vector_load %arg13[%swap3A_641, %swap3A_642] {strides = array<i32>} : memref<21x512xf32, #tpu.memory_space<vmem>>, vector<16xf32>,
      tpu.vector_store %arg13[%swap3A_641, %swap3A_642], %mul3A_637 {strides = array<i32>} : memref<21x512xf32, #tpu.memory_space<vmem>>, vector<16xf32>,
      %mul3A_644 = arith.constant 1.000000e-01 : f32
      %mul3A_645 = vector.broadcast %mul3A_644 : f32 to vector<16xf32>
      %mul3A_646 = arith.mulf %parallel_loop3A_553#10, %mul3A_645 : vector<16xf32>
      %mul3A_647 = arith.constant 16 : i32
      %mul3A_648 = arith.muli %add3A_507, %mul3A_647 : i32
      %swap3A_649 = arith.constant 10 : i32
      %swap3A_650 = arith.index_cast %swap3A_649 : i32 to index
      %swap3A_651 = arith.index_cast %mul3A_648 : i32 to index
      %swap3A_652 = tpu.vector_load %arg13[%swap3A_650, %swap3A_651] {strides = array<i32>} : memref<21x512xf32, #tpu.memory_space<vmem>>, vector<16xf32>,
      tpu.vector_store %arg13[%swap3A_650, %swap3A_651], %mul3A_646 {strides = array<i32>} : memref<21x512xf32, #tpu.memory_space<vmem>>, vector<16xf32>,
      %mul3A_653 = arith.constant 1.000000e-01 : f32
      %mul3A_654 = vector.broadcast %mul3A_653 : f32 to vector<16xf32>
      %mul3A_655 = arith.mulf %parallel_loop3A_553#11, %mul3A_654 : vector<16xf32>
      %mul3A_656 = arith.constant 16 : i32
      %mul3A_657 = arith.muli %add3A_507, %mul3A_656 : i32
      %swap3A_658 = arith.constant 11 : i32
      %swap3A_659 = arith.index_cast %swap3A_658 : i32 to index
      %swap3A_660 = arith.index_cast %mul3A_657 : i32 to index
      %swap3A_661 = tpu.vector_load %arg13[%swap3A_659, %swap3A_660] {strides = array<i32>} : memref<21x512xf32, #tpu.memory_space<vmem>>, vector<16xf32>,
      tpu.vector_store %arg13[%swap3A_659, %swap3A_660], %mul3A_655 {strides = array<i32>} : memref<21x512xf32, #tpu.memory_space<vmem>>, vector<16xf32>,
      %mul3A_662 = arith.constant 1.000000e-01 : f32
      %mul3A_663 = vector.broadcast %mul3A_662 : f32 to vector<16xf32>
      %mul3A_664 = arith.mulf %parallel_loop3A_553#12, %mul3A_663 : vector<16xf32>
      %mul3A_665 = arith.constant 16 : i32
      %mul3A_666 = arith.muli %add3A_507, %mul3A_665 : i32
      %swap3A_667 = arith.constant 12 : i32
      %swap3A_668 = arith.index_cast %swap3A_667 : i32 to index
      %swap3A_669 = arith.index_cast %mul3A_666 : i32 to index
      %swap3A_670 = tpu.vector_load %arg13[%swap3A_668, %swap3A_669] {strides = array<i32>} : memref<21x512xf32, #tpu.memory_space<vmem>>, vector<16xf32>,
      tpu.vector_store %arg13[%swap3A_668, %swap3A_669], %mul3A_664 {strides = array<i32>} : memref<21x512xf32, #tpu.memory_space<vmem>>, vector<16xf32>,
      %mul3A_671 = arith.constant 1.000000e-01 : f32
      %mul3A_672 = vector.broadcast %mul3A_671 : f32 to vector<16xf32>
      %mul3A_673 = arith.mulf %parallel_loop3A_553#13, %mul3A_672 : vector<16xf32>
      %mul3A_674 = arith.constant 16 : i32
      %mul3A_675 = arith.muli %add3A_507, %mul3A_674 : i32
      %swap3A_676 = arith.constant 13 : i32
      %swap3A_677 = arith.index_cast %swap3A_676 : i32 to index
      %swap3A_678 = arith.index_cast %mul3A_675 : i32 to index
      %swap3A_679 = tpu.vector_load %arg13[%swap3A_677, %swap3A_678] {strides = array<i32>} : memref<21x512xf32, #tpu.memory_space<vmem>>, vector<16xf32>,
      tpu.vector_store %arg13[%swap3A_677, %swap3A_678], %mul3A_673 {strides = array<i32>} : memref<21x512xf32, #tpu.memory_space<vmem>>, vector<16xf32>,
      %mul3A_680 = arith.constant 1.000000e-01 : f32
      %mul3A_681 = vector.broadcast %mul3A_680 : f32 to vector<16xf32>
      %mul3A_682 = arith.mulf %parallel_loop3A_553#14, %mul3A_681 : vector<16xf32>
      %mul3A_683 = arith.constant 16 : i32
      %mul3A_684 = arith.muli %add3A_507, %mul3A_683 : i32
      %swap3A_685 = arith.constant 14 : i32
      %swap3A_686 = arith.index_cast %swap3A_685 : i32 to index
      %swap3A_687 = arith.index_cast %mul3A_684 : i32 to index
      %swap3A_688 = tpu.vector_load %arg13[%swap3A_686, %swap3A_687] {strides = array<i32>} : memref<21x512xf32, #tpu.memory_space<vmem>>, vector<16xf32>,
      tpu.vector_store %arg13[%swap3A_686, %swap3A_687], %mul3A_682 {strides = array<i32>} : memref<21x512xf32, #tpu.memory_space<vmem>>, vector<16xf32>,
      %mul3A_689 = arith.constant 1.000000e-01 : f32
      %mul3A_690 = vector.broadcast %mul3A_689 : f32 to vector<16xf32>
      %mul3A_691 = arith.mulf %parallel_loop3A_553#15, %mul3A_690 : vector<16xf32>
      %mul3A_692 = arith.constant 16 : i32
      %mul3A_693 = arith.muli %add3A_507, %mul3A_692 : i32
      %swap3A_694 = arith.constant 15 : i32
      %swap3A_695 = arith.index_cast %swap3A_694 : i32 to index
      %swap3A_696 = arith.index_cast %mul3A_693 : i32 to index
      %swap3A_697 = tpu.vector_load %arg13[%swap3A_695, %swap3A_696] {strides = array<i32>} : memref<21x512xf32, #tpu.memory_space<vmem>>, vector<16xf32>,
      tpu.vector_store %arg13[%swap3A_695, %swap3A_696], %mul3A_691 {strides = array<i32>} : memref<21x512xf32, #tpu.memory_space<vmem>>, vector<16xf32>,
      %mul3A_698 = arith.constant 1.000000e-01 : f32
      %mul3A_699 = vector.broadcast %mul3A_698 : f32 to vector<16xf32>
      %mul3A_700 = arith.mulf %parallel_loop3A_553#16, %mul3A_699 : vector<16xf32>
      %mul3A_701 = arith.constant 16 : i32
      %mul3A_702 = arith.muli %add3A_507, %mul3A_701 : i32
      %swap3A_703 = arith.constant 16 : i32
      %swap3A_704 = arith.index_cast %swap3A_703 : i32 to index
      %swap3A_705 = arith.index_cast %mul3A_702 : i32 to index
      %swap3A_706 = tpu.vector_load %arg13[%swap3A_704, %swap3A_705] {strides = array<i32>} : memref<21x512xf32, #tpu.memory_space<vmem>>, vector<16xf32>,
      tpu.vector_store %arg13[%swap3A_704, %swap3A_705], %mul3A_700 {strides = array<i32>} : memref<21x512xf32, #tpu.memory_space<vmem>>, vector<16xf32>,
      %mul3A_707 = arith.constant 1.000000e-01 : f32
      %mul3A_708 = vector.broadcast %mul3A_707 : f32 to vector<16xf32>
      %mul3A_709 = arith.mulf %parallel_loop3A_553#17, %mul3A_708 : vector<16xf32>
      %mul3A_710 = arith.constant 16 : i32
      %mul3A_711 = arith.muli %add3A_507, %mul3A_710 : i32
      %swap3A_712 = arith.constant 17 : i32
      %swap3A_713 = arith.index_cast %swap3A_712 : i32 to index
      %swap3A_714 = arith.index_cast %mul3A_711 : i32 to index
      %swap3A_715 = tpu.vector_load %arg13[%swap3A_713, %swap3A_714] {strides = array<i32>} : memref<21x512xf32, #tpu.memory_space<vmem>>, vector<16xf32>,
      tpu.vector_store %arg13[%swap3A_713, %swap3A_714], %mul3A_709 {strides = array<i32>} : memref<21x512xf32, #tpu.memory_space<vmem>>, vector<16xf32>,
      %mul3A_716 = arith.constant 1.000000e-01 : f32
      %mul3A_717 = vector.broadcast %mul3A_716 : f32 to vector<16xf32>
      %mul3A_718 = arith.mulf %parallel_loop3A_553#18, %mul3A_717 : vector<16xf32>
      %mul3A_719 = arith.constant 16 : i32
      %mul3A_720 = arith.muli %add3A_507, %mul3A_719 : i32
      %swap3A_721 = arith.constant 18 : i32
      %swap3A_722 = arith.index_cast %swap3A_721 : i32 to index
      %swap3A_723 = arith.index_cast %mul3A_720 : i32 to index
      %swap3A_724 = tpu.vector_load %arg13[%swap3A_722, %swap3A_723] {strides = array<i32>} : memref<21x512xf32, #tpu.memory_space<vmem>>, vector<16xf32>,
      tpu.vector_store %arg13[%swap3A_722, %swap3A_723], %mul3A_718 {strides = array<i32>} : memref<21x512xf32, #tpu.memory_space<vmem>>, vector<16xf32>,
      %mul3A_725 = arith.constant 1.000000e-01 : f32
      %mul3A_726 = vector.broadcast %mul3A_725 : f32 to vector<16xf32>
      %mul3A_727 = arith.mulf %parallel_loop3A_553#19, %mul3A_726 : vector<16xf32>
      %mul3A_728 = arith.constant 16 : i32
      %mul3A_729 = arith.muli %add3A_507, %mul3A_728 : i32
      %swap3A_730 = arith.constant 19 : i32
      %swap3A_731 = arith.index_cast %swap3A_730 : i32 to index
      %swap3A_732 = arith.index_cast %mul3A_729 : i32 to index
      %swap3A_733 = tpu.vector_load %arg13[%swap3A_731, %swap3A_732] {strides = array<i32>} : memref<21x512xf32, #tpu.memory_space<vmem>>, vector<16xf32>,
      tpu.vector_store %arg13[%swap3A_731, %swap3A_732], %mul3A_727 {strides = array<i32>} : memref<21x512xf32, #tpu.memory_space<vmem>>, vector<16xf32>,
      %mul3A_734 = arith.constant 1.000000e-01 : f32
      %mul3A_735 = vector.broadcast %mul3A_734 : f32 to vector<16xf32>
      %mul3A_736 = arith.mulf %parallel_loop3A_553#20, %mul3A_735 : vector<16xf32>
      %mul3A_737 = arith.constant 16 : i32
      %mul3A_738 = arith.muli %add3A_507, %mul3A_737 : i32
      %swap3A_739 = arith.constant 20 : i32
      %swap3A_740 = arith.index_cast %swap3A_739 : i32 to index
      %swap3A_741 = arith.index_cast %mul3A_738 : i32 to index
      %swap3A_742 = tpu.vector_load %arg13[%swap3A_740, %swap3A_741] {strides = array<i32>} : memref<21x512xf32, #tpu.memory_space<vmem>>, vector<16xf32>,
      tpu.vector_store %arg13[%swap3A_740, %swap3A_741], %mul3A_736 {strides = array<i32>} : memref<21x512xf32, #tpu.memory_space<vmem>>, vector<16xf32>,
    }
    %scan3A_68 = arith.constant 16 : i32
    %mul3A_69 = arith.constant 512 : i32
    %mul3A_70 = arith.muli %add3A, %mul3A_69 : i32
    "tpu.region"() ({
      %run_scoped3A = tpu.sem_alloc : memref<!tpu.dma_semaphore, #tpu.memory_space<semaphore_mem>>
      %dma_start3A_71 = arith.constant 0 : i32
      %dma_start3A_72 = tpu.memref_slice %arg6[%dma_start3A_71, %mul3A_70] : memref<21x16384xf32, #tpu.memory_space<hbm>> -> memref<21x512xf32, #tpu.memory_space<hbm>>
      %dma_start3A_73 = arith.constant 0 : i32
      %dma_start3A_74 = tpu.memref_slice %arg6[%dma_start3A_73, %mul3A_70] : memref<21x16384xf32, #tpu.memory_space<hbm>> -> memref<21x512xf32, #tpu.memory_space<hbm>>
      tpu.enqueue_dma source(%arg13 : memref<21x512xf32, #tpu.memory_space<vmem>>) target(%dma_start3A_74 : memref<21x512xf32, #tpu.memory_space<hbm>>) target_semaphore(%run_scoped3A : memref<!tpu.dma_semaphore, #tpu.memory_space<semaphore_mem>>)
      %dma_wait3A = arith.constant 0 : i32
      %dma_wait3A_75 = tpu.memref_slice %arg6[%dma_wait3A, %mul3A_70] : memref<21x16384xf32, #tpu.memory_space<hbm>> -> memref<21x512xf32, #tpu.memory_space<hbm>>
      %dma_wait3A_76 = arith.constant 0 : i32
      %dma_wait3A_77 = tpu.memref_slice %arg6[%dma_wait3A_76, %mul3A_70] : memref<21x16384xf32, #tpu.memory_space<hbm>> -> memref<21x512xf32, #tpu.memory_space<hbm>>
      tpu.wait_dma2 semaphore(%run_scoped3A : memref<!tpu.dma_semaphore, #tpu.memory_space<semaphore_mem>>) src(%arg13 : memref<21x512xf32, #tpu.memory_space<vmem>>) dst(%dma_wait3A_77 : memref<21x512xf32, #tpu.memory_space<hbm>>)
      tpu.yield
    }) : () -> ()
    return
  }
}

module attributes {stable_mosaic.version = 14 : i64} {
  func.func @_loss_body(%arg0: memref<2688x128xf32, #tpu.memory_space<vmem>>, %arg1: memref<1x1xf32, #tpu.memory_space<smem>>) attributes {dimension_semantics = [], scalar_prefetch = 0 : i64, scratch_operands = 0 : i64, tpu.core_type = #tpu.core_type<tc>} {
    %get3A = arith.constant 0 : index
    %get3A_0 = arith.constant 0 : index
    %get3A_1 = vector.load %arg0[%get3A, %get3A_0] : memref<2688x128xf32, #tpu.memory_space<vmem>>, vector<2688x128xf32>
    %iota3A = tpu.iota {dimensions = array<i32: 0>} : vector<2688x128xi32>
    %lt3A = arith.constant 128 : i32
    %lt3A_2 = vector.broadcast %lt3A : i32 to vector<2688x128xi32>
    %lt3A_3 = arith.cmpi slt, %iota3A, %lt3A_2 : vector<2688x128xi32>
    %convert_element_type3A = arith.extui %lt3A_3 : vector<2688x128xi1> to vector<2688x128xi32>
    %convert_element_type3A_4 = arith.sitofp %convert_element_type3A : vector<2688x128xi32> to vector<2688x128xf32>
    %max3A = arith.constant 0.000000e+00 : f32
    %max3A_5 = vector.broadcast %max3A : f32 to vector<2688x128xf32>
    %max3A_6 = arith.maximumf %get3A_1, %max3A_5 : vector<2688x128xf32>
    %mul3A = arith.mulf %get3A_1, %convert_element_type3A_4 : vector<2688x128xf32>
    %sub3A = arith.subf %max3A_6, %mul3A : vector<2688x128xf32>
    %abs3A = math.absf %get3A_1 : vector<2688x128xf32>
    %neg3A = arith.constant 0.000000e+00 : f32
    %neg3A_7 = vector.broadcast %neg3A : f32 to vector<2688x128xf32>
    %neg3A_8 = arith.subf %neg3A_7, %abs3A : vector<2688x128xf32>
    %exp3A = math.exp %neg3A_8 : vector<2688x128xf32>
    %log1p3A = math.log1p %exp3A : vector<2688x128xf32>
    %add3A = arith.addf %sub3A, %log1p3A : vector<2688x128xf32>
    %reduce_sum3A = vector.shape_cast %add3A : vector<2688x128xf32> to vector<1x2688x128xf32>
    %reduce_sum3A_9 = arith.constant dense<0.000000e+00> : vector<1xf32>
    %reduce_sum3A_10 = vector.multi_reduction <add>, %reduce_sum3A, %reduce_sum3A_9 [1, 2] : vector<1x2688x128xf32> to vector<1xf32>
    %reduce_sum3A_11 = vector.shape_cast %reduce_sum3A_10 : vector<1xf32> to vector<1x1x1xf32>
    %reduce_sum3A_12 = vector.extract %reduce_sum3A_11[0, 0, 0] : f32 from vector<1x1x1xf32>
    %div3A = arith.constant 3.440640e+05 : f32
    %div3A_13 = arith.divf %reduce_sum3A_12, %div3A : f32
    %swap3A = arith.constant 0 : index
    %swap3A_14 = arith.constant 0 : index
    %swap3A_15 = memref.load %arg1[%swap3A, %swap3A_14] : memref<1x1xf32, #tpu.memory_space<smem>>
    memref.store %div3A_13, %arg1[%swap3A, %swap3A_14] : memref<1x1xf32, #tpu.memory_space<smem>>
    return
  }
}

</mosaic_0001>

<sc_bundles>
// kernel: kernel.4.cloned.1.call-start
scs
__scs_entry_jumppad:
0x0: {  	(pc) =	sbr.rel $0x88, $3  }
0x1: {  	(tag) =	ssettag $0x0;
	lr =	simm.s32 $0x1  }
0x2: {  	[smem:$0x3F9C] =	sst lr;
	_ =	strace $0xD0000000  }
0x3: {  	_ = 	snop  }
0x4: {  	_ = 	snop  }
0x5: {  	_ = 	snop  }
0x6: {  	_ = 	snop  }
0x7: {  	_ = 	snop  }
__scs_overlays_trampoline_lowered:
0x8: {  	[smem:$0x3FAB] =	sst s0  }
0x9: {  	[smem:$0x3FAC] =	sst s1  }
0xa: {  	[smem:$0x3FAD] =	sst s2  }
0xb: {  	[smem:$0x3FAE] =	sst s3  }
0xc: {  	[smem:$0x3FAF] =	sst s4  }
0xd: {  	[smem:$0x3FB0] =	sst s5  }
0xe: {  	[smem:$0x3FB1] =	sst s6  }
0xf: {  	[smem:$0x3FB2] =	sst s7  }
0x10: {  	[smem:$0x3FB3] =	sst s8  }
0x11: {  	[smem:$0x3FB4] =	sst s9;
	s0 =	simm.s32 @!p0 $0x0  }
0x12: {  	s1 =	sld [smem:$0x3F9A];
	s0 =	simm.s32 @p0 $0x1  }
0x13: {  	[smem:$0x3FB5] =	sst s0;
	s0 =	simm.s32 @!p1 $0x0  }
0x14: {  	s2 =	sld [smem:$0x3F99];
	s0 =	simm.s32 @p1 $0x1  }
0x15: {  	[smem:$0x3FB6] =	sst s0;
	s0 =	simm.s32 @!p2 $0x0  }
0x16: {  	s3 =	sld [smem:$0x3FDB];
	s0 =	simm.s32 @p2 $0x1  }
0x17: {  	s4 =	simm.s32 $0x1BF5;
	[smem:$0x3FB8] =	sst s0  }
0x18: {  	s0 =	sld [smem:$0x3F9B];
	_ =	swait.ge [sflag:s4], $0x0  }
0x19: {  	s7 =	sld [smem:$0x3F9C]  }
0x1a: {  	s8 =	sadd.s32 $0xFFFFE003, lr  }
0x1b: {  	s9 =	sadd.s32 $0xFFFFFEF7, lr;
	s5 =	simm.s32 $0xFFFFFFFF;
	p2 =	slt.u32 s8, $0xFFFFF086  }
0x1c: {  	p1 =	slt.u32 s9, $0xF7A;
	s5 =	simm.s32 @!p2 $0x0  }
0x1d: {  	s5 =	simm.s32 @p1 $0x1;
	p0 =	seq.s32 s7, s2  }
0x1e: {  	s7 =	smul.u32 @!p0 $0xF7A, s2;
	p2 =	seq.s32 @!p0 s5, $0x0  }
0x1f: {  	s9 =	smul.u32 $0xF7A, s1;
	s8 =	simm.s32 @!p0 $0x1BF5;
	p2 =	por !p2, p0  }
0x20: {  	[sflag:s8] =	ssyncset.s32 @!p0 $0xFFFFF086;
	s6 =	sadd.s32 @!p0 s3, s7;
	s7 =	simm.s32 @!p0 $0x108  }
0x21: {  	s3 =	sadd.s32 s3, s9;
	s6 =	sadd.s32 @!p0 $0x88, s6;
	s7 =	simm.s32 @p2 $0x1082  }
0x22: {  	[simem:s7], [sflag:s8] =	dma.local @!p0 [hbm:s6], $0xF7A  }
0x23: {  	s9 =	sor.u32 $0xD0000000, s2;
	s6 =	simm.s32 $0x108;
	_ =	swait.ge @!p0 [sflag:s8], $0x0  }
0x24: {  	s3 =	sadd.s32 $0x88, s3;
	s6 =	simm.s32 @!p1 $0x1082;
	[sflag:s4] =	ssyncset.s32 $0xFFFFF086  }
0x25: {  	[simem:s6], [sflag:s4] =	dma.local [hbm:s3], $0xF7A  }
0x26: {  	[smem:$0x3F9C] =	sst s1;
	(tag) =	ssettag s2;
	_ =	strace s9  }
0x27: {  	s1 =	sld [smem:$0x3FAC]  }
0x28: {  	s2 =	sld [smem:$0x3FAD]  }
0x29: {  	s4 =	sld [smem:$0x3FAF]  }
0x2a: {  	p0 =	seq.s32 s5, $0x0;
	s5 =	sld [smem:$0x3FB0]  }
0x2b: {  	s6 =	sld [smem:$0x3FB1]  }
0x2c: {  	s7 =	sld [smem:$0x3FB2]  }
0x2d: {  	s3 =	simm.s32 $0x108;
	s8 =	sld [smem:$0x3FB3]  }
0x2e: {  	s3 =	simm.s32 @!p0 $0x1082;
	s9 =	sld [smem:$0x3FB4]  }
0x2f: {  	lr =	sadd.s32 s0, s3;
	s0 =	sld [smem:$0x3FAB]  }
0x30: {  	s3 =	sld [smem:$0x3FAE]  }
0x31: {  	[smem:$0x3FB7] =	sst s10  }
0x32: {  	s10 =	sld [smem:$0x3FB5];
	_ =	sdelay $0x3  }
0x33: {  	p0 =	seq.s32 s10, $0x1;
	s10 =	sld [smem:$0x3FB7];
	_ =	sdelay $0x3  }
0x34: {  	[smem:$0x3FB7] =	sst s10  }
0x35: {  	s10 =	sld [smem:$0x3FB6];
	_ =	sdelay $0x3  }
0x36: {  	p1 =	seq.s32 s10, $0x1;
	s10 =	sld [smem:$0x3FB7];
	_ =	sdelay $0x3  }
0x37: {  	[smem:$0x3FB7] =	sst s10  }
0x38: {  	s10 =	sld [smem:$0x3FB8]  }
0x39: {  	_ = 	snop;
	(pc) =	sbr.ind lr, $3  }
0x3a: {  	_ = 	snop  }
0x3b: {  	_ = 	snop  }
0x3c: {  	p2 =	seq.s32 s10, $0x1;
	s10 =	sld [smem:$0x3FB7]  }
0x3d: {  	_ =	shalt  }
0x3e: {  	_ =	shalt  }
0x3f: {  	_ =	shalt  }
0x40: {  	_ =	shalt  }
0x41: {  	_ =	shalt  }
0x42: {  	_ =	shalt  }
0x43: {  	_ =	shalt  }
0x44: {  	_ =	shalt  }
0x45: {  	_ =	shalt  }
0x46: {  	_ =	shalt  }
0x47: {  	_ =	shalt  }
0x48: {  	_ =	shalt  }
0x49: {  	_ =	shalt  }
0x4a: {  	_ =	shalt  }
0x4b: {  	_ =	shalt  }
0x4c: {  	_ =	shalt  }
0x4d: {  	_ =	shalt  }
0x4e: {  	_ =	shalt  }
0x4f: {  	_ =	shalt  }
0x50: {  	_ =	shalt  }
0x51: {  	_ =	shalt  }
0x52: {  	_ =	shalt  }
0x53: {  	_ =	shalt  }
0x54: {  	_ =	shalt  }
0x55: {  	_ =	shalt  }
0x56: {  	_ =	shalt  }
0x57: {  	_ =	shalt  }
0x58: {  	_ =	shalt  }
0x59: {  	_ =	shalt  }
0x5a: {  	_ =	shalt  }
0x5b: {  	_ =	shalt  }
0x5c: {  	_ =	shalt  }
0x5d: {  	_ =	shalt  }
0x5e: {  	_ =	shalt  }
0x5f: {  	_ =	shalt  }
0x60: {  	_ =	shalt  }
0x61: {  	_ =	shalt  }
0x62: {  	_ =	shalt  }
0x63: {  	_ =	shalt  }
0x64: {  	_ =	shalt  }
0x65: {  	_ =	shalt  }
0x66: {  	_ =	shalt  }
0x67: {  	_ =	shalt  }
0x68: {  	_ =	shalt  }
0x69: {  	_ =	shalt  }
0x6a: {  	_ =	shalt  }
0x6b: {  	_ =	shalt  }
0x6c: {  	_ =	shalt  }
0x6d: {  	_ =	shalt  }
0x6e: {  	_ =	shalt  }
0x6f: {  	_ =	shalt  }
0x70: {  	_ =	shalt  }
0x71: {  	_ =	shalt  }
0x72: {  	_ =	shalt  }
0x73: {  	_ =	shalt  }
0x74: {  	_ =	shalt  }
0x75: {  	_ =	shalt  }
0x76: {  	_ =	shalt  }
0x77: {  	_ =	shalt  }
0x78: {  	_ =	shalt  }
0x79: {  	_ =	shalt  }
0x7a: {  	_ =	shalt  }
0x7b: {  	_ =	shalt  }
0x7c: {  	_ =	shalt  }
0x7d: {  	_ =	shalt  }
0x7e: {  	_ =	shalt  }
0x7f: {  	_ =	shalt  }
0x80: {  	_ =	shalt  }
0x81: {  	_ =	shalt  }
0x82: {  	_ =	shalt  }
0x83: {  	_ =	shalt  }
0x84: {  	_ =	shalt  }
0x85: {  	_ =	shalt  }
0x86: {  	_ =	shalt  }
0x87: {  	_ =	shalt  }
.Lfunc_end0:
.L_simem_size_0:
called_computation_lowered:
.L_overlay_start_0:
0x88: {  	s2 =	sld [smem:$0x3FD9]  }
0x89: {  	s3 =	sld [smem:$0x3FFE];
	_ =	sdelay $0x1  }
0x8a: {  	s1 =	srdreg.scid  }
0x8b: {  	s0 =	sand.u32 $0x1, s1  }
0x8c: {  	s16 =	sshll.u32 s0, $0xA;
	s2 =	sadd.s32 s3, s2  }
0x8d: {  	s2 =	sadd.s32 s2, s16  }
0x8e: {  	[smem:$0x3FC3] =	sst s2  }
0x8f: {  	_ = 	snop  }
0x90: {  	(tm) =	ssettm $0x1  }
0x91: {  	s17 =	sld [smem:$0x3FFB];
	_ =	sdelay $0x3  }
0x92: {  	_ =	strace s17  }
0x93: {  	s2 =	sld [smem:$0x3FFC];
	_ =	sdelay $0x3  }
0x94: {  	_ =	strace s2  }
0x95: {  	s2 =	sld [smem:$0x3FFD];
	_ =	sdelay $0x3  }
0x96: {  	_ =	strace s2  }
0x97: {  	_ =	strace $0x8FFFFFFF  }
0x98: {  	s18 =	sld [smem:$0x3FDB];
	_ =	sdelay $0x1  }
0x99: {  	s19 =	simm.s32 $_scs_section_size  }
0x9a: {  	s4 =	simm.s32 $_size__tile_overlayer_lowered;
	s5 =	simm.s32 $_tile_overlayer_lowered  }
0x9b: {  	s22 =	simm.s32 $0x1BFF;
	s21 =	sshll.u32 s5, $0x1;
	s2 =	sadd.s32 s19, s18  }
0x9c: {  	s6 =	simm.s32 $0x0;
	s20 =	sshll.u32 s4, $0x1;
	s4 =	sadd.s32 s21, s2  }
0x9d: {  	[timem:s6], [sflag:s22] =	dma.local [hbm:s4], s20  }
0x9e: {  	_ =	swait.ge [sflag:s22], s20  }
0x9f: {  	s3 =	ssub.s32 $0x0, s20;
	[sflag:s22] =	ssyncset.done $0x0  }
0xa0: {  	[sflag:s22] =	ssyncadd.s32 s3;
	_ =	sdelay $0x1  }
0xa1: {  	s23 =	simm.s32 $0x1B8B  }
0xa2: {  	_ =	swait.ge [sflag:s23], $0x1  }
0xa3: {  	[sflag:s23] =	ssyncset.done $0x0  }
0xa4: {  	s25 =	simm.s32 $0x1B8E;
	s24 =	sld [smem:$0x3FFE];
	[sflag:s23] =	ssyncadd.s32 $0xFFFFFFFF  }
0xa5: {  	s26 =	simm.s32 $execute0_lowered;
	[smem:$0x3FD2] =	sst s25  }
0xa6: {  	s4 =	sshll.u32 s26, $0x1;
	_ =	strace $0x80000046;
	[dreg:$0x1] =	wrdreg $0xFFFFFFFF  }
0xa7: {  	s28 =	simm.s32 $_size_execute0_lowered;
	s2 =	sadd.s32 s2, s4;
	[dreg:$0x0] =	wrdreg $0x0  }
0xa8: {  	s4 =	sshll.u32 s28, $0x1;
	[dreg:$0x2] =	wrdreg s2  }
0xa9: {  	[dreg:$0x3] =	wrdreg s4  }
0xaa: {  	[dreg:$0x4] =	wrdreg $0xC0  }
0xab: {  	_ =	task [dreg:s6], $0x5FFFF  }
0xac: {  	[dreg:$0x1] =	wrdreg $0xFFFFFFFF  }
0xad: {  	[dreg:$0x0] =	wrdreg $0x60  }
0xae: {  	[dreg:$0x2] =	wrdreg s24  }
0xaf: {  	[dreg:$0x3] =	wrdreg $0x9  }
0xb0: {  	_ =	task.clear_ibuf [dreg:s6], $0x4FFFF;
	_ =	strace $0x90000046  }
0xb1: {  	s29 =	simm.s32 $0x9;
	_ =	strace $0x80000048  }
0xb2: {  	_ =	swait.ge [sflag:s29], $0x1  }
0xb3: {  	[sflag:s29] =	ssyncadd.s32 $0xFFFFFFFF  }
0xb4: {  	_ =	strace $0x90000048  }
0xb5: {  	_ =	sfence  }
0xb6: {  	s30 =	sld [smem:$0x0];
	_ =	sdelay $0x2  }
0xb7: {  	s31 =	sshll.u32 s1, $0xD;
	s1 =	sshrl.u32 s1, $0x2  }
0xb8: {  	s3 =	sand.u32 $0x4000, s31;
	s1 =	sadd.s32 s1, s30  }
0xb9: {  	s0 =	sor.u32 s3, s0;
	s1 =	sshll.u32 s1, $0x11  }
0xba: {  	s0 =	sor.u32 s1, s0  }
0xbb: {  	s0 =	sadd.s32 $0x8F2B, s0  }
0xbc: {  	[sflag:s0] =	ssyncadd.remote.s32 $0x1  }
0xbd: {  	_ =	sfence.sel $0xFFFF  }
0xbe: {  	[dreg:$0x0] =	wrdreg $0xFFFFFFFF;
	(pc) =	sbr.abs _section_cstart, $3  }
0xbf: {  	[dreg:$0x1] =	wrdreg $0xFFFFFFFF  }
0xc0: {  	_ =	task.clear_ibuf [dreg:s6], $0x2FFFF;
	_ =	strace $0x9FFFFFFF  }
0xc1: {  	(tm) =	ssettm $0x7FFFFFFF  }
tec
execute0_lowered:
.L_overlay_start_1:
0x0: {  	(tag) =	ssettag $0x1  }
0x1: {  	v45 =	vlaneseq.u32  }
0x2: {  	s2 =	simm.s32 $0x0;
	v46 =	vmul.u32 $0x540, v45  }
0x3: {  	[smem:$0x7FF] =	sst s2;
	v47 =	vmul.u32 $0x280, v45  }
0x4: {  	s5 =	rddreg [dreg:$0x0];
	_ =	strace $0x80000047;
	[tilespmem:$0x1FE10] =	vst v46  }
0x5: {  	v12 =	vadd.s32 $0x40, v46;
	[tilespmem:$0x1FFA0] =	vst v47  }
0x6: {  	v17 =	vadd.s32 $0x80, v46;
	[tilespmem:$0x1FE20] =	vst v12  }
0x7: {  	v55 =	vadd.s32 $0xC0, v46;
	[tilespmem:$0x1FE30] =	vst v17  }
0x8: {  	v59 =	vadd.s32 $0x100, v46;
	[tilespmem:$0x1FE40] =	vst v55  }
0x9: {  	v48 =	vadd.s32 $0x140, v46;
	[tilespmem:$0x1FE50] =	vst v59  }
0xa: {  	v61 =	vadd.s32 $0x180, v46;
	[tilespmem:$0x1FE60] =	vst v48  }
0xb: {  	v50 =	vadd.s32 $0x1C0, v46;
	[tilespmem:$0x1FE70] =	vst v61  }
0xc: {  	v56 =	vadd.s32 $0x240, v46;
	[tilespmem:$0x1FE80] =	vst v50  }
0xd: {  	v13 =	vadd.s32 $0x200, v46;
	[tilespmem:$0x1FE90] =	vst v56  }
0xe: {  	v15 =	vadd.s32 $0x280, v46;
	[tilespmem:$0x1FEA0] =	vst v13  }
0xf: {  	v16 =	vadd.s32 $0x2C0, v46;
	[tilespmem:$0x1FEB0] =	vst v15  }
0x10: {  	v8 =	vadd.s32 $0x440, v46;
	[tilespmem:$0x1FEC0] =	vst v16  }
0x11: {  	v23 =	vadd.s32 $0x400, v46;
	[tilespmem:$0x1FED0] =	vst v8  }
0x12: {  	v62 =	vadd.s32 $0x340, v46;
	[tilespmem:$0x1FEE0] =	vst v23  }
0x13: {  	v60 =	vadd.s32 $0x300, v46;
	[tilespmem:$0x1FEF0] =	vst v62  }
0x14: {  	v21 =	vadd.s32 $0x240, v47;
	[tilespmem:$0x1FF00] =	vst v60  }
0x15: {  	v24 =	vadd.s32 $0x200, v47;
	[tilespmem:$0x1FF10] =	vst v21  }
0x16: {  	s0 =	srdreg.scid;
	s1 =	stileid.u32;
	v29 =	vadd.s32 $0x380, v46;
	[tilespmem:$0x1FF20] =	vst v24  }
0x17: {  	s9 =	simm.s32 $0x3;
	s10 =	simm.s32 $0x1400;
	s11 =	simm.s32 $0x50;
	v27 =	vadd.s32 $0x180, v47;
	[tilespmem:$0x1FF30] =	vst v29  }
0x18: {  	s12 =	simm.s32 $0x3E00;
	s14 =	simm.s32 $0x70;
	s15 =	simm.s32 $0x8E00;
	v32 =	vadd.s32 $0x3C0, v46;
	[tilespmem:$0x1FF40] =	vst v27  }
0x19: {  	s19 =	simm.s32 $0xC600;
	s20 =	simm.s32 $0x6600;
	s21 =	simm.s32 $0x7A00;
	v28 =	vadd.s32 $0x1C0, v47;
	[tilespmem:$0x1FF50] =	vst v32  }
0x1a: {  	s22 =	simm.s32 $0xE200;
	s23 =	simm.s32 $0xFE00;
	s24 =	simm.s32 $0x11A00;
	v34 =	vadd.s32 $0x500, v46;
	[tilespmem:$0x1FF60] =	vst v28  }
0x1b: {  	s25 =	simm.s32 $0x1;
	s0 =	sand.u32 $0x1, s0;
	s1 =	sshll.u32 s1, $0x1;
	v33 =	vadd.s32 $0x4C0, v46;
	[tilespmem:$0x1FF70] =	vst v34  }
0x1c: {  	s28 =	simm.s32 $0x200;
	s29 =	simm.s32 $0x4000;
	s1 =	sor.u32 s0, s1;
	v31 =	vadd.s32 $0x480, v46;
	[tilespmem:$0x1FF80] =	vst v33  }
0x1d: {  	s30 =	simm.s32 $0x13600;
	s0 =	ssub.s32 $0x2, s0;
	s3 =	smul.u32 $0x280, s1;
	v49 =	vor.u32 $0x40, v47;
	[tilespmem:$0x1FF90] =	vst v31  }
0x1e: {  	s4 =	smul.u32 $0x540, s1;
	s1 =	sshll.u32 s1, $0x6;
	s26 =	sshrl.u32 s0, $0x1;
	v52 =	vadd.s32 $0x80, v47;
	[tilespmem:$0x1FFB0] =	vst v49  }
0x1f: {  	s31 =	simm.s32 $0x0;
	v53 =	vadd.s32 $0xC0, v47;
	s1 =	sadd.s32 s1, s5;
	s0 =	ssub.s32 s0, s26;
	[tilespmem:$0x1FFC0] =	vst v52  }
0x20: {  	v57 =	vadd.s32 $0x100, v47;
	s26 =	simm.s32 $0x2;
	[tilespmem:$0x1FFD0] =	vst v53;
	s6 =	sadd.s32 s3, s5;
	s7 =	sadd.s32 s4, s5  }
0x21: {  	v63 =	vadd.s32 $0x140, v47;
	[tilespmem:$0x1FFE0] =	vst v57;
	s3 =	sadd.s32 $0x10000, s5;
	s4 =	sadd.s32 $0x7B1200, s5;
	s8 =	smax.u32 s0, $0x1  }
0x22: {  	[tilespmem:$0x1FFF0] =	vst v63;
	s5 =	sadd.s32 $0xB000, s6;
	s6 =	sadd.s32 $0x800, s7;
	s7 =	sadd.s32 $0xF52400, s1  }
.LBB2_1:
0x23: {  	[tilespmem:s2], [sflag:$0x3] =	stream.linear.gather [hbm4b:s5+s2], $0x1400, $0x38;
	[tilespmem:$0x16000] =	vst v63  }
0x24: {  	_ =	swait.ge [sflag:s9], $0x1400  }
0x25: {  	[sflag:s9] =	ssyncset.done $0x0  }
0x26: {  	[sflag:s9] =	ssyncadd.s32 $0xFFFFEC00  }
0x27: {  	[tilespmem:s10], [sflag:$0x3] =	stream.linear.gather [hbm4b:s6+s2], $0x2A00, $0x38;
	[tilespmem:$0x16000] =	vst v63  }
0x28: {  	_ =	swait.ge [sflag:s9], $0x2A00  }
0x29: {  	[sflag:s9] =	ssyncset.done $0x0  }
0x2a: {  	[sflag:s9] =	ssyncadd.s32 $0xFFFFD600  }
0x2b: {  	[tilespmem:s12], [sflag:$0x1] =	stream.indirect.gather [hbm4b:s3+s11], $0x40, s2, s11, $0xb8;
	[tilespmem:$0x16000] =	vst v63  }
0x2c: {  	s0 =	simm.s32 $0x5200  }
0x2d: {  	[tilespmem:s0], [sflag:$0x1] =	stream.indirect.gather [hbm4b:s3+s11], $0x40, s11, s11, $0xb8;
	[tilespmem:$0x16000] =	vst v63  }
0x2e: {  	_ = 	snop  }
0x2f: {  	[tilespmem:s15], [sflag:$0x1] =	stream.indirect.gather [hbm4b:s4+s14], $0x40, s10, s14, $0xb8;
	[tilespmem:$0x16000] =	vst v63  }
0x30: {  	s17 =	simm.s32 $0x1470;
	s1 =	simm.s32 $0xAA00  }
0x31: {  	[tilespmem:s1], [sflag:$0x1] =	stream.indirect.gather [hbm4b:s4+s14], $0x40, s17, s14, $0xb8;
	[tilespmem:$0x16000] =	vst v63  }
0x32: {  	s18 =	simm.s32 $0x14E0;
	s1 =	simm.s32 $0x0  }
0x33: {  	[tilespmem:s19], [sflag:$0x1] =	stream.indirect.gather [hbm4b:s4+s14], $0x40, s18, s14, $0xb8;
	[tilespmem:$0x16000] =	vst v63  }
.LBB2_2:
0x34: {  	s0 =	sshllo.u32 s1, $0x1  }
0x35: {  	s13 =	smul.u32 $0x280, s0;
	_ =	sdelay $0x1  }
0x36: {  	s16 =	smul.u32 $0x540, s0;
	s13 =	sshra.s32 s13, $0x2  }
0x37: {  	[tilespmem:s20], [sflag:$0x2] =	stream.indirect.gather [hbm4b:s3+s11], $0x40, s13, s11, $0xb8;
	[tilespmem:$0x16000] =	vst v63  }
0x38: {  	s18 =	sshra.s32 s16, $0x2;
	s13 =	sadd.s32 $0x50, s13  }
0x39: {  	[tilespmem:s21], [sflag:$0x2] =	stream.indirect.gather [hbm4b:s3+s11], $0x40, s13, s11, $0xb8;
	[tilespmem:$0x16000] =	vst v63  }
0x3a: {  	s16 =	sadd.s32 $0x1400, s18  }
0x3b: {  	[tilespmem:s22], [sflag:$0x2] =	stream.indirect.gather [hbm4b:s4+s14], $0x40, s16, s14, $0xb8;
	[tilespmem:$0x16000] =	vst v63  }
0x3c: {  	s17 =	sadd.s32 $0x1470, s18  }
0x3d: {  	[tilespmem:s23], [sflag:$0x2] =	stream.indirect.gather [hbm4b:s4+s14], $0x40, s17, s14, $0xb8;
	[tilespmem:$0x16000] =	vst v63  }
0x3e: {  	s13 =	sadd.s32 $0x14E0, s18  }
0x3f: {  	[tilespmem:s24], [sflag:$0x2] =	stream.indirect.gather [hbm4b:s4+s14], $0x40, s13, s14, $0xb8;
	[tilespmem:$0x16000] =	vst v63  }
0x40: {  	_ =	swait.ge [sflag:s25], $0x1400  }
0x41: {  	[sflag:s25] =	ssyncset.done $0x0  }
0x42: {  	[sflag:s25] =	ssyncadd.s32 $0xFFFFEC00  }
0x43: {  	_ =	swait.ge [sflag:s25], $0x1400  }
0x44: {  	[sflag:s25] =	ssyncset.done $0x0  }
0x45: {  	[sflag:s25] =	ssyncadd.s32 $0xFFFFEC00  }
0x46: {  	_ =	swait.ge [sflag:s25], $0x1C00  }
0x47: {  	s18 =	simm.s32 $0x0;
	[sflag:s25] =	ssyncset.done $0x0  }
0x48: {  	v0 =	vadd.s32 s18, v45;
	[sflag:s25] =	ssyncadd.s32 $0xFFFFE400  }
0x49: {  	v0 =	vand.u32 $0x3F, v0;
	_ =	swait.ge [sflag:s25], $0x1C00  }
0x4a: {  	v1 =	vor.u32 v46, v0;
	[sflag:s25] =	ssyncset.done $0x0  }
0x4b: {  	[sflag:s25] =	ssyncadd.s32 $0xFFFFE400  }
0x4c: {  	_ =	swait.ge [sflag:s25], $0x1C00  }
0x4d: {  	[sflag:s25] =	ssyncset.done $0x0  }
0x4e: {  	[sflag:s25] =	ssyncadd.s32 $0xFFFFE400  }
0x4f: {  	v1 =	vld.idx.msk [tilespmem:v1+s15+$0x0], $0xffff  }
0x50: {  	v2 =	vor.u32 v12, v0;
	_ =	sdelay $0x3  }
0x51: {  	[tilespmem:$0x1F990] =	vst v1  }
0x52: {  	v2 =	vld.idx.msk [tilespmem:v2+s15+$0x0], $0xffff  }
0x53: {  	v3 =	vor.u32 v17, v0;
	_ =	sdelay $0x3  }
0x54: {  	[tilespmem:$0x1F9A0] =	vst v2  }
0x55: {  	v2 =	vld.idx.msk [tilespmem:v3+s15+$0x0], $0xffff  }
0x56: {  	v4 =	vor.u32 v55, v0;
	_ =	sdelay $0x3  }
0x57: {  	[tilespmem:$0x1F9B0] =	vst v2  }
0x58: {  	v2 =	vld.idx.msk [tilespmem:v4+s15+$0x0], $0xffff  }
0x59: {  	v5 =	vor.u32 v59, v0;
	_ =	sdelay $0x3  }
0x5a: {  	[tilespmem:$0x1F9C0] =	vst v2  }
0x5b: {  	v2 =	vld.idx.msk [tilespmem:v5+s15+$0x0], $0xffff  }
0x5c: {  	v1 =	vor.u32 v48, v0;
	_ =	sdelay $0x3  }
0x5d: {  	[tilespmem:$0x1F9D0] =	vst v2  }
0x5e: {  	v1 =	vld.idx.msk [tilespmem:v1+s15+$0x0], $0xffff  }
0x5f: {  	v6 =	vor.u32 v61, v0;
	_ =	sdelay $0x3  }
0x60: {  	[tilespmem:$0x1F9E0] =	vst v1  }
0x61: {  	v2 =	vld.idx.msk [tilespmem:v6+s15+$0x0], $0xffff  }
0x62: {  	v7 =	vor.u32 v50, v0;
	_ =	sdelay $0x3  }
0x63: {  	[tilespmem:$0x1F9F0] =	vst v2  }
0x64: {  	v2 =	vld.idx.msk [tilespmem:v7+s15+$0x0], $0xffff  }
0x65: {  	v9 =	vor.u32 v13, v0;
	_ =	sdelay $0x3  }
0x66: {  	[tilespmem:$0x1FA00] =	vst v2  }
0x67: {  	v2 =	vld.idx.msk [tilespmem:v9+s15+$0x0], $0xffff  }
0x68: {  	v5 =	vor.u32 v56, v0;
	_ =	sdelay $0x3  }
0x69: {  	[tilespmem:$0x1FA10] =	vst v2  }
0x6a: {  	v2 =	vld.idx.msk [tilespmem:v5+s15+$0x0], $0xffff  }
0x6b: {  	v1 =	vor.u32 v15, v0;
	_ =	sdelay $0x3  }
0x6c: {  	[tilespmem:$0x1FA20] =	vst v2  }
0x6d: {  	v1 =	vld.idx.msk [tilespmem:v1+s15+$0x0], $0xffff  }
0x6e: {  	v6 =	vmov v15;
	v15 =	vor.u32 v16, v0;
	_ =	sdelay $0x3  }
0x6f: {  	[tilespmem:$0x1FA30] =	vst v1  }
0x70: {  	v2 =	vld.idx.msk [tilespmem:v15+s15+$0x0], $0xffff  }
0x71: {  	v4 =	vmov v16;
	v16 =	vor.u32 v60, v0;
	_ =	sdelay $0x3  }
0x72: {  	[tilespmem:$0x1FA40] =	vst v2  }
0x73: {  	v2 =	vld.idx.msk [tilespmem:v16+s15+$0x0], $0xffff  }
0x74: {  	v9 =	vor.u32 v62, v0;
	_ =	sdelay $0x3  }
0x75: {  	[tilespmem:$0x1FA60] =	vst v2  }
0x76: {  	v2 =	vld.idx.msk [tilespmem:v9+s15+$0x0], $0xffff  }
0x77: {  	v5 =	vor.u32 v29, v0;
	_ =	sdelay $0x3  }
0x78: {  	[tilespmem:$0x1FA80] =	vst v2  }
0x79: {  	v2 =	vld.idx.msk [tilespmem:v5+s15+$0x0], $0xffff  }
0x7a: {  	v1 =	vor.u32 v32, v0;
	_ =	sdelay $0x3  }
0x7b: {  	[tilespmem:$0x1FAA0] =	vst v2  }
0x7c: {  	v1 =	vld.idx.msk [tilespmem:v1+s15+$0x0], $0xffff  }
0x7d: {  	v19 =	vor.u32 v23, v0;
	_ =	sdelay $0x3  }
0x7e: {  	[tilespmem:$0x1FAB0] =	vst v1  }
0x7f: {  	v2 =	vld.idx.msk [tilespmem:v19+s15+$0x0], $0xffff  }
0x80: {  	v20 =	vor.u32 v8, v0;
	_ =	sdelay $0x3  }
0x81: {  	[tilespmem:$0x1FAD0] =	vst v2  }
0x82: {  	v3 =	vld.idx.msk [tilespmem:v20+s15+$0x0], $0xffff  }
0x83: {  	v22 =	vor.u32 v31, v0;
	_ =	sdelay $0x3  }
0x84: {  	[tilespmem:$0x1FB00] =	vst v3  }
0x85: {  	v3 =	vld.idx.msk [tilespmem:v22+s15+$0x0], $0xffff  }
0x86: {  	v5 =	vor.u32 v33, v0;
	_ =	sdelay $0x3  }
0x87: {  	[tilespmem:$0x1FB20] =	vst v3  }
0x88: {  	v3 =	vld.idx.msk [tilespmem:v5+s15+$0x0], $0xffff  }
0x89: {  	v1 =	vor.u32 v34, v0;
	_ =	sdelay $0x3  }
0x8a: {  	[tilespmem:$0x1FB40] =	vst v3  }
0x8b: {  	v1 =	vld.idx.msk [tilespmem:v1+s15+$0x0], $0xffff;
	_ =	sdelay $0x2  }
0x8c: {  	v26 =	vor.u32 v27, v0;
	_ =	sdelay $0x1  }
0x8d: {  	[tilespmem:$0x1FB50] =	vst v1;
	v1 =	vor.u32 v57, v0  }
0x8e: {  	v7 =	vmov v23;
	v23 =	vor.u32 v21, v0  }
0x8f: {  	s16 =	simm.s32 $0x3  }
0x90: {  	v2 =	vmov v24;
	v24 =	vor.u32 v24, v0;
	v30 =	vld.idx.msk [tilespmem:v26+s12+$0x0], $0xffff;
	v26 =	vadd.s32 s16, v45  }
0x91: {  	v25 =	vor.u32 v28, v0;
	v9 =	vmov v34;
	v34 =	vand.u32 $0x3F, v26  }
0x92: {  	v14 =	vmov v31;
	v31 =	vmov v33;
	v33 =	vld.idx.msk [tilespmem:v1+s12+$0x0], $0xffff;
	v1 =	vor.u32 v46, v34  }
0x93: {  	v18 =	vld.idx.msk [tilespmem:v23+s12+$0x0], $0xffff;
	v23 =	vor.u32 v53, v0  }
0x94: {  	v5 =	vor.u32 v63, v0  }
0x95: {  	v3 =	vmov v28;
	v28 =	vld.idx.msk [tilespmem:v24+s12+$0x0], $0xffff;
	v24 =	vor.u32 v52, v0  }
0x96: {  	v58 =	vmov v29;
	v29 =	vld.idx.msk [tilespmem:v25+s12+$0x0], $0xffff;
	v25 =	vor.u32 v47, v0  }
0x97: {  	v0 =	vor.u32 v49, v0;
	v1 =	vld.idx.msk [tilespmem:v1+s15+$0x0], $0xffff  }
0x98: {  	v35 =	vld.idx.msk [tilespmem:v23+s12+$0x0], $0xffff;
	v23 =	vor.u32 v12, v34  }
0x99: {  	v5 =	vld.idx.msk [tilespmem:v5+s12+$0x0], $0xffff  }
0x9a: {  	v36 =	vld.idx.msk [tilespmem:v24+s12+$0x0], $0xffff  }
0x9b: {  	v37 =	vld.idx.msk [tilespmem:v25+s12+$0x0], $0xffff  }
0x9c: {  	v38 =	vld.idx.msk [tilespmem:v0+s12+$0x0], $0xffff;
	[tilespmem:$0x1FBA0] =	vst v1  }
0x9d: {  	v1 =	vld.idx.msk [tilespmem:v23+s15+$0x0], $0xffff  }
0x9e: {  	v26 =	vor.u32 v17, v34;
	_ =	sdelay $0x3  }
0x9f: {  	[tilespmem:$0x1FBB0] =	vst v1  }
0xa0: {  	v1 =	vld.idx.msk [tilespmem:v26+s15+$0x0], $0xffff  }
0xa1: {  	v25 =	vor.u32 v55, v34;
	_ =	sdelay $0x3  }
0xa2: {  	[tilespmem:$0x1FBE0] =	vst v1  }
0xa3: {  	v1 =	vld.idx.msk [tilespmem:v25+s15+$0x0], $0xffff  }
0xa4: {  	v0 =	vor.u32 v59, v34;
	_ =	sdelay $0x3  }
0xa5: {  	[tilespmem:$0x1FBF0] =	vst v1  }
0xa6: {  	v0 =	vld.idx.msk [tilespmem:v0+s15+$0x0], $0xffff  }
0xa7: {  	s17 =	simm.s32 $0x2;
	v39 =	vor.u32 v57, v34  }
0xa8: {  	v40 =	vor.u32 v53, v34;
	v23 =	vadd.s32 s17, v45  }
0xa9: {  	v41 =	vor.u32 v52, v34;
	v23 =	vand.u32 $0x3F, v23  }
0xaa: {  	v42 =	vor.u32 v52, v23  }
0xab: {  	v43 =	vor.u32 v47, v34;
	v37 =	vadd.f32 v38, v37;
	[tilespmem:$0x1FC10] =	vst v0  }
0xac: {  	s18 =	simm.s32 $0x1;
	v44 =	vor.u32 v49, v34;
	v39 =	vld.idx.msk [tilespmem:v39+s12+$0x0], $0xffff  }
0xad: {  	v51 =	vmovc v13;
	v36 =	vadd.f32 v36, v37;
	v38 =	vor.u32 v49, v23;
	v0 =	vadd.s32 s18, v45;
	v40 =	vld.idx.msk [tilespmem:v40+s12+$0x0], $0xffff  }
0xae: {  	v15 =	vmov v51;
	v45 =	vor.u32 v47, v23;
	v0 =	vand.u32 $0x3F, v0;
	v41 =	vld.idx.msk [tilespmem:v41+s12+$0x0], $0xffff  }
0xaf: {  	v10 =	vor.u32 v48, v34;
	v35 =	vadd.f32 v35, v36;
	v42 =	vld.idx.msk [tilespmem:v42+s12+$0x0], $0xffff;
	v47 =	vor.u32 v47, v0  }
0xb0: {  	v11 =	vor.u32 v61, v34;
	v13 =	vor.u32 v13, v34;
	v43 =	vld.idx.msk [tilespmem:v43+s12+$0x0], $0xffff;
	v37 =	vor.u32 v49, v0  }
0xb1: {  	v54 =	vor.u32 v56, v34;
	v33 =	vadd.f32 v33, v35;
	v51 =	vor.u32 v53, v23;
	v44 =	vld.idx.msk [tilespmem:v44+s12+$0x0], $0xffff  }
0xb2: {  	v19 =	vor.u32 v6, v34;
	v22 =	vor.u32 v4, v34;
	v38 =	vld.idx.msk [tilespmem:v38+s12+$0x0], $0xffff;
	v36 =	vor.u32 v52, v0  }
0xb3: {  	v5 =	vadd.f32 v5, v33;
	v1 =	vor.u32 v58, v34;
	v52 =	vor.u32 v57, v23;
	v45 =	vld.idx.msk [tilespmem:v45+s12+$0x0], $0xffff  }
0xb4: {  	v57 =	vor.u32 v57, v0;
	v35 =	vld.idx.msk [tilespmem:v47+s12+$0x0], $0xffff;
	[tilespmem:$0x1FBD0] =	vst v1;
	v1 =	vor.u32 v32, v34  }
0xb5: {  	v47 =	vor.u32 v53, v0;
	v37 =	vld.idx.msk [tilespmem:v37+s12+$0x0], $0xffff;
	[tilespmem:$0x1FC00] =	vst v1;
	v1 =	vor.u32 v7, v34  }
0xb6: {  	v5 =	vadd.f32 v30, v5;
	v53 =	vor.u32 v63, v34;
	v51 =	vld.idx.msk [tilespmem:v51+s12+$0x0], $0xffff;
	[tilespmem:$0x1FC30] =	vst v1  }
0xb7: {  	v20 =	vmovc v4;
	v24 =	vor.u32 v62, v34;
	v25 =	vmov v58;
	v58 =	vor.u32 v27, v34;
	v36 =	vld.idx.msk [tilespmem:v36+s12+$0x0], $0xffff  }
0xb8: {  	v5 =	vadd.f32 v29, v5;
	v43 =	vadd.f32 v44, v43;
	v30 =	vld.idx.msk [tilespmem:v52+s12+$0x0], $0xffff;
	v52 =	vor.u32 v63, v23  }
0xb9: {  	v29 =	vor.u32 v63, v0;
	v38 =	vadd.f32 v38, v45;
	v45 =	vor.u32 v3, v34;
	v63 =	vld.idx.msk [tilespmem:v57+s12+$0x0], $0xffff  }
0xba: {  	v4 =	vor.u32 v55, v23;
	v41 =	vadd.f32 v41, v43;
	v1 =	vor.u32 v31, v34;
	v47 =	vld.idx.msk [tilespmem:v47+s12+$0x0], $0xffff  }
0xbb: {  	v53 =	vld.idx.msk [tilespmem:v53+s12+$0x0], $0xffff;
	[tilespmem:$0x1F960] =	vst v1;
	v35 =	vadd.f32 v37, v35;
	v37 =	vor.u32 v2, v34  }
0xbc: {  	v33 =	vor.u32 v14, v34;
	v40 =	vadd.f32 v40, v41;
	v57 =	vor.u32 v27, v0;
	v58 =	vld.idx.msk [tilespmem:v58+s12+$0x0], $0xffff  }
0xbd: {  	v5 =	vadd.f32 v28, v5;
	v28 =	vor.u32 v21, v34;
	v31 =	vor.u32 v9, v34;
	v52 =	vld.idx.msk [tilespmem:v52+s12+$0x0], $0xffff  }
0xbe: {  	v26 =	vor.u32 v60, v34;
	v39 =	vadd.f32 v39, v40;
	v40 =	vld.idx.msk [tilespmem:v45+s12+$0x0], $0xffff;
	[tilespmem:$0x1F970] =	vst v31  }
0xbf: {  	v49 =	vor.u32 v50, v34;
	v38 =	vadd.f32 v42, v38;
	v35 =	vadd.f32 v36, v35;
	v29 =	vld.idx.msk [tilespmem:v29+s12+$0x0], $0xffff  }
0xc0: {  	v43 =	vadd.f32 v53, v39;
	v37 =	vld.idx.msk [tilespmem:v37+s12+$0x0], $0xffff;
	[tilespmem:$0x1FD30] =	vst v4;
	v4 =	vor.u32 v59, v23  }
0xc1: {  	v39 =	vor.u32 v27, v23;
	v35 =	vadd.f32 v47, v35;
	v41 =	vld.idx.msk [tilespmem:v57+s12+$0x0], $0xffff;
	[tilespmem:$0x1FD40] =	vst v4  }
0xc2: {  	v7 =	vor.u32 v8, v34;
	v38 =	vadd.f32 v51, v38;
	v34 =	vadd.f32 v58, v43;
	v28 =	vld.idx.msk [tilespmem:v28+s12+$0x0], $0xffff  }
0xc3: {  	v53 =	vor.u32 v3, v0;
	v27 =	vadd.f32 v63, v35;
	v4 =	vor.u32 v48, v23;
	v35 =	vld.idx.msk [tilespmem:v10+s15+$0x0], $0xffff  }
0xc4: {  	[tilespmem:$0x1FD80] =	vst v4;
	v34 =	vadd.f32 v40, v34;
	v40 =	vor.u32 v3, v23;
	v3 =	vor.u32 v61, v23  }
0xc5: {  	[tilespmem:$0x1FDC0] =	vst v3  }
0xc6: {  	v30 =	vadd.f32 v30, v38;
	v38 =	vld.idx.msk [tilespmem:v39+s12+$0x0], $0xffff  }
0xc7: {  	v47 =	vadd.f32 v18, v5;
	v3 =	vor.u32 v50, v23;
	v5 =	vld.idx.msk [tilespmem:v11+s15+$0x0], $0xffff  }
0xc8: {  	[tilespmem:$0x1F980] =	vst v3;
	v3 =	vld [tilespmem:$0x1F9C0];
	_ =	sdelay $0x1  }
0xc9: {  	v27 =	vadd.f32 v29, v27;
	_ =	sdelay $0x1  }
0xca: {  	v27 =	vadd.f32 v41, v27;
	v41 =	vld.idx.msk [tilespmem:v49+s15+$0x0], $0xffff  }
0xcb: {  	v49 =	vmul.f32 v3, v47;
	v3 =	vld [tilespmem:$0x1F9D0];
	_ =	sdelay $0x4  }
0xcc: {  	v30 =	vadd.f32 v52, v30;
	v52 =	vmul.f32 v3, v47;
	v3 =	vld [tilespmem:$0x1F9E0]  }
0xcd: {  	v51 =	vor.u32 v2, v23;
	v29 =	vadd.f32 v37, v34;
	v34 =	vor.u32 v2, v0;
	v2 =	vld [tilespmem:$0x1F990];
	_ =	sdelay $0x3  }
0xce: {  	v37 =	vmul.f32 v3, v47;
	v3 =	vld [tilespmem:$0x1F9F0]  }
0xcf: {  	v8 =	vmul.f32 v2, v47;
	v2 =	vld [tilespmem:$0x1F9A0];
	_ =	sdelay $0x3  }
0xd0: {  	v31 =	vmul.f32 v3, v47;
	v3 =	vld [tilespmem:$0x1FA00]  }
0xd1: {  	v57 =	vmul.f32 v2, v47;
	v2 =	vld [tilespmem:$0x1F9B0];
	_ =	sdelay $0x3  }
0xd2: {  	v11 =	vadd.f32 v38, v30;
	v38 =	vmul.f32 v3, v47;
	v3 =	vld [tilespmem:$0x1FA10]  }
0xd3: {  	v2 =	vmul.f32 v2, v47;
	_ =	sdelay $0x1  }
0xd4: {  	v42 =	vld.idx.msk [tilespmem:v53+s12+$0x0], $0xffff;
	[tilespmem:$0x1FD20] =	vst v2  }
0xd5: {  	v10 =	vld.idx.msk [tilespmem:v13+s15+$0x0], $0xffff  }
0xd6: {  	v13 =	vmul.f32 v3, v47;
	v3 =	vld [tilespmem:$0x1FA20];
	_ =	sdelay $0x4  }
0xd7: {  	v42 =	vadd.f32 v42, v27;
	v27 =	vmul.f32 v3, v47;
	v3 =	vld [tilespmem:$0x1FA30];
	_ =	sdelay $0x4  }
0xd8: {  	v53 =	vadd.f32 v28, v29;
	v29 =	vmul.f32 v3, v47;
	v3 =	vld [tilespmem:$0x1FA40];
	_ =	sdelay $0x2  }
0xd9: {  	v2 =	vld.idx.msk [tilespmem:v40+s12+$0x0], $0xffff  }
0xda: {  	v4 =	vld.idx.msk [tilespmem:v34+s12+$0x0], $0xffff  }
0xdb: {  	v34 =	vld.idx.msk [tilespmem:v54+s15+$0x0], $0xffff;
	v3 =	vmul.f32 v3, v47  }
0xdc: {  	v16 =	vmov v6;
	v6 =	vld.idx.msk [tilespmem:v51+s12+$0x0], $0xffff  }
0xdd: {  	v63 =	vor.u32 v21, v0;
	[tilespmem:$0x1FA50] =	vst v3;
	v3 =	vld [tilespmem:$0x1FA60];
	_ =	sdelay $0x3  }
0xde: {  	v39 =	vmov v15  }
0xdf: {  	v28 =	vor.u32 v15, v23;
	v51 =	vld.idx.msk [tilespmem:v63+s12+$0x0], $0xffff;
	v15 =	vmul.f32 v3, v47;
	v3 =	vor.u32 v56, v23  }
0xe0: {  	[tilespmem:$0x1FA70] =	vst v3;
	v3 =	vld [tilespmem:$0x1FA80];
	_ =	sdelay $0x4  }
0xe1: {  	v3 =	vmul.f32 v3, v47;
	_ =	sdelay $0x1  }
0xe2: {  	[tilespmem:$0x1FA90] =	vst v3;
	v3 =	vld [tilespmem:$0x1FAA0];
	_ =	sdelay $0x4  }
0xe3: {  	v54 =	vmul.f32 v3, v47;
	v3 =	vld [tilespmem:$0x1FAB0]  }
0xe4: {  	v58 =	vmov v48;
	v48 =	vor.u32 v21, v23;
	_ =	sdelay $0x3  }
0xe5: {  	v3 =	vmul.f32 v3, v47  }
0xe6: {  	v2 =	vadd.f32 v2, v11;
	v11 =	vld.idx.msk [tilespmem:v48+s12+$0x0], $0xffff  }
0xe7: {  	[tilespmem:$0x1FAC0] =	vst v3;
	v3 =	vld [tilespmem:$0x1FAD0];
	_ =	sdelay $0x2  }
0xe8: {  	v1 =	vor.u32 v46, v23;
	v46 =	vor.u32 v46, v0;
	_ =	sdelay $0x1  }
0xe9: {  	v3 =	vmul.f32 v3, v47;
	_ =	sdelay $0x1  }
0xea: {  	[tilespmem:$0x1FAE0] =	vst v3  }
0xeb: {  	v18 =	vld.idx.msk [tilespmem:v46+s15+$0x0], $0xffff  }
0xec: {  	v3 =	vor.u32 v16, v23;
	v21 =	vld.idx.msk [tilespmem:v19+s15+$0x0], $0xffff  }
0xed: {  	[tilespmem:$0x1FAF0] =	vst v3;
	v3 =	vld [tilespmem:$0x1FB00];
	_ =	sdelay $0x4  }
0xee: {  	v3 =	vmul.f32 v3, v47;
	_ =	sdelay $0x1  }
0xef: {  	[tilespmem:$0x1FB10] =	vst v3;
	v3 =	vld [tilespmem:$0x1FB20];
	_ =	sdelay $0x4  }
0xf0: {  	v3 =	vmul.f32 v3, v47;
	_ =	sdelay $0x1  }
0xf1: {  	[tilespmem:$0x1FB30] =	vst v3;
	v3 =	vld [tilespmem:$0x1FB40];
	_ =	sdelay $0x4  }
0xf2: {  	v46 =	vmul.f32 v3, v47;
	v3 =	vld [tilespmem:$0x1FB50];
	_ =	sdelay $0x4  }
0xf3: {  	v3 =	vmul.f32 v3, v47;
	_ =	sdelay $0x1  }
0xf4: {  	[tilespmem:$0x1FB60] =	vst v3;
	v3 =	vor.u32 v20, v23  }
0xf5: {  	[tilespmem:$0x1FB70] =	vst v3  }
0xf6: {  	v3 =	vor.u32 v60, v23;
	v1 =	vld.idx.msk [tilespmem:v1+s15+$0x0], $0xffff  }
0xf7: {  	v19 =	vld.idx.msk [tilespmem:v22+s15+$0x0], $0xffff;
	[tilespmem:$0x1FB80] =	vst v3;
	v3 =	vor.u32 v62, v23  }
0xf8: {  	[tilespmem:$0x1FB90] =	vst v3;
	v3 =	vld [tilespmem:$0x1FBA0];
	_ =	sdelay $0x4  }
0xf9: {  	v22 =	vmul.f32 v3, v53;
	v3 =	vld [tilespmem:$0x1FBB0];
	_ =	sdelay $0x2  }
0xfa: {  	v4 =	vadd.f32 v4, v42  }
0xfb: {  	v44 =	vmov v9;
	v9 =	vld [tilespmem:$0x1FC00];
	v2 =	vadd.f32 v6, v2  }
0xfc: {  	v30 =	vmovc v16;
	v6 =	vadd.f32 v51, v4;
	v16 =	vmovc v20;
	v20 =	vld.idx.msk [tilespmem:v26+s15+$0x0], $0xffff;
	v4 =	vmul.f32 v3, v53;
	v3 =	vimm.f32 $0.0e+00  }
0xfd: {  	v24 =	vld.idx.msk [tilespmem:v24+s15+$0x0], $0xffff;
	v8 =	vadd.f32 v8, v3;
	v3 =	vor.u32 v25, v23  }
0xfe: {  	[tilespmem:$0x1FBC0] =	vst v3;
	v3 =	vld [tilespmem:$0x1FBD0];
	_ =	sdelay $0x5  }
0xff: {  	v14 =	vmov v25;
	v2 =	vadd.f32 v11, v2;
	v11 =	vmul.f32 v18, v6;
	v25 =	vld.idx.msk [tilespmem:v9+s15+$0x0], $0xffff  }
0x100: {  	v9 =	vld [tilespmem:$0x1FC10]  }
0x101: {  	v8 =	vadd.f32 v11, v8;
	v11 =	vor.u32 v32, v23;
	v18 =	vld.idx.msk [tilespmem:v3+s15+$0x0], $0xffff  }
0x102: {  	[tilespmem:$0x1FC20] =	vst v11;
	v11 =	vld [tilespmem:$0x1FC30];
	_ =	sdelay $0x1  }
0x103: {  	v36 =	vor.u32 v12, v23;
	v42 =	vmov v62;
	v51 =	vmul.f32 v41, v53;
	v41 =	vld [tilespmem:$0x1FEE0]  }
0x104: {  	v62 =	vmul.f32 v9, v53;
	v9 =	vmovc v32;
	v32 =	vmul.f32 v21, v53;
	v21 =	vor.u32 v12, v0;
	v12 =	vld [tilespmem:$0x1FED0]  }
0x105: {  	v43 =	vmov v50;
	v50 =	vmul.f32 v35, v53;
	v26 =	vld.idx.msk [tilespmem:v7+s15+$0x0], $0xffff  }
0x106: {  	v1 =	vmul.f32 v1, v2;
	v35 =	vmul.f32 v20, v53;
	v7 =	vld [tilespmem:$0x1FF90]  }
0x107: {  	v20 =	vmul.f32 v18, v53;
	v18 =	vmul.f32 v25, v53;
	v25 =	vld [tilespmem:$0x1FF80]  }
0x108: {  	v47 =	vmul.f32 v5, v53;
	v5 =	vor.u32 v41, v23;
	v1 =	vadd.f32 v1, v8  }
0x109: {  	v11 =	vld.idx.msk [tilespmem:v11+s15+$0x0], $0xffff;
	[tilespmem:$0x1FC40] =	vst v5  }
0x10a: {  	v48 =	vmul.f32 v10, v53;
	v10 =	vld.idx.msk [tilespmem:v36+s15+$0x0], $0xffff;
	v36 =	vadd.f32 v22, v1;
	v1 =	vor.u32 v12, v23  }
0x10b: {  	v8 =	vld.idx.msk [tilespmem:v33+s15+$0x0], $0xffff;
	[tilespmem:$0x1FC50] =	vst v1;
	v1 =	vor.u32 v7, v23  }
0x10c: {  	v45 =	vor.u32 v17, v23;
	[tilespmem:$0x1FC60] =	vst v1;
	v1 =	vor.u32 v25, v23  }
0x10d: {  	v5 =	vor.u32 v17, v0;
	[tilespmem:$0x1FC70] =	vst v1;
	v1 =	vor.u32 v44, v23  }
0x10e: {  	[tilespmem:$0x1FC80] =	vst v1;
	v1 =	vmul.f32 v26, v53  }
0x10f: {  	v33 =	vmul.f32 v34, v53  }
0x110: {  	v34 =	vmul.f32 v19, v53;
	v19 =	vmul.f32 v24, v53;
	v24 =	vor.u32 v55, v0;
	[tilespmem:$0x1FC90] =	vst v1  }
0x111: {  	v22 =	vmul.f32 v11, v53;
	v11 =	vld.idx.msk [tilespmem:v45+s15+$0x0], $0xffff  }
0x112: {  	v40 =	vmov v56;
	v45 =	vor.u32 v61, v0;
	v61 =	vld.idx.msk [tilespmem:v5+s15+$0x0], $0xffff;
	v5 =	vor.u32 v39, v0  }
0x113: {  	v63 =	vmov v60;
	v1 =	vmul.f32 v10, v2;
	v10 =	vld.idx.msk [tilespmem:v21+s15+$0x0], $0xffff;
	[tilespmem:$0x1FCA0] =	vst v5;
	v5 =	vor.u32 v40, v0  }
0x114: {  	v17 =	vmov v44;
	v44 =	vmul.f32 v8, v53;
	v8 =	vor.u32 v63, v0;
	[tilespmem:$0x1FCB0] =	vst v5  }
0x115: {  	v5 =	vld.idx.msk [tilespmem:v24+s15+$0x0], $0xffff;
	[tilespmem:$0x1FCC0] =	vst v8;
	v8 =	vor.u32 v42, v0  }
0x116: {  	v58 =	vor.u32 v58, v0;
	v60 =	vor.u32 v59, v0;
	[tilespmem:$0x1FCD0] =	vst v8;
	v8 =	vor.u32 v14, v0  }
0x117: {  	v55 =	vor.u32 v30, v0;
	v30 =	vor.u32 v16, v0;
	[tilespmem:$0x1FCE0] =	vst v8;
	v8 =	vor.u32 v9, v0  }
0x118: {  	v21 =	vor.u32 v43, v0;
	v39 =	vor.u32 v7, v0;
	[tilespmem:$0x1FCF0] =	vst v8;
	v8 =	vor.u32 v41, v0  }
0x119: {  	v43 =	vor.u32 v17, v0;
	v40 =	vor.u32 v25, v0;
	[tilespmem:$0x1FD00] =	vst v8;
	v8 =	vor.u32 v12, v0;
	v0 =	vld [tilespmem:$0x1FD20];
	_ =	sdelay $0x3  }
0x11a: {  	v7 =	vimm.f32 $0.0e+00  }
0x11b: {  	v9 =	vadd.f32 v0, v7;
	v0 =	vld [tilespmem:$0x1FD30];
	_ =	sdelay $0x6  }
0x11c: {  	[tilespmem:$0x1FD10] =	vst v8  }
0x11d: {  	v8 =	vmul.f32 v11, v2;
	v11 =	vld.idx.msk [tilespmem:v0+s15+$0x0], $0xffff  }
0x11e: {  	v0 =	vld [tilespmem:$0x1FD40];
	_ =	sdelay $0x7  }
0x11f: {  	v59 =	vmul.f32 v10, v6;
	v10 =	vadd.f32 v57, v7;
	v57 =	vld.idx.msk [tilespmem:v0+s15+$0x0], $0xffff;
	v0 =	vimm.f32 $0.0e+00  }
0x120: {  	v63 =	vmul.f32 v61, v6;
	v61 =	vld.idx.msk [tilespmem:v60+s15+$0x0], $0xffff;
	[tilespmem:$0x1FD50] =	vst v0;
	v0 =	vimm.f32 $0.0e+00  }
0x121: {  	[tilespmem:$0x1FD60] =	vst v0;
	v0 =	vimm.f32 $0.0e+00  }
0x122: {  	[tilespmem:$0x1FD70] =	vst v0;
	v0 =	vld [tilespmem:$0x1FD80];
	_ =	sdelay $0x7  }
0x123: {  	v60 =	vmul.f32 v5, v6;
	v5 =	vld.idx.msk [tilespmem:v0+s15+$0x0], $0xffff;
	v0 =	vimm.f32 $0.0e+00  }
0x124: {  	[tilespmem:$0x1FD90] =	vst v0;
	v0 =	vimm.f32 $0.0e+00  }
0x125: {  	v3 =	vld [tilespmem:$0x1FBE0];
	[tilespmem:$0x1FDA0] =	vst v0;
	v0 =	vimm.f32 $0.0e+00  }
0x126: {  	[tilespmem:$0x1FDB0] =	vst v0;
	v0 =	vld [tilespmem:$0x1FDC0];
	_ =	sdelay $0x3  }
0x127: {  	v56 =	vmul.f32 v3, v53;
	v3 =	vld [tilespmem:$0x1FBF0];
	_ =	sdelay $0x2  }
0x128: {  	v12 =	vimm.f32 $0.0e+00  }
0x129: {  	v16 =	vimm.f32 $0.0e+00;
	v0 =	vld.idx.msk [tilespmem:v0+s15+$0x0], $0xffff;
	[tilespmem:$0x1FDD0] =	vst v12;
	v12 =	vimm.f32 $0.0e+00  }
0x12a: {  	v3 =	vmul.f32 v3, v53;
	v26 =	vimm.f32 $0.0e+00;
	[tilespmem:$0x1FDE0] =	vst v12;
	v12 =	vimm.f32 $0.0e+00  }
0x12b: {  	v25 =	vimm.f32 $0.0e+00;
	v24 =	vimm.f32 $0.0e+00;
	v58 =	vld.idx.msk [tilespmem:v58+s15+$0x0], $0xffff;
	[tilespmem:$0x1FDF0] =	vst v12;
	v12 =	vimm.f32 $0.0e+00  }
0x12c: {  	s13 =	sshll.u32 s1, $0x1;
	s16 =	simm.s32 $0x4;
	v42 =	vimm.f32 $0.0e+00;
	v14 =	vimm.f32 $0.0e+00;
	v41 =	vimm.f32 $0.0e+00;
	[tilespmem:$0x1FE00] =	vst v12  }
.LBB2_3:
0x12d: {  	_ = 	snop  }
0x12e: {  	v49 =	vadd.f32 v49, v7;
	v7 =	vld [tilespmem:$0x1FCA0];
	_ =	sdelay $0x6  }
0x12f: {  	v9 =	vadd.f32 v63, v9;
	v63 =	vadd.f32 v13, v16;
	v13 =	vld [tilespmem:$0x1FCC0]  }
0x130: {  	v49 =	vadd.f32 v60, v49;
	v60 =	vld.idx.msk [tilespmem:v7+s15+$0x0], $0xffff  }
0x131: {  	v10 =	vadd.f32 v59, v10;
	v7 =	vld [tilespmem:$0x1F980];
	_ =	sdelay $0x1  }
0x132: {  	v1 =	vadd.f32 v1, v10;
	_ =	sdelay $0x1  }
0x133: {  	v8 =	vadd.f32 v8, v9;
	v1 =	vadd.f32 v4, v1  }
0x134: {  	[tilespmem:$0x1F830] =	vst v36;
	v36 =	vld.idx.msk [tilespmem:v21+s15+$0x0], $0xffff  }
0x135: {  	[tilespmem:$0x1F910] =	vst v1;
	v1 =	vadd.f32 v56, v8;
	v8 =	vadd.f32 v31, v25;
	v31 =	vld.idx.msk [tilespmem:v13+s15+$0x0], $0xffff  }
0x136: {  	v13 =	vld [tilespmem:$0x1FCD0]  }
0x137: {  	v11 =	vmul.f32 v11, v2;
	v9 =	vld.idx.msk [tilespmem:v7+s15+$0x0], $0xffff  }
0x138: {  	v7 =	vld.idx.msk [tilespmem:v28+s15+$0x0], $0xffff  }
0x139: {  	v10 =	vadd.f32 v11, v49  }
0x13a: {  	v61 =	vmul.f32 v61, v6;
	v23 =	vmovc v46;
	v52 =	vadd.f32 v52, v14;
	v14 =	vadd.f32 v38, v26  }
0x13b: {  	v46 =	vld.idx.msk [tilespmem:v45+s15+$0x0], $0xffff;
	v3 =	vadd.f32 v3, v10;
	v10 =	vmul.f32 v36, v6;
	v45 =	vmul.f32 v60, v6  }
0x13c: {  	v57 =	vmul.f32 v57, v2;
	v52 =	vadd.f32 v61, v52  }
0x13d: {  	v12 =	vld [tilespmem:$0x1FA70];
	v10 =	vadd.f32 v10, v14;
	v14 =	vadd.f32 v45, v63;
	v7 =	vmul.f32 v7, v2  }
0x13e: {  	v16 =	vld [tilespmem:$0x1FA50]  }
0x13f: {  	v11 =	vadd.f32 v57, v52;
	v7 =	vadd.f32 v7, v14;
	v14 =	vld.idx.msk [tilespmem:v13+s15+$0x0], $0xffff  }
0x140: {  	v13 =	vld [tilespmem:$0x1FD70]  }
0x141: {  	[tilespmem:$0x1F8F0] =	vst v3;
	v3 =	vadd.f32 v62, v11  }
0x142: {  	v7 =	vadd.f32 v48, v7  }
0x143: {  	[tilespmem:$0x1F8C0] =	vst v3  }
0x144: {  	v61 =	vmul.f32 v58, v6;
	v3 =	vadd.f32 v37, v24;
	[tilespmem:$0x1F5F0] =	vst v7;
	v7 =	vld [tilespmem:$0x1FD50]  }
0x145: {  	v26 =	vadd.f32 v16, v13;
	v13 =	vld [tilespmem:$0x1FD90]  }
0x146: {  	v5 =	vmul.f32 v5, v2;
	v11 =	vld [tilespmem:$0x1FCB0];
	v3 =	vadd.f32 v61, v3  }
0x147: {  	v12 =	vld.idx.msk [tilespmem:v12+s15+$0x0], $0xffff;
	v9 =	vmul.f32 v9, v2  }
0x148: {  	v3 =	vadd.f32 v5, v3;
	v5 =	vld [tilespmem:$0x1FB70]  }
0x149: {  	[tilespmem:$0x1F920] =	vst v1;
	v1 =	vmul.f32 v46, v6;
	v9 =	vadd.f32 v9, v10;
	v10 =	vld [tilespmem:$0x1FB80]  }
0x14a: {  	v7 =	vadd.f32 v27, v7;
	v27 =	vadd.f32 v15, v13;
	v13 =	vld [tilespmem:$0x1FCE0]  }
0x14b: {  	v0 =	vmul.f32 v0, v2;
	v4 =	vld [tilespmem:$0x1FAF0];
	v1 =	vadd.f32 v1, v8  }
0x14c: {  	v8 =	vld.idx.msk [tilespmem:v30+s15+$0x0], $0xffff  }
0x14d: {  	v0 =	vadd.f32 v0, v1;
	v1 =	vmul.f32 v12, v2;
	v12 =	vld [tilespmem:$0x1FB90];
	v3 =	vadd.f32 v50, v3  }
0x14e: {  	v11 =	vld.idx.msk [tilespmem:v11+s15+$0x0], $0xffff  }
0x14f: {  	[tilespmem:$0x1F8E0] =	vst v3;
	v3 =	vld [tilespmem:$0x1FBC0]  }
0x150: {  	v5 =	vld.idx.msk [tilespmem:v5+s15+$0x0], $0xffff  }
0x151: {  	v10 =	vld.idx.msk [tilespmem:v10+s15+$0x0], $0xffff  }
0x152: {  	v24 =	vld.idx.msk [tilespmem:v13+s15+$0x0], $0xffff  }
0x153: {  	v8 =	vmul.f32 v8, v6;
	v13 =	vld [tilespmem:$0x1FD00];
	_ =	sdelay $0x1  }
0x154: {  	v46 =	vld.idx.msk [tilespmem:v55+s15+$0x0], $0xffff;
	v5 =	vmul.f32 v5, v2;
	v8 =	vadd.f32 v8, v26  }
0x155: {  	v4 =	vld.idx.msk [tilespmem:v4+s15+$0x0], $0xffff;
	v28 =	vmul.f32 v31, v6;
	v11 =	vmul.f32 v11, v6;
	v9 =	vadd.f32 v51, v9  }
0x156: {  	v12 =	vld.idx.msk [tilespmem:v12+s15+$0x0], $0xffff;
	v5 =	vadd.f32 v5, v8  }
0x157: {  	[tilespmem:$0x1F6F0] =	vst v9;
	v9 =	vld [tilespmem:$0x1FD60];
	v7 =	vadd.f32 v11, v7;
	v11 =	vadd.f32 v28, v27;
	v10 =	vmul.f32 v10, v2  }
0x158: {  	v3 =	vld.idx.msk [tilespmem:v3+s15+$0x0], $0xffff  }
0x159: {  	v15 =	vld [tilespmem:$0x1FAC0];
	v5 =	vadd.f32 v34, v5;
	v8 =	vadd.f32 v10, v11  }
0x15a: {  	v0 =	vadd.f32 v47, v0;
	v21 =	vld.idx.msk [tilespmem:v13+s15+$0x0], $0xffff  }
0x15b: {  	[tilespmem:$0x1FD70] =	vst v5;
	v5 =	vadd.f32 v35, v8;
	v13 =	vld [tilespmem:$0x1FD10]  }
0x15c: {  	[tilespmem:$0x1F940] =	vst v0;
	v0 =	vmul.f32 v46, v6;
	v9 =	vadd.f32 v29, v9;
	v8 =	vld [tilespmem:$0x1FA90]  }
0x15d: {  	[tilespmem:$0x1FD90] =	vst v5;
	v5 =	vld [tilespmem:$0x1FDA0]  }
0x15e: {  	v4 =	vmul.f32 v4, v2;
	v0 =	vadd.f32 v0, v9;
	v9 =	vld [tilespmem:$0x1FCF0]  }
0x15f: {  	v1 =	vadd.f32 v1, v7;
	v7 =	vld [tilespmem:$0x1FC20]  }
0x160: {  	v0 =	vadd.f32 v4, v0;
	v4 =	vmul.f32 v12, v2;
	v12 =	vld [tilespmem:$0x1FC50]  }
0x161: {  	v10 =	vld [tilespmem:$0x1FC40]  }
0x162: {  	v5 =	vadd.f32 v8, v5;
	v8 =	vld [tilespmem:$0x1FDB0]  }
0x163: {  	v11 =	vmul.f32 v14, v6;
	v14 =	vld.idx.msk [tilespmem:v13+s15+$0x0], $0xffff  }
0x164: {  	v1 =	vadd.f32 v33, v1;
	v13 =	vld [tilespmem:$0x1FDD0]  }
0x165: {  	v16 =	vld [tilespmem:$0x1FAE0]  }
0x166: {  	[tilespmem:$0x1FD50] =	vst v1;
	v1 =	vld [tilespmem:$0x1FC60]  }
0x167: {  	v0 =	vadd.f32 v32, v0;
	v9 =	vld.idx.msk [tilespmem:v9+s15+$0x0], $0xffff  }
0x168: {  	v7 =	vld.idx.msk [tilespmem:v7+s15+$0x0], $0xffff  }
0x169: {  	[tilespmem:$0x1FD60] =	vst v0;
	v0 =	vmul.f32 v24, v6;
	v8 =	vadd.f32 v54, v8;
	v13 =	vadd.f32 v15, v13;
	v15 =	vld [tilespmem:$0x1FDE0];
	_ =	sdelay $0x1  }
0x16a: {  	v3 =	vmul.f32 v3, v2;
	v10 =	vld.idx.msk [tilespmem:v10+s15+$0x0], $0xffff;
	v0 =	vadd.f32 v0, v8  }
0x16b: {  	v12 =	vld.idx.msk [tilespmem:v12+s15+$0x0], $0xffff;
	v9 =	vmul.f32 v9, v6  }
0x16c: {  	v5 =	vadd.f32 v11, v5;
	v7 =	vmul.f32 v7, v2;
	v0 =	vadd.f32 v3, v0  }
0x16d: {  	v17 =	vld.idx.msk [tilespmem:v39+s15+$0x0], $0xffff;
	v9 =	vadd.f32 v9, v13;
	v15 =	vadd.f32 v16, v15;
	v16 =	vmul.f32 v21, v6  }
0x16e: {  	v1 =	vld.idx.msk [tilespmem:v1+s15+$0x0], $0xffff;
	v4 =	vadd.f32 v4, v5;
	v0 =	vadd.f32 v20, v0  }
0x16f: {  	v10 =	vmul.f32 v10, v2;
	v5 =	vld [tilespmem:$0x1FC70];
	v7 =	vadd.f32 v7, v9;
	v11 =	vadd.f32 v16, v15  }
0x170: {  	v3 =	vmul.f32 v12, v2;
	v12 =	vld [tilespmem:$0x1FDF0]  }
0x171: {  	[tilespmem:$0x1FDB0] =	vst v0;
	v0 =	vld [tilespmem:$0x1F960];
	v7 =	vadd.f32 v18, v7;
	v9 =	vadd.f32 v10, v11  }
0x172: {  	v11 =	vmul.f32 v14, v6;
	v14 =	vld [tilespmem:$0x1FB30]  }
0x173: {  	[tilespmem:$0x1FDD0] =	vst v7;
	v10 =	vld [tilespmem:$0x1FC80];
	v7 =	vadd.f32 v22, v9  }
0x174: {  	v8 =	vld.idx.msk [tilespmem:v40+s15+$0x0], $0xffff  }
0x175: {  	[tilespmem:$0x1FDE0] =	vst v7;
	v7 =	vld [tilespmem:$0x1F970]  }
0x176: {  	v13 =	vld.idx.msk [tilespmem:v43+s15+$0x0], $0xffff  }
0x177: {  	v12 =	vadd.f32 v14, v12;
	v14 =	vld [tilespmem:$0x1FE00]  }
0x178: {  	v15 =	vld [tilespmem:$0x1FB60]  }
0x179: {  	v5 =	vld.idx.msk [tilespmem:v5+s15+$0x0], $0xffff  }
0x17a: {  	v4 =	vadd.f32 v19, v4;
	v0 =	vld.idx.msk [tilespmem:v0+s15+$0x0], $0xffff  }
0x17b: {  	v10 =	vld.idx.msk [tilespmem:v10+s15+$0x0], $0xffff  }
0x17c: {  	[tilespmem:$0x1FDA0] =	vst v4;
	v4 =	vmul.f32 v17, v6;
	v8 =	vmul.f32 v8, v6;
	v14 =	vadd.f32 v23, v14  }
0x17d: {  	v1 =	vmul.f32 v1, v2;
	v6 =	vmul.f32 v13, v6;
	v15 =	vadd.f32 v15, v41;
	v7 =	vld.idx.msk [tilespmem:v7+s15+$0x0], $0xffff  }
0x17e: {  	v5 =	vmul.f32 v5, v2;
	v4 =	vadd.f32 v4, v12;
	v8 =	vadd.f32 v8, v14  }
0x17f: {  	v0 =	vmul.f32 v0, v53;
	v6 =	vadd.f32 v6, v15  }
0x180: {  	v1 =	vadd.f32 v1, v4;
	v2 =	vmul.f32 v10, v2;
	v4 =	vadd.f32 v5, v8  }
0x181: {  	v12 =	vld [tilespmem:$0x1FE10]  }
0x182: {  	v59 =	vmovc v44;
	v9 =	vld [tilespmem:$0x1FB10];
	v2 =	vadd.f32 v2, v6;
	v0 =	vadd.f32 v0, v4;
	v5 =	vmul.f32 v7, v53  }
0x183: {  	v1 =	vadd.f32 v59, v1;
	v10 =	vlaneseq.u32  }
0x184: {  	v15 =	vld [tilespmem:$0x1FE40];
	v6 =	vadd.s32 s16, v10;
	[tilespmem:$0x1FE00] =	vst v0;
	v0 =	vadd.f32 v5, v2  }
0x185: {  	[tilespmem:$0x1FDF0] =	vst v1;
	v1 =	vand.u32 $0x3F, v6  }
0x186: {  	v57 =	vld [tilespmem:$0x1FE30];
	[tilespmem:$0x1F600] =	vst v0;
	v0 =	vor.u32 v12, v1  }
0x187: {  	v13 =	vld [tilespmem:$0x1FE20];
	v9 =	vadd.f32 v9, v42  }
0x188: {  	v7 =	vld [tilespmem:$0x1FC90]  }
0x189: {  	v21 =	vld [tilespmem:$0x1FE50];
	v9 =	vadd.f32 v11, v9;
	v4 =	vor.u32 v15, v1  }
0x18a: {  	v17 =	vld [tilespmem:$0x1FE60]  }
0x18b: {  	v3 =	vadd.f32 v3, v9;
	v0 =	vld.idx.msk [tilespmem:v0+s15+$0x0], $0xffff  }
0x18c: {  	v30 =	vld [tilespmem:$0x1FE90];
	v2 =	vor.u32 v13, v1  }
0x18d: {  	v28 =	vld [tilespmem:$0x1FEA0];
	v3 =	vadd.f32 v7, v3  }
0x18e: {  	v5 =	vor.u32 v21, v1;
	v4 =	vld.idx.msk [tilespmem:v4+s15+$0x0], $0xffff  }
0x18f: {  	v32 =	vld [tilespmem:$0x1FEB0];
	[tilespmem:$0x1F850] =	vst v3;
	v3 =	vor.u32 v57, v1  }
0x190: {  	v20 =	vld [tilespmem:$0x1FE70];
	[tilespmem:$0x1F610] =	vst v0;
	v0 =	vor.u32 v17, v1  }
0x191: {  	v2 =	vld.idx.msk [tilespmem:v2+s15+$0x0], $0xffff  }
0x192: {  	v24 =	vld [tilespmem:$0x1FE80]  }
0x193: {  	v5 =	vld.idx.msk [tilespmem:v5+s15+$0x0], $0xffff;
	[tilespmem:$0x1F640] =	vst v4;
	v4 =	vor.u32 v28, v1  }
0x194: {  	v3 =	vld.idx.msk [tilespmem:v3+s15+$0x0], $0xffff  }
0x195: {  	v0 =	vld.idx.msk [tilespmem:v0+s15+$0x0], $0xffff  }
0x196: {  	v37 =	vld [tilespmem:$0x1FF50];
	[tilespmem:$0x1F620] =	vst v2;
	v2 =	vor.u32 v20, v1  }
0x197: {  	v46 =	vld [tilespmem:$0x1FEF0]  }
0x198: {  	[tilespmem:$0x1F650] =	vst v5;
	v5 =	vor.u32 v30, v1;
	v4 =	vld.idx.msk [tilespmem:v4+s15+$0x0], $0xffff  }
0x199: {  	v34 =	vld [tilespmem:$0x1FF00];
	[tilespmem:$0x1F630] =	vst v3;
	v3 =	vor.u32 v24, v1  }
0x19a: {  	v18 =	vld [tilespmem:$0x1FEC0];
	[tilespmem:$0x1F660] =	vst v0;
	v0 =	vor.u32 v32, v1  }
0x19b: {  	v2 =	vld.idx.msk [tilespmem:v2+s15+$0x0], $0xffff  }
0x19c: {  	v23 =	vld [tilespmem:$0x1FF30]  }
0x19d: {  	v5 =	vld.idx.msk [tilespmem:v5+s15+$0x0], $0xffff;
	[tilespmem:$0x1F690] =	vst v4;
	v4 =	vor.u32 v46, v1  }
0x19e: {  	v3 =	vld.idx.msk [tilespmem:v3+s15+$0x0], $0xffff  }
0x19f: {  	v0 =	vld.idx.msk [tilespmem:v0+s15+$0x0], $0xffff  }
0x1a0: {  	v38 =	vld [tilespmem:$0x1FEE0];
	[tilespmem:$0x1F670] =	vst v2;
	v2 =	vor.u32 v18, v1  }
0x1a1: {  	v42 =	vld [tilespmem:$0x1FF90]  }
0x1a2: {  	[tilespmem:$0x1F6A0] =	vst v5;
	v5 =	vor.u32 v23, v1;
	v4 =	vld.idx.msk [tilespmem:v4+s15+$0x0], $0xffff  }
0x1a3: {  	v58 =	vld [tilespmem:$0x1FF80];
	[tilespmem:$0x1F680] =	vst v3;
	v3 =	vor.u32 v34, v1  }
0x1a4: {  	v33 =	vld [tilespmem:$0x1FED0];
	[tilespmem:$0x1F6B0] =	vst v0;
	v0 =	vor.u32 v37, v1  }
0x1a5: {  	v2 =	vld.idx.msk [tilespmem:v2+s15+$0x0], $0xffff  }
0x1a6: {  	v59 =	vld [tilespmem:$0x1FF70]  }
0x1a7: {  	v5 =	vld.idx.msk [tilespmem:v5+s15+$0x0], $0xffff;
	[tilespmem:$0x1F6E0] =	vst v4;
	v4 =	vor.u32 v42, v1  }
0x1a8: {  	v3 =	vld.idx.msk [tilespmem:v3+s15+$0x0], $0xffff  }
0x1a9: {  	v0 =	vld.idx.msk [tilespmem:v0+s15+$0x0], $0xffff  }
0x1aa: {  	v39 =	vld [tilespmem:$0x1FF20];
	[tilespmem:$0x1F6C0] =	vst v2;
	v2 =	vor.u32 v38, v1  }
0x1ab: {  	v29 =	vld [tilespmem:$0x1FF10]  }
0x1ac: {  	[tilespmem:$0x1F700] =	vst v5;
	v5 =	vor.u32 v58, v1;
	v4 =	vld.idx.msk [tilespmem:v4+s15+$0x0], $0xffff  }
0x1ad: {  	v27 =	vld [tilespmem:$0x1FFE0];
	[tilespmem:$0x1F6D0] =	vst v3;
	v3 =	vor.u32 v33, v1  }
0x1ae: {  	v40 =	vld [tilespmem:$0x1FF40];
	[tilespmem:$0x1F710] =	vst v0;
	v0 =	vor.u32 v59, v1  }
0x1af: {  	v2 =	vld.idx.msk [tilespmem:v2+s15+$0x0], $0xffff  }
0x1b0: {  	v41 =	vld [tilespmem:$0x1FF60]  }
0x1b1: {  	[tilespmem:$0x1F740] =	vst v4;
	v4 =	vld.idx.msk [tilespmem:v5+s15+$0x0], $0xffff  }
0x1b2: {  	v3 =	vld.idx.msk [tilespmem:v3+s15+$0x0], $0xffff  }
0x1b3: {  	v0 =	vld.idx.msk [tilespmem:v0+s15+$0x0], $0xffff  }
0x1b4: {  	v14 =	vld [tilespmem:$0x1FFC0];
	[tilespmem:$0x1F720] =	vst v2;
	v2 =	vor.u32 v39, v1  }
0x1b5: {  	v35 =	vld [tilespmem:$0x1FFF0]  }
0x1b6: {  	v16 =	vld [tilespmem:$0x1FFD0];
	v6 =	vor.u32 v29, v1;
	[tilespmem:$0x1F750] =	vst v4  }
0x1b7: {  	v7 =	vor.u32 v40, v1;
	v4 =	vld [tilespmem:$0x1FFB0];
	[tilespmem:$0x1F730] =	vst v3  }
0x1b8: {  	v3 =	vor.u32 v41, v1;
	[tilespmem:$0x1F760] =	vst v0;
	v0 =	vld [tilespmem:$0x1FFA0]  }
0x1b9: {  	v52 =	vld.idx.msk [tilespmem:v2+s12+$0x0], $0xffff;
	v2 =	vor.u32 v14, v1;
	_ =	sdelay $0x1  }
0x1ba: {  	s17 =	sadd.s32 $0x3, s16;
	v8 =	vor.u32 v27, v1;
	v53 =	vld.idx.msk [tilespmem:v6+s12+$0x0], $0xffff  }
0x1bb: {  	v6 =	vor.u32 v16, v1;
	v50 =	vld.idx.msk [tilespmem:v7+s12+$0x0], $0xffff;
	v7 =	vadd.s32 s17, v10;
	v5 =	vor.u32 v35, v1  }
0x1bc: {  	v9 =	vor.u32 v4, v1;
	v51 =	vld.idx.msk [tilespmem:v3+s12+$0x0], $0xffff;
	v3 =	vor.u32 v0, v1;
	v1 =	vand.u32 $0x3F, v7  }
0x1bd: {  	v47 =	vld.idx.msk [tilespmem:v2+s12+$0x0], $0xffff;
	v2 =	vor.u32 v57, v1;
	_ =	sdelay $0x4  }
0x1be: {  	v56 =	vld.idx.msk [tilespmem:v2+s15+$0x0], $0xffff;
	v2 =	vor.u32 v24, v1;
	_ =	sdelay $0x3  }
0x1bf: {  	v49 =	vld.idx.msk [tilespmem:v8+s12+$0x0], $0xffff  }
0x1c0: {  	s17 =	sadd.s32 $0x2, s16;
	v2 =	vld.idx.msk [tilespmem:v2+s15+$0x0], $0xffff  }
0x1c1: {  	v8 =	vadd.s32 s17, v10;
	v25 =	vld.idx.msk [tilespmem:v3+s12+$0x0], $0xffff;
	v3 =	vor.u32 v15, v1  }
0x1c2: {  	v11 =	vand.u32 $0x3F, v8;
	v8 =	vor.u32 v28, v1;
	_ =	sdelay $0x2  }
0x1c3: {  	[tilespmem:$0x1F7F0] =	vst v2;
	v2 =	vor.u32 v58, v1  }
0x1c4: {  	v7 =	vor.u32 v21, v1;
	v3 =	vld.idx.msk [tilespmem:v3+s15+$0x0], $0xffff;
	[tilespmem:$0x1F960] =	vst v2;
	v2 =	vor.u32 v13, v11  }
0x1c5: {  	[tilespmem:$0x1F7B0] =	vst v2;
	v2 =	vld.idx.msk [tilespmem:v8+s15+$0x0], $0xffff;
	_ =	sdelay $0x2  }
0x1c6: {  	v63 =	vld.idx.msk [tilespmem:v5+s12+$0x0], $0xffff;
	v5 =	vor.u32 v12, v1  }
0x1c7: {  	[tilespmem:$0x1F790] =	vst v3;
	v3 =	vld.idx.msk [tilespmem:v7+s15+$0x0], $0xffff;
	v7 =	vor.u32 v30, v1  }
0x1c8: {  	[tilespmem:$0x1F800] =	vst v2;
	v2 =	vor.u32 v59, v1  }
0x1c9: {  	[tilespmem:$0x1F970] =	vst v2;
	v2 =	vor.u32 v57, v11  }
0x1ca: {  	[tilespmem:$0x1F7E0] =	vst v2;
	v2 =	vor.u32 v15, v11  }
0x1cb: {  	v5 =	vld.idx.msk [tilespmem:v5+s15+$0x0], $0xffff;
	[tilespmem:$0x1F890] =	vst v2;
	v2 =	vor.u32 v21, v11  }
0x1cc: {  	[tilespmem:$0x1F8B0] =	vst v2;
	v2 =	vld.idx.msk [tilespmem:v7+s15+$0x0], $0xffff  }
0x1cd: {  	s18 =	sadd.s32 $0x1, s16  }
0x1ce: {  	v26 =	vld.idx.msk [tilespmem:v9+s12+$0x0], $0xffff;
	v9 =	vadd.s32 s18, v10  }
0x1cf: {  	v43 =	vand.u32 $0x3F, v9;
	v9 =	vor.u32 v32, v1  }
0x1d0: {  	[tilespmem:$0x1F770] =	vst v5  }
0x1d1: {  	[tilespmem:$0x1F810] =	vst v2;
	v2 =	vor.u32 v17, v11  }
0x1d2: {  	v5 =	vor.u32 v17, v1;
	[tilespmem:$0x1F8D0] =	vst v2;
	v2 =	vor.u32 v20, v11  }
0x1d3: {  	[tilespmem:$0x1F900] =	vst v2;
	v2 =	vor.u32 v24, v11  }
0x1d4: {  	[tilespmem:$0x1F980] =	vst v2;
	v2 =	vld.idx.msk [tilespmem:v9+s15+$0x0], $0xffff;
	_ =	sdelay $0x2  }
0x1d5: {  	[tilespmem:$0x1F7A0] =	vst v3;
	v3 =	vld.idx.msk [tilespmem:v5+s15+$0x0], $0xffff;
	v5 =	vor.u32 v18, v1;
	_ =	sdelay $0x1  }
0x1d6: {  	[tilespmem:$0x1F820] =	vst v2;
	v2 =	vor.u32 v28, v11  }
0x1d7: {  	[tilespmem:$0x1F930] =	vst v2;
	v2 =	vor.u32 v30, v11  }
0x1d8: {  	[tilespmem:$0x1FA70] =	vst v2;
	v2 =	vor.u32 v32, v11  }
0x1d9: {  	[tilespmem:$0x1FAF0] =	vst v2;
	v2 =	vld.idx.msk [tilespmem:v5+s15+$0x0], $0xffff;
	_ =	sdelay $0x2  }
0x1da: {  	v10 =	vor.u32 v34, v1;
	_ =	sdelay $0x1  }
0x1db: {  	[tilespmem:$0x1F840] =	vst v2;
	v2 =	vor.u32 v18, v11  }
0x1dc: {  	v48 =	vld.idx.msk [tilespmem:v6+s12+$0x0], $0xffff;
	v6 =	vor.u32 v13, v1;
	[tilespmem:$0x1FB70] =	vst v2;
	v2 =	vor.u32 v34, v11  }
0x1dd: {  	[tilespmem:$0x1FB80] =	vst v2;
	v2 =	vor.u32 v46, v11  }
0x1de: {  	[tilespmem:$0x1FB90] =	vst v2;
	v2 =	vld.idx.msk [tilespmem:v10+s15+$0x0], $0xffff;
	_ =	sdelay $0x1  }
0x1df: {  	v19 =	vor.u32 v46, v1  }
0x1e0: {  	v6 =	vld.idx.msk [tilespmem:v6+s15+$0x0], $0xffff;
	_ =	sdelay $0x1  }
0x1e1: {  	[tilespmem:$0x1F860] =	vst v2;
	v2 =	vor.u32 v23, v11  }
0x1e2: {  	[tilespmem:$0x1FBC0] =	vst v2;
	v2 =	vor.u32 v37, v11  }
0x1e3: {  	[tilespmem:$0x1FC20] =	vst v2;
	v2 =	vld.idx.msk [tilespmem:v19+s15+$0x0], $0xffff  }
0x1e4: {  	[tilespmem:$0x1F780] =	vst v6;
	v6 =	vor.u32 v20, v1  }
0x1e5: {  	v22 =	vor.u32 v23, v1;
	_ =	sdelay $0x1  }
0x1e6: {  	[tilespmem:$0x1F7C0] =	vst v3  }
0x1e7: {  	[tilespmem:$0x1F870] =	vst v2;
	v2 =	vor.u32 v38, v11  }
0x1e8: {  	v3 =	vld.idx.msk [tilespmem:v6+s15+$0x0], $0xffff;
	[tilespmem:$0x1FC40] =	vst v2;
	v2 =	vor.u32 v33, v11  }
0x1e9: {  	v54 =	vor.u32 v14, v1;
	[tilespmem:$0x1FC50] =	vst v2;
	v2 =	vld.idx.msk [tilespmem:v22+s15+$0x0], $0xffff;
	_ =	sdelay $0x1  }
0x1ea: {  	v31 =	vor.u32 v37, v1  }
0x1eb: {  	v60 =	vor.u32 v57, v43;
	v25 =	vadd.f32 v26, v25;
	v26 =	vor.u32 v4, v11  }
0x1ec: {  	v36 =	vor.u32 v38, v1;
	v57 =	vor.u32 v15, v43;
	v15 =	vor.u32 v0, v43;
	[tilespmem:$0x1F7D0] =	vst v3  }
0x1ed: {  	v54 =	vld.idx.msk [tilespmem:v54+s12+$0x0], $0xffff;
	v6 =	vor.u32 v12, v11;
	[tilespmem:$0x1F880] =	vst v2;
	v2 =	vor.u32 v42, v11  }
0x1ee: {  	v3 =	vor.u32 v12, v43;
	v12 =	vor.u32 v4, v1;
	[tilespmem:$0x1FC60] =	vst v2;
	v2 =	vor.u32 v58, v11  }
0x1ef: {  	v61 =	vor.u32 v13, v43;
	v44 =	vor.u32 v33, v1;
	[tilespmem:$0x1FC70] =	vst v2;
	v2 =	vld.idx.msk [tilespmem:v31+s15+$0x0], $0xffff  }
0x1f0: {  	v55 =	vor.u32 v0, v1;
	v26 =	vld.idx.msk [tilespmem:v26+s12+$0x0], $0xffff;
	v13 =	vor.u32 v0, v11;
	v0 =	vor.u32 v28, v43  }
0x1f1: {  	v62 =	vor.u32 v42, v1;
	[tilespmem:$0x1FCA0] =	vst v0;
	v0 =	vor.u32 v30, v43;
	v15 =	vld.idx.msk [tilespmem:v15+s12+$0x0], $0xffff  }
0x1f2: {  	v8 =	vor.u32 v27, v1;
	[tilespmem:$0x1FCB0] =	vst v0;
	v0 =	vor.u32 v34, v43;
	v9 =	vld.idx.msk [tilespmem:v36+s15+$0x0], $0xffff  }
0x1f3: {  	v45 =	vor.u32 v16, v1;
	[tilespmem:$0x1FCC0] =	vst v0;
	v0 =	vor.u32 v46, v43;
	v12 =	vld.idx.msk [tilespmem:v12+s12+$0x0], $0xffff  }
0x1f4: {  	v5 =	vor.u32 v24, v43;
	v24 =	vor.u32 v4, v43;
	[tilespmem:$0x1F8A0] =	vst v2;
	v2 =	vor.u32 v59, v11  }
0x1f5: {  	v19 =	vld.idx.msk [tilespmem:v55+s12+$0x0], $0xffff;
	[tilespmem:$0x1FC80] =	vst v2;
	v2 =	vor.u32 v17, v43;
	v17 =	vadd.f32 v47, v25  }
0x1f6: {  	v7 =	vor.u32 v29, v1;
	[tilespmem:$0x1FCD0] =	vst v0;
	v0 =	vor.u32 v23, v43;
	v10 =	vld.idx.msk [tilespmem:v44+s15+$0x0], $0xffff  }
0x1f7: {  	v44 =	vld.idx.msk [tilespmem:v8+s12+$0x0], $0xffff;
	v8 =	vor.u32 v21, v43;
	v21 =	vor.u32 v14, v43;
	v25 =	vadd.f32 v48, v17  }
0x1f8: {  	[tilespmem:$0x1FCE0] =	vst v0;
	v0 =	vor.u32 v37, v43;
	v22 =	vld.idx.msk [tilespmem:v13+s12+$0x0], $0xffff;
	v13 =	vor.u32 v35, v1  }
0x1f9: {  	v36 =	vld.idx.msk [tilespmem:v45+s12+$0x0], $0xffff;
	v30 =	vor.u32 v18, v43;
	v18 =	vadd.f32 v49, v25;
	v25 =	vor.u32 v16, v43  }
0x1fa: {  	[tilespmem:$0x1FCF0] =	vst v0;
	v0 =	vor.u32 v38, v43;
	v24 =	vld.idx.msk [tilespmem:v24+s12+$0x0], $0xffff;
	v12 =	vadd.f32 v12, v19  }
0x1fb: {  	[tilespmem:$0x1FD00] =	vst v0;
	v23 =	vor.u32 v27, v11;
	v49 =	vor.u32 v27, v43;
	v27 =	vor.u32 v40, v1  }
0x1fc: {  	v0 =	vor.u32 v33, v43;
	v21 =	vld.idx.msk [tilespmem:v21+s12+$0x0], $0xffff;
	v12 =	vadd.f32 v54, v12;
	v31 =	vor.u32 v14, v11  }
0x1fd: {  	[tilespmem:$0x1FD10] =	vst v0;
	v28 =	vor.u32 v39, v1;
	v13 =	vld.idx.msk [tilespmem:v13+s12+$0x0], $0xffff;
	v1 =	vor.u32 v41, v1  }
0x1fe: {  	v0 =	vadd.f32 v36, v12;
	v22 =	vadd.f32 v26, v22;
	v26 =	vor.u32 v35, v43;
	v19 =	vld.idx.msk [tilespmem:v25+s12+$0x0], $0xffff  }
0x1ff: {  	v15 =	vadd.f32 v24, v15  }
0x200: {  	v45 =	vor.u32 v20, v43;
	v20 =	vor.u32 v16, v11;
	v0 =	vadd.f32 v44, v0;
	v12 =	vld.idx.msk [tilespmem:v27+s12+$0x0], $0xffff  }
0x201: {  	v15 =	vadd.f32 v21, v15;
	v31 =	vld.idx.msk [tilespmem:v31+s12+$0x0], $0xffff  }
0x202: {  	v0 =	vadd.f32 v13, v0;
	v1 =	vld.idx.msk [tilespmem:v1+s12+$0x0], $0xffff  }
0x203: {  	v18 =	vadd.f32 v63, v18;
	v14 =	vadd.f32 v19, v15;
	v15 =	vld.idx.msk [tilespmem:v26+s12+$0x0], $0xffff  }
0x204: {  	v26 =	vld.idx.msk [tilespmem:v28+s12+$0x0], $0xffff  }
0x205: {  	v20 =	vld.idx.msk [tilespmem:v20+s12+$0x0], $0xffff;
	v4 =	vadd.f32 v50, v18;
	v0 =	vadd.f32 v12, v0  }
0x206: {  	v7 =	vld.idx.msk [tilespmem:v7+s12+$0x0], $0xffff  }
0x207: {  	v18 =	vld.idx.msk [tilespmem:v23+s12+$0x0], $0xffff;
	v23 =	vor.u32 v35, v11;
	v4 =	vadd.f32 v51, v4;
	v0 =	vadd.f32 v1, v0  }
0x208: {  	v22 =	vadd.f32 v31, v22;
	v31 =	vor.u32 v40, v43;
	v24 =	vld.idx.msk [tilespmem:v49+s12+$0x0], $0xffff  }
0x209: {  	v4 =	vadd.f32 v52, v4;
	v12 =	vld [tilespmem:$0x1F670];
	v0 =	vadd.f32 v26, v0  }
0x20a: {  	v20 =	vadd.f32 v20, v22;
	v1 =	vld [tilespmem:$0x1F6B0]  }
0x20b: {  	[tilespmem:$0x1F950] =	vst v2;
	v2 =	vor.u32 v29, v11;
	v4 =	vadd.f32 v53, v4;
	v53 =	vadd.f32 v7, v0;
	v0 =	vld [tilespmem:$0x1F740]  }
0x20c: {  	v22 =	vor.u32 v41, v11;
	v25 =	vor.u32 v39, v11;
	v11 =	vor.u32 v40, v11;
	v21 =	vld.idx.msk [tilespmem:v23+s12+$0x0], $0xffff  }
0x20d: {  	v14 =	vadd.f32 v24, v14;
	v24 =	vld.idx.msk [tilespmem:v31+s12+$0x0], $0xffff  }
0x20e: {  	v31 =	vmul.f32 v12, v4;
	v12 =	vld [tilespmem:$0x1F680]  }
0x20f: {  	v17 =	vor.u32 v29, v43;
	v29 =	vmul.f32 v1, v4;
	v1 =	vld [tilespmem:$0x1F6C0]  }
0x210: {  	v0 =	vmul.f32 v0, v4  }
0x211: {  	v11 =	vld.idx.msk [tilespmem:v11+s12+$0x0], $0xffff  }
0x212: {  	v18 =	vadd.f32 v18, v20;
	[tilespmem:$0x1FB30] =	vst v0;
	v0 =	vld [tilespmem:$0x1F750];
	_ =	sdelay $0x1  }
0x213: {  	v38 =	vmul.f32 v12, v4;
	v12 =	vadd.f32 v21, v18;
	v21 =	vld [tilespmem:$0x1F700];
	v1 =	vmul.f32 v1, v4;
	_ =	sdelay $0x1  }
0x214: {  	[tilespmem:$0x1FA50] =	vst v1;
	v1 =	vadd.f32 v15, v14;
	v14 =	vld.idx.msk [tilespmem:v22+s12+$0x0], $0xffff  }
0x215: {  	v46 =	vmul.f32 v0, v4;
	v0 =	vadd.f32 v11, v12;
	v11 =	vld.idx.msk [tilespmem:v6+s15+$0x0], $0xffff  }
0x216: {  	v6 =	vld [tilespmem:$0x1F7A0]  }
0x217: {  	v54 =	vmul.f32 v21, v4;
	v21 =	vld [tilespmem:$0x1F710];
	_ =	sdelay $0x1  }
0x218: {  	v18 =	vld [tilespmem:$0x1F6A0]  }
0x219: {  	v19 =	vor.u32 v41, v43;
	v0 =	vadd.f32 v14, v0;
	v14 =	vld.idx.msk [tilespmem:v62+s15+$0x0], $0xffff  }
0x21a: {  	v62 =	vmul.f32 v6, v53;
	v6 =	vld [tilespmem:$0x1F7B0]  }
0x21b: {  	v13 =	vld [tilespmem:$0x1F630];
	v21 =	vmul.f32 v21, v4;
	_ =	sdelay $0x1  }
0x21c: {  	[tilespmem:$0x1FAC0] =	vst v21;
	v21 =	vld.idx.msk [tilespmem:v25+s12+$0x0], $0xffff  }
0x21d: {  	v27 =	vmul.f32 v18, v4;
	v18 =	vld.idx.msk [tilespmem:v19+s12+$0x0], $0xffff  }
0x21e: {  	v19 =	vld [tilespmem:$0x1F6E0]  }
0x21f: {  	v28 =	vmul.f32 v13, v4;
	v13 =	vld [tilespmem:$0x1F640]  }
0x220: {  	v63 =	vor.u32 v39, v43  }
0x221: {  	v0 =	vadd.f32 v21, v0;
	v21 =	vld.idx.msk [tilespmem:v6+s15+$0x0], $0xffff  }
0x222: {  	v6 =	vld [tilespmem:$0x1F7C0]  }
0x223: {  	v19 =	vmul.f32 v19, v4  }
0x224: {  	v49 =	vmul.f32 v13, v4;
	v13 =	vld [tilespmem:$0x1F650]  }
0x225: {  	[tilespmem:$0x1FA90] =	vst v19;
	v19 =	vld.idx.msk [tilespmem:v63+s12+$0x0], $0xffff  }
0x226: {  	v17 =	vld.idx.msk [tilespmem:v17+s12+$0x0], $0xffff;
	v1 =	vadd.f32 v24, v1  }
0x227: {  	v50 =	vmul.f32 v6, v53;
	v6 =	vld [tilespmem:$0x1F7D0]  }
0x228: {  	v2 =	vld.idx.msk [tilespmem:v2+s12+$0x0], $0xffff;
	v1 =	vadd.f32 v18, v1  }
0x229: {  	v20 =	vld [tilespmem:$0x1F610]  }
0x22a: {  	v52 =	vmul.f32 v13, v4;
	v13 =	vld [tilespmem:$0x1F660];
	v1 =	vadd.f32 v19, v1  }
0x22b: {  	v22 =	vld [tilespmem:$0x1F720]  }
0x22c: {  	v47 =	vmul.f32 v6, v53;
	v6 =	vadd.f32 v17, v1;
	v1 =	vld [tilespmem:$0x1F7E0]  }
0x22d: {  	v23 =	vld [tilespmem:$0x1F620]  }
0x22e: {  	v2 =	vadd.f32 v2, v0;
	v0 =	vld [tilespmem:$0x1F810]  }
0x22f: {  	v7 =	vld [tilespmem:$0x1F760]  }
0x230: {  	v15 =	vld [tilespmem:$0x1F6D0];
	v22 =	vmul.f32 v22, v4  }
0x231: {  	v37 =	vmul.f32 v13, v4;
	v13 =	vld [tilespmem:$0x1F690]  }
0x232: {  	[tilespmem:$0x1FAE0] =	vst v22;
	v22 =	vld [tilespmem:$0x1F730]  }
0x233: {  	v33 =	vmul.f32 v0, v53;
	v0 =	vld [tilespmem:$0x1F820]  }
0x234: {  	v17 =	vld.idx.msk [tilespmem:v1+s15+$0x0], $0xffff  }
0x235: {  	v1 =	vld [tilespmem:$0x1F7F0]  }
0x236: {  	v20 =	vmul.f32 v20, v4;
	v23 =	vmul.f32 v23, v4  }
0x237: {  	v15 =	vmul.f32 v15, v4;
	v13 =	vmul.f32 v13, v4  }
0x238: {  	v22 =	vmul.f32 v22, v4;
	v4 =	vmul.f32 v7, v4;
	v7 =	vld.idx.msk [tilespmem:v3+s15+$0x0], $0xffff  }
0x239: {  	v55 =	vor.u32 v32, v43;
	v32 =	vmul.f32 v0, v53;
	v0 =	vld [tilespmem:$0x1F830]  }
0x23a: {  	v51 =	vmul.f32 v1, v53;
	v1 =	vld [tilespmem:$0x1F800];
	_ =	sdelay $0x3  }
0x23b: {  	v16 =	vld [tilespmem:$0x1F5F0];
	v39 =	vor.u32 v42, v43  }
0x23c: {  	v42 =	vld [tilespmem:$0x1F850];
	v0 =	vadd.f32 v20, v0;
	v48 =	vmul.f32 v1, v53;
	v1 =	vmul.f32 v7, v6  }
0x23d: {  	v41 =	vld [tilespmem:$0x1F600]  }
0x23e: {  	v26 =	vld [tilespmem:$0x1F6F0];
	v0 =	vadd.f32 v1, v0;
	v1 =	vmul.f32 v11, v2  }
0x23f: {  	v24 =	vld.idx.msk [tilespmem:v61+s15+$0x0], $0xffff  }
0x240: {  	[tilespmem:$0x1FB10] =	vst v22;
	v22 =	vmul.f32 v9, v53;
	v9 =	vadd.f32 v1, v0;
	v0 =	vld [tilespmem:$0x1F8B0]  }
0x241: {  	v18 =	vld [tilespmem:$0x1F840]  }
0x242: {  	v3 =	vld [tilespmem:$0x1F770]  }
0x243: {  	v61 =	vld.idx.msk [tilespmem:v8+s15+$0x0], $0xffff  }
0x244: {  	v8 =	vld [tilespmem:$0x1F880]  }
0x245: {  	v25 =	vld.idx.msk [tilespmem:v57+s15+$0x0], $0xffff  }
0x246: {  	v34 =	vmul.f32 v18, v53;
	v18 =	vld [tilespmem:$0x1F860]  }
0x247: {  	v12 =	vmul.f32 v3, v53;
	v3 =	vld [tilespmem:$0x1F780]  }
0x248: {  	v57 =	vld.idx.msk [tilespmem:v0+s15+$0x0], $0xffff;
	v0 =	vmul.f32 v10, v53  }
0x249: {  	v44 =	vmul.f32 v14, v53;
	v14 =	vld [tilespmem:$0x1F8C0]  }
0x24a: {  	[tilespmem:$0x1FC90] =	vst v0;
	v0 =	vld [tilespmem:$0x1F8D0]  }
0x24b: {  	v35 =	vmul.f32 v18, v53;
	v18 =	vld [tilespmem:$0x1F870]  }
0x24c: {  	v20 =	vmul.f32 v8, v53;
	v8 =	vld [tilespmem:$0x1F890]  }
0x24d: {  	[tilespmem:$0x1FB60] =	vst v4;
	v4 =	vmul.f32 v3, v53;
	v3 =	vld [tilespmem:$0x1F790]  }
0x24e: {  	v40 =	vor.u32 v58, v43;
	v43 =	vor.u32 v59, v43;
	v59 =	vmul.f32 v24, v6;
	v24 =	vld [tilespmem:$0x1F8E0]  }
0x24f: {  	v7 =	vld.idx.msk [tilespmem:v60+s15+$0x0], $0xffff  }
0x250: {  	v36 =	vadd.f32 v12, v9;
	v9 =	vld [tilespmem:$0x1F910]  }
0x251: {  	v12 =	vld [tilespmem:$0x1F950]  }
0x252: {  	v1 =	vmul.f32 v21, v2;
	v21 =	vmov v5;
	v5 =	vld.idx.msk [tilespmem:v0+s15+$0x0], $0xffff  }
0x253: {  	v0 =	vld [tilespmem:$0x1F900]  }
0x254: {  	v11 =	vld.idx.msk [tilespmem:v8+s15+$0x0], $0xffff  }
0x255: {  	v10 =	vadd.f32 v23, v9;
	v9 =	vld [tilespmem:$0x1F920]  }
0x256: {  	p0 =	slt.u32 s16, $0x3C;
	v8 =	vld [tilespmem:$0x1F8A0]  }
.Ltmp0:
0x257: {  	v60 =	vmul.f32 v25, v6;
	v25 =	vld [tilespmem:$0x1F940];
	(pc) =	sbr.rel @p0 .LBB2_3-.Ltmp0, $4  }
0x258: {  	v63 =	vmul.f32 v7, v6;
	v7 =	vld [tilespmem:$0x1F8F0]  }
0x259: {  	v56 =	vmul.f32 v56, v53;
	v58 =	vld.idx.msk [tilespmem:v12+s15+$0x0], $0xffff  }
0x25a: {  	v19 =	vmul.f32 v18, v53;
	v3 =	vmul.f32 v3, v53;
	v9 =	vadd.f32 v28, v9;
	v28 =	vld [tilespmem:$0x1F930]  }
0x25b: {  	s16 =	sadd.s32 $0x4, s16;
	v18 =	vmul.f32 v8, v53;
	v8 =	vmul.f32 v17, v2;
	v0 =	vld.idx.msk [tilespmem:v0+s15+$0x0], $0xffff  }
0x25c: {  	v23 =	vld [tilespmem:$0x1FCA0];
	_ =	sdelay $0x4  }
0x25d: {  	v25 =	vadd.f32 v31, v25;
	v31 =	vadd.f32 v13, v16;
	v13 =	vld [tilespmem:$0x1FCC0]  }
0x25e: {  	v14 =	vadd.f32 v52, v14;
	v10 =	vadd.f32 v59, v10;
	v17 =	vmul.f32 v61, v6  }
0x25f: {  	v21 =	vld.idx.msk [tilespmem:v21+s15+$0x0], $0xffff;
	v7 =	vadd.f32 v49, v7  }
0x260: {  	v14 =	vadd.f32 v17, v14;
	v1 =	vadd.f32 v1, v10;
	v10 =	vmul.f32 v57, v2;
	v23 =	vld.idx.msk [tilespmem:v23+s15+$0x0], $0xffff  }
0x261: {  	v11 =	vmul.f32 v11, v2;
	v7 =	vadd.f32 v60, v7  }
0x262: {  	v10 =	vadd.f32 v10, v14  }
0x263: {  	v14 =	vmul.f32 v58, v6;
	v7 =	vadd.f32 v11, v7;
	v11 =	vadd.f32 v37, v24;
	_ =	sdelay $0x1  }
0x264: {  	v11 =	vadd.f32 v14, v11;
	v14 =	vmul.f32 v21, v6;
	v21 =	vmul.f32 v23, v6;
	v23 =	vld.idx.msk [tilespmem:v13+s15+$0x0], $0xffff  }
0x265: {  	v13 =	vld [tilespmem:$0x1FB70]  }
0x266: {  	v12 =	vld.idx.msk [tilespmem:v45+s15+$0x0], $0xffff  }
0x267: {  	v17 =	vld [tilespmem:$0x1F980];
	_ =	sdelay $0x3  }
0x268: {  	v12 =	vmul.f32 v12, v6;
	_ =	sdelay $0x1  }
0x269: {  	v12 =	vadd.f32 v12, v25;
	v25 =	vld.idx.msk [tilespmem:v13+s15+$0x0], $0xffff  }
0x26a: {  	v13 =	vld [tilespmem:$0x1FB90]  }
0x26b: {  	v17 =	vld.idx.msk [tilespmem:v17+s15+$0x0], $0xffff;
	_ =	sdelay $0x2  }
0x26c: {  	v26 =	vadd.f32 v38, v26;
	_ =	sdelay $0x1  }
0x26d: {  	v0 =	vmul.f32 v0, v2;
	v14 =	vadd.f32 v14, v26;
	v17 =	vmul.f32 v17, v2;
	_ =	sdelay $0x1  }
0x26e: {  	v0 =	vadd.f32 v0, v12;
	v12 =	vadd.f32 v17, v14;
	v14 =	vld.idx.msk [tilespmem:v13+s15+$0x0], $0xffff  }
0x26f: {  	v13 =	vld [tilespmem:$0x1FBC0];
	_ =	sdelay $0x5  }
0x270: {  	v16 =	vld.idx.msk [tilespmem:v30+s15+$0x0], $0xffff  }
0x271: {  	v30 =	vld [tilespmem:$0x1FA50]  }
0x272: {  	v9 =	vadd.f32 v63, v9;
	v17 =	vld.idx.msk [tilespmem:v13+s15+$0x0], $0xffff  }
0x273: {  	v13 =	vld [tilespmem:$0x1FCD0]  }
0x274: {  	v8 =	vadd.f32 v8, v9;
	v9 =	vld.idx.msk [tilespmem:v28+s15+$0x0], $0xffff  }
0x275: {  	v45 =	vld [tilespmem:$0x1FDB0]  }
0x276: {  	v5 =	vmul.f32 v5, v2;
	v52 =	vld [tilespmem:$0x1FC80]  }
0x277: {  	v49 =	vld.idx.msk [tilespmem:v43+s15+$0x0], $0xffff  }
0x278: {  	v5 =	vadd.f32 v5, v11;
	v11 =	vld [tilespmem:$0x1FB80]  }
0x279: {  	v28 =	vld.idx.msk [tilespmem:v55+s15+$0x0], $0xffff;
	v9 =	vmul.f32 v9, v2;
	v21 =	vadd.f32 v21, v31  }
0x27a: {  	v1 =	vadd.f32 v4, v1;
	v4 =	vld [tilespmem:$0x1FA70]  }
0x27b: {  	v9 =	vadd.f32 v9, v21;
	v21 =	vld.idx.msk [tilespmem:v13+s15+$0x0], $0xffff  }
0x27c: {  	v13 =	vld [tilespmem:$0x1FD50]  }
0x27d: {  	v24 =	vld [tilespmem:$0x1FCB0]  }
0x27e: {  	v3 =	vadd.f32 v3, v7;
	v7 =	vld [tilespmem:$0x1FAF0]  }
0x27f: {  	v31 =	vld [tilespmem:$0x1FD90]  }
0x280: {  	v11 =	vld.idx.msk [tilespmem:v11+s15+$0x0], $0xffff  }
0x281: {  	v26 =	vadd.f32 v27, v13;
	v13 =	vld [tilespmem:$0x1FCE0]  }
0x282: {  	v0 =	vadd.f32 v47, v0;
	v47 =	vld [tilespmem:$0x1FDD0]  }
0x283: {  	v5 =	vadd.f32 v50, v5;
	v50 =	vld [tilespmem:$0x1FDE0]  }
0x284: {  	v4 =	vld.idx.msk [tilespmem:v4+s15+$0x0], $0xffff;
	v23 =	vmul.f32 v23, v6;
	v15 =	vadd.f32 v15, v31  }
0x285: {  	v24 =	vld.idx.msk [tilespmem:v24+s15+$0x0], $0xffff  }
0x286: {  	v7 =	vld.idx.msk [tilespmem:v7+s15+$0x0], $0xffff;
	v15 =	vadd.f32 v23, v15;
	v11 =	vmul.f32 v11, v2  }
0x287: {  	v23 =	vld [tilespmem:$0x1FC50]  }
0x288: {  	v11 =	vadd.f32 v11, v15;
	v15 =	vmul.f32 v17, v2;
	v17 =	vld [tilespmem:$0x1FD10]  }
0x289: {  	v27 =	vld.idx.msk [tilespmem:v13+s15+$0x0], $0xffff  }
0x28a: {  	v13 =	vld [tilespmem:$0x1FD60]  }
0x28b: {  	v24 =	vmul.f32 v24, v6;
	v9 =	vadd.f32 v48, v9;
	v48 =	vld [tilespmem:$0x1FAC0]  }
0x28c: {  	v12 =	vadd.f32 v51, v12;
	v51 =	vld [tilespmem:$0x1FAE0]  }
0x28d: {  	v24 =	vadd.f32 v24, v26;
	v26 =	vld [tilespmem:$0x1FD00]  }
0x28e: {  	v31 =	vld [tilespmem:$0x1FA90]  }
0x28f: {  	v28 =	vmul.f32 v28, v6;
	v29 =	vadd.f32 v29, v13;
	v13 =	vld [tilespmem:$0x1FD70]  }
0x290: {  	v4 =	vmul.f32 v4, v2;
	v23 =	vld.idx.msk [tilespmem:v23+s15+$0x0], $0xffff  }
0x291: {  	v7 =	vmul.f32 v7, v2;
	v17 =	vld.idx.msk [tilespmem:v17+s15+$0x0], $0xffff;
	v28 =	vadd.f32 v28, v29  }
0x292: {  	v4 =	vadd.f32 v4, v24;
	v24 =	vld.idx.msk [tilespmem:v39+s15+$0x0], $0xffff  }
0x293: {  	v7 =	vadd.f32 v7, v28;
	v28 =	vld [tilespmem:$0x1FDA0]  }
0x294: {  	v13 =	vadd.f32 v30, v13;
	v30 =	vld [tilespmem:$0x1FCF0]  }
0x295: {  	v26 =	vld.idx.msk [tilespmem:v26+s15+$0x0], $0xffff  }
0x296: {  	v16 =	vmul.f32 v16, v6;
	v29 =	vld [tilespmem:$0x1FC20]  }
0x297: {  	v27 =	vmul.f32 v27, v6;
	v7 =	vadd.f32 v32, v7;
	v32 =	vadd.f32 v54, v45;
	v54 =	vld [tilespmem:$0x1F960]  }
0x298: {  	v13 =	vadd.f32 v16, v13;
	v16 =	vmul.f32 v25, v2;
	v25 =	vld [tilespmem:$0x1FC40]  }
0x299: {  	v21 =	vmul.f32 v21, v6;
	v27 =	vadd.f32 v27, v32;
	v32 =	vld.idx.msk [tilespmem:v52+s15+$0x0], $0xffff;
	v28 =	vadd.f32 v31, v28  }
0x29a: {  	v13 =	vadd.f32 v16, v13;
	v16 =	vld [tilespmem:$0x1FC60]  }
0x29b: {  	v14 =	vmul.f32 v14, v2;
	v21 =	vadd.f32 v21, v28;
	v28 =	vld [tilespmem:$0x1FC70]  }
0x29c: {  	v30 =	vld.idx.msk [tilespmem:v30+s15+$0x0], $0xffff  }
0x29d: {  	v14 =	vadd.f32 v14, v21;
	v21 =	vld [tilespmem:$0x1F970]  }
0x29e: {  	v29 =	vld.idx.msk [tilespmem:v29+s15+$0x0], $0xffff  }
0x29f: {  	v31 =	vld.idx.msk [tilespmem:v40+s15+$0x0], $0xffff  }
0x2a0: {  	v4 =	vadd.f32 v33, v4;
	v25 =	vld.idx.msk [tilespmem:v25+s15+$0x0], $0xffff  }
0x2a1: {  	v33 =	vadd.f32 v48, v47;
	v14 =	vadd.f32 v19, v14;
	v19 =	vld [tilespmem:$0x1FB30];
	v30 =	vmul.f32 v30, v6  }
0x2a2: {  	v8 =	vadd.f32 v56, v8;
	v16 =	vld.idx.msk [tilespmem:v16+s15+$0x0], $0xffff  }
0x2a3: {  	s16 =	sshll.u32 s1, $0x5;
	v1 =	vmul.f32 $1.000000010e-01, v1;
	v29 =	vmul.f32 v29, v2;
	v28 =	vld.idx.msk [tilespmem:v28+s15+$0x0], $0xffff;
	v30 =	vadd.f32 v30, v33  }
0x2a4: {  	s16 =	sand.u32 $0x3FFFFFE0, s16;
	v10 =	vadd.f32 v62, v10;
	v8 =	vmul.f32 $1.000000010e-01, v8;
	v0 =	vmul.f32 $1.000000010e-01, v0;
	v33 =	vld.idx.msk [tilespmem:v54+s15+$0x0], $0xffff  }
0x2a5: {  	v15 =	vadd.f32 v15, v27;
	v21 =	vld.idx.msk [tilespmem:v21+s15+$0x0], $0xffff;
	[tilespmem:s16+$0x13800] =	vst v1;
	v1 =	vmul.f32 $1.000000010e-01, v3;
	v27 =	vadd.f32 v29, v30  }
0x2a6: {  	v11 =	vadd.f32 v35, v11;
	v35 =	vadd.f32 v51, v50;
	[tilespmem:s16+$0x14200] =	vst v0;
	v0 =	vmul.f32 $1.000000010e-01, v9;
	v9 =	vld [tilespmem:$0x1FB60]  }
0x2a7: {  	v26 =	vmul.f32 v26, v6;
	[tilespmem:s16+$0x13C00] =	vst v1;
	v1 =	vmul.f32 $1.000000010e-01, v5;
	v5 =	vadd.f32 v18, v27;
	v18 =	vld [tilespmem:$0x1FDF0]  }
0x2a8: {  	v23 =	vmul.f32 v23, v2;
	[tilespmem:s16+$0x13A00] =	vst v8;
	v8 =	vmul.f32 $1.000000010e-01, v10  }
0x2a9: {  	v26 =	vadd.f32 v26, v35;
	v25 =	vmul.f32 v25, v2;
	v3 =	vmul.f32 v17, v6  }
0x2aa: {  	v10 =	vadd.f32 v20, v15;
	v15 =	vmul.f32 v24, v6;
	v16 =	vmul.f32 v16, v2;
	[tilespmem:s16+$0x13E00] =	vst v8;
	v8 =	vld [tilespmem:$0x1FB10]  }
0x2ab: {  	v13 =	vadd.f32 v34, v13;
	[tilespmem:s16+$0x14000] =	vst v1;
	v1 =	vmul.f32 $1.000000010e-01, v12;
	v12 =	vmul.f32 v31, v6  }
0x2ac: {  	v6 =	vmul.f32 v49, v6;
	v9 =	vadd.f32 v9, v41;
	v18 =	vadd.f32 v19, v18;
	v19 =	vld [tilespmem:$0x1FE00]  }
0x2ad: {  	v25 =	vadd.f32 v25, v26;
	[tilespmem:s16+$0x14600] =	vst v0;
	v0 =	vmul.f32 $1.000000010e-01, v7;
	v7 =	vmul.f32 v28, v2  }
0x2ae: {  	v2 =	vmul.f32 v32, v2;
	[tilespmem:s16+$0x14400] =	vst v1;
	v1 =	vmul.f32 $1.000000010e-01, v4;
	v6 =	vadd.f32 v6, v9  }
0x2af: {  	v17 =	vadd.f32 v22, v25;
	[tilespmem:s16+$0x14A00] =	vst v0;
	v0 =	vmul.f32 $1.000000010e-01, v11;
	v8 =	vadd.f32 v8, v42  }
0x2b0: {  	[tilespmem:s16+$0x14800] =	vst v1;
	v1 =	vmul.f32 $1.000000010e-01, v13;
	v2 =	vadd.f32 v2, v6;
	v6 =	vld [tilespmem:$0x1FC90];
	v4 =	vadd.f32 v15, v18  }
0x2b1: {  	[tilespmem:s16+$0x14E00] =	vst v0;
	v0 =	vmul.f32 $1.000000010e-01, v10;
	v3 =	vadd.f32 v3, v8;
	v19 =	vadd.f32 v46, v19  }
0x2b2: {  	v55 =	vmul.f32 $1.000000010e-01, v36;
	[tilespmem:s16+$0x14C00] =	vst v1;
	v1 =	vmul.f32 $1.000000010e-01, v14;
	v4 =	vadd.f32 v16, v4  }
0x2b3: {  	[tilespmem:s16+$0x15200] =	vst v0;
	v0 =	vmul.f32 $1.000000010e-01, v17;
	v3 =	vadd.f32 v23, v3;
	v8 =	vadd.f32 v12, v19  }
0x2b4: {  	[tilespmem:s16+$0x15000] =	vst v1;
	v1 =	vmul.f32 $1.000000010e-01, v5;
	v5 =	vmul.f32 v21, v53;
	v4 =	vadd.f32 v44, v4  }
0x2b5: {  	[tilespmem:s16+$0x13600] =	vst v55;
	v9 =	vmul.f32 v33, v53;
	v3 =	vadd.f32 v6, v3;
	v7 =	vadd.f32 v7, v8  }
0x2b6: {  	[tilespmem:s16+$0x15600] =	vst v0;
	v2 =	vadd.f32 v5, v2;
	v0 =	vmul.f32 $1.000000010e-01, v4  }
0x2b7: {  	p0 =	seq.s32 s1, $0xF;
	[tilespmem:s16+$0x15400] =	vst v1;
	v1 =	vmul.f32 $1.000000010e-01, v3;
	v6 =	vadd.f32 v9, v7  }
0x2b8: {  	s13 =	sadd.s32 @!p0 $0x2, s13;
	[tilespmem:s16+$0x15A00] =	vst v0;
	v0 =	vmul.f32 $1.000000010e-01, v2  }
0x2b9: {  	s17 =	smul.u32 @!p0 $0x280, s13;
	[tilespmem:s16+$0x15800] =	vst v1;
	v1 =	vmul.f32 $1.000000010e-01, v6  }
0x2ba: {  	s18 =	simm.s32 @!p0 $0x3E00;
	[tilespmem:s16+$0x15E00] =	vst v0  }
0x2bb: {  	s13 =	smul.u32 @!p0 $0x540, s13;
	[tilespmem:s16+$0x15C00] =	vst v1;
	s16 =	sshra.s32 @!p0 s17, $0x2;
	s17 =	simm.s32 @!p0 $0x50  }
0x2bc: {  	[tilespmem:s18], [sflag:$0x1] =	stream.indirect.gather @!p0 [hbm4b:s3+s17], $0x40, s16, s17, $0xb8;
	[tilespmem:$0x16000] =	vst v63  }
0x2bd: {  	s13 =	sshra.s32 @!p0 s13, $0x2;
	s16 =	sadd.s32 @!p0 $0x50, s16;
	s18 =	simm.s32 @!p0 $0x5200  }
0x2be: {  	[tilespmem:s18], [sflag:$0x1] =	stream.indirect.gather @!p0 [hbm4b:s3+s17], $0x40, s16, s17, $0xb8;
	[tilespmem:$0x16000] =	vst v63  }
0x2bf: {  	s16 =	sadd.s32 @!p0 $0x1400, s13;
	s17 =	simm.s32 @!p0 $0x70;
	s18 =	simm.s32 @!p0 $0x8E00  }
0x2c0: {  	[tilespmem:s18], [sflag:$0x1] =	stream.indirect.gather @!p0 [hbm4b:s4+s17], $0x40, s16, s17, $0xb8;
	[tilespmem:$0x16000] =	vst v63  }
0x2c1: {  	s16 =	sadd.s32 @!p0 $0x1470, s13;
	s18 =	simm.s32 @!p0 $0xAA00  }
0x2c2: {  	[tilespmem:s18], [sflag:$0x1] =	stream.indirect.gather @!p0 [hbm4b:s4+s17], $0x40, s16, s17, $0xb8;
	[tilespmem:$0x16000] =	vst v63  }
0x2c3: {  	s13 =	sadd.s32 @!p0 $0x14E0, s13;
	s16 =	simm.s32 @!p0 $0xC600  }
0x2c4: {  	[tilespmem:s16], [sflag:$0x1] =	stream.indirect.gather @!p0 [hbm4b:s4+s17], $0x40, s13, s17, $0xb8;
	[tilespmem:$0x16000] =	vst v63  }
0x2c5: {  	_ =	swait.ge [sflag:s26], $0x1400  }
0x2c6: {  	[sflag:s26] =	ssyncset.done $0x0  }
0x2c7: {  	[sflag:s26] =	ssyncadd.s32 $0xFFFFEC00  }
0x2c8: {  	_ =	swait.ge [sflag:s26], $0x1400  }
0x2c9: {  	[sflag:s26] =	ssyncset.done $0x0  }
0x2ca: {  	[sflag:s26] =	ssyncadd.s32 $0xFFFFEC00  }
0x2cb: {  	_ =	swait.ge [sflag:s26], $0x1C00  }
0x2cc: {  	[sflag:s26] =	ssyncset.done $0x0  }
0x2cd: {  	[sflag:s26] =	ssyncadd.s32 $0xFFFFE400  }
0x2ce: {  	_ =	swait.ge [sflag:s26], $0x1C00  }
0x2cf: {  	v14 =	vld [tilespmem:$0x1FE10];
	_ =	sdelay $0x1  }
0x2d0: {  	v45 =	vlaneseq.u32;
	s18 =	simm.s32 $0x0  }
0x2d1: {  	v0 =	vadd.s32 s18, v45  }
0x2d2: {  	v0 =	vand.u32 $0x3F, v0  }
0x2d3: {  	[sflag:s26] =	ssyncset.done $0x0;
	v1 =	vor.u32 v14, v0  }
0x2d4: {  	v18 =	vld [tilespmem:$0x1FE20];
	[sflag:s26] =	ssyncadd.s32 $0xFFFFE400  }
0x2d5: {  	_ =	swait.ge [sflag:s26], $0x1C00  }
0x2d6: {  	[sflag:s26] =	ssyncset.done $0x0  }
0x2d7: {  	[sflag:s26] =	ssyncadd.s32 $0xFFFFE400  }
0x2d8: {  	v1 =	vld.idx.msk [tilespmem:v1+s22+$0x0], $0xffff  }
0x2d9: {  	v2 =	vor.u32 v18, v0  }
0x2da: {  	v32 =	vld [tilespmem:$0x1FE40];
	_ =	sdelay $0x2  }
0x2db: {  	[tilespmem:$0x1F150] =	vst v1  }
0x2dc: {  	v2 =	vld.idx.msk [tilespmem:v2+s22+$0x0], $0xffff  }
0x2dd: {  	v28 =	vld [tilespmem:$0x1FE30];
	v4 =	vor.u32 v32, v0  }
0x2de: {  	v61 =	vld [tilespmem:$0x1FE50];
	_ =	sdelay $0x2  }
0x2df: {  	[tilespmem:$0x1F160] =	vst v2  }
0x2e0: {  	v3 =	vor.u32 v28, v0;
	v2 =	vld.idx.msk [tilespmem:v4+s22+$0x0], $0xffff  }
0x2e1: {  	v5 =	vor.u32 v61, v0  }
0x2e2: {  	v46 =	vld [tilespmem:$0x1FE60];
	_ =	sdelay $0x2  }
0x2e3: {  	v27 =	vld.idx.msk [tilespmem:v3+s22+$0x0], $0xffff;
	[tilespmem:$0x1F170] =	vst v2  }
0x2e4: {  	v2 =	vld.idx.msk [tilespmem:v5+s22+$0x0], $0xffff  }
0x2e5: {  	v1 =	vor.u32 v46, v0  }
0x2e6: {  	v49 =	vld [tilespmem:$0x1FE70];
	_ =	sdelay $0x2  }
0x2e7: {  	[tilespmem:$0x1F180] =	vst v2  }
0x2e8: {  	v1 =	vld.idx.msk [tilespmem:v1+s22+$0x0], $0xffff  }
0x2e9: {  	v6 =	vor.u32 v49, v0  }
0x2ea: {  	v54 =	vld [tilespmem:$0x1FE80];
	_ =	sdelay $0x2  }
0x2eb: {  	[tilespmem:$0x1F190] =	vst v1  }
0x2ec: {  	v2 =	vld.idx.msk [tilespmem:v6+s22+$0x0], $0xffff  }
0x2ed: {  	v7 =	vor.u32 v54, v0  }
0x2ee: {  	v19 =	vld [tilespmem:$0x1FEA0];
	_ =	sdelay $0x2  }
0x2ef: {  	[tilespmem:$0x1F1A0] =	vst v2  }
0x2f0: {  	v2 =	vld.idx.msk [tilespmem:v7+s22+$0x0], $0xffff  }
0x2f1: {  	v8 =	vor.u32 v19, v0  }
0x2f2: {  	v55 =	vld [tilespmem:$0x1FE90];
	_ =	sdelay $0x2  }
0x2f3: {  	[tilespmem:$0x1F1B0] =	vst v2  }
0x2f4: {  	v2 =	vld.idx.msk [tilespmem:v8+s22+$0x0], $0xffff  }
0x2f5: {  	v9 =	vor.u32 v55, v0  }
0x2f6: {  	v60 =	vld [tilespmem:$0x1FEB0];
	_ =	sdelay $0x2  }
0x2f7: {  	[tilespmem:$0x1F1C0] =	vst v2  }
0x2f8: {  	v2 =	vld.idx.msk [tilespmem:v9+s22+$0x0], $0xffff  }
0x2f9: {  	v1 =	vor.u32 v60, v0  }
0x2fa: {  	v52 =	vld [tilespmem:$0x1FEC0];
	_ =	sdelay $0x2  }
0x2fb: {  	[tilespmem:$0x1F1E0] =	vst v2  }
0x2fc: {  	v1 =	vld.idx.msk [tilespmem:v1+s22+$0x0], $0xffff  }
0x2fd: {  	v6 =	vor.u32 v52, v0  }
0x2fe: {  	v23 =	vld [tilespmem:$0x1FF00];
	_ =	sdelay $0x2  }
0x2ff: {  	[tilespmem:$0x1F1F0] =	vst v1  }
0x300: {  	v2 =	vld.idx.msk [tilespmem:v6+s22+$0x0], $0xffff  }
0x301: {  	v7 =	vor.u32 v23, v0  }
0x302: {  	v5 =	vld [tilespmem:$0x1FEF0];
	_ =	sdelay $0x2  }
0x303: {  	[tilespmem:$0x1F200] =	vst v2  }
0x304: {  	v2 =	vld.idx.msk [tilespmem:v7+s22+$0x0], $0xffff  }
0x305: {  	v8 =	vor.u32 v5, v0  }
0x306: {  	v57 =	vld [tilespmem:$0x1FF30];
	_ =	sdelay $0x2  }
0x307: {  	[tilespmem:$0x1F210] =	vst v2  }
0x308: {  	v2 =	vld.idx.msk [tilespmem:v8+s22+$0x0], $0xffff  }
0x309: {  	v9 =	vor.u32 v57, v0  }
0x30a: {  	v20 =	vld [tilespmem:$0x1FF50];
	_ =	sdelay $0x2  }
0x30b: {  	[tilespmem:$0x1F230] =	vst v2  }
0x30c: {  	v2 =	vld.idx.msk [tilespmem:v9+s22+$0x0], $0xffff  }
0x30d: {  	v1 =	vor.u32 v20, v0  }
0x30e: {  	v62 =	vld [tilespmem:$0x1FEE0];
	_ =	sdelay $0x2  }
0x30f: {  	[tilespmem:$0x1F250] =	vst v2  }
0x310: {  	v1 =	vld.idx.msk [tilespmem:v1+s22+$0x0], $0xffff  }
0x311: {  	v6 =	vor.u32 v62, v0  }
0x312: {  	v10 =	vld [tilespmem:$0x1FED0];
	_ =	sdelay $0x2  }
0x313: {  	[tilespmem:$0x1F270] =	vst v1  }
0x314: {  	v2 =	vld.idx.msk [tilespmem:v6+s22+$0x0], $0xffff  }
0x315: {  	v11 =	vor.u32 v10, v0  }
0x316: {  	v12 =	vld [tilespmem:$0x1FF90];
	_ =	sdelay $0x2  }
0x317: {  	[tilespmem:$0x1F290] =	vst v2  }
0x318: {  	v2 =	vld.idx.msk [tilespmem:v11+s22+$0x0], $0xffff  }
0x319: {  	v8 =	vor.u32 v12, v0  }
0x31a: {  	v13 =	vld [tilespmem:$0x1FF80];
	_ =	sdelay $0x2  }
0x31b: {  	[tilespmem:$0x1F2C0] =	vst v2  }
0x31c: {  	v2 =	vld.idx.msk [tilespmem:v8+s22+$0x0], $0xffff  }
0x31d: {  	v21 =	vor.u32 v13, v0  }
0x31e: {  	v59 =	vld [tilespmem:$0x1FF70];
	_ =	sdelay $0x2  }
0x31f: {  	[tilespmem:$0x1F2E0] =	vst v2  }
0x320: {  	v7 =	vld.idx.msk [tilespmem:v21+s22+$0x0], $0xffff  }
0x321: {  	v1 =	vor.u32 v59, v0  }
0x322: {  	v2 =	vld [tilespmem:$0x1FF40];
	_ =	sdelay $0x1  }
0x323: {  	v48 =	vld [tilespmem:$0x1FF10]  }
0x324: {  	v4 =	vld [tilespmem:$0x1FF20];
	[tilespmem:$0x1F300] =	vst v7  }
0x325: {  	v1 =	vld.idx.msk [tilespmem:v1+s22+$0x0], $0xffff  }
0x326: {  	v3 =	vld [tilespmem:$0x1FF60];
	v8 =	vor.u32 v2, v0  }
0x327: {  	v63 =	vld [tilespmem:$0x1FFF0]  }
0x328: {  	v58 =	vld [tilespmem:$0x1FFE0]  }
0x329: {  	v15 =	vld [tilespmem:$0x1FFC0];
	v24 =	vor.u32 v48, v0  }
0x32a: {  	s16 =	simm.s32 $0x3;
	v6 =	vor.u32 v4, v0;
	v7 =	vld [tilespmem:$0x1FFA0];
	[tilespmem:$0x1F320] =	vst v1  }
0x32b: {  	v11 =	vor.u32 v3, v0;
	v34 =	vld.idx.msk [tilespmem:v8+s20+$0x0], $0xffff;
	v8 =	vadd.s32 s16, v45  }
0x32c: {  	v17 =	vld [tilespmem:$0x1FFD0];
	v25 =	vor.u32 v63, v0;
	v35 =	vand.u32 $0x3F, v8  }
0x32d: {  	v9 =	vld [tilespmem:$0x1FFB0];
	v8 =	vor.u32 v14, v35  }
0x32e: {  	v26 =	vor.u32 v15, v0;
	v29 =	vld.idx.msk [tilespmem:v24+s20+$0x0], $0xffff  }
0x32f: {  	v30 =	vor.u32 v7, v0;
	v6 =	vld.idx.msk [tilespmem:v6+s20+$0x0], $0xffff  }
0x330: {  	v1 =	vor.u32 v58, v0;
	v11 =	vld.idx.msk [tilespmem:v11+s20+$0x0], $0xffff  }
0x331: {  	v24 =	vor.u32 v17, v0;
	v33 =	vld.idx.msk [tilespmem:v25+s20+$0x0], $0xffff  }
0x332: {  	v0 =	vor.u32 v9, v0;
	v8 =	vld.idx.msk [tilespmem:v8+s22+$0x0], $0xffff  }
0x333: {  	v37 =	vld.idx.msk [tilespmem:v26+s20+$0x0], $0xffff;
	v25 =	vor.u32 v18, v35  }
0x334: {  	v30 =	vld.idx.msk [tilespmem:v30+s20+$0x0], $0xffff  }
0x335: {  	v1 =	vld.idx.msk [tilespmem:v1+s20+$0x0], $0xffff  }
0x336: {  	v36 =	vld.idx.msk [tilespmem:v24+s20+$0x0], $0xffff  }
0x337: {  	v38 =	vld.idx.msk [tilespmem:v0+s20+$0x0], $0xffff;
	[tilespmem:$0x1F370] =	vst v8  }
0x338: {  	v8 =	vld.idx.msk [tilespmem:v25+s22+$0x0], $0xffff  }
0x339: {  	v26 =	vor.u32 v28, v35;
	_ =	sdelay $0x3  }
0x33a: {  	[tilespmem:$0x1F380] =	vst v8  }
0x33b: {  	v8 =	vld.idx.msk [tilespmem:v26+s22+$0x0], $0xffff  }
0x33c: {  	v31 =	vor.u32 v32, v35;
	_ =	sdelay $0x3  }
0x33d: {  	[tilespmem:$0x1F3B0] =	vst v8  }
0x33e: {  	v8 =	vld.idx.msk [tilespmem:v31+s22+$0x0], $0xffff  }
0x33f: {  	v0 =	vor.u32 v61, v35;
	_ =	sdelay $0x3  }
0x340: {  	[tilespmem:$0x1F3C0] =	vst v8  }
0x341: {  	v0 =	vld.idx.msk [tilespmem:v0+s22+$0x0], $0xffff  }
0x342: {  	s17 =	simm.s32 $0x2;
	v56 =	vor.u32 v58, v35  }
0x343: {  	v40 =	vor.u32 v17, v35;
	v25 =	vadd.s32 s17, v45  }
0x344: {  	v50 =	vor.u32 v15, v35;
	v30 =	vadd.f32 v38, v30;
	v25 =	vand.u32 $0x3F, v25  }
0x345: {  	v51 =	vor.u32 v15, v25  }
0x346: {  	v53 =	vor.u32 v7, v35;
	v30 =	vadd.f32 v37, v30;
	[tilespmem:$0x1F3E0] =	vst v0  }
0x347: {  	v44 =	vor.u32 v9, v35;
	v39 =	vld.idx.msk [tilespmem:v56+s20+$0x0], $0xffff  }
0x348: {  	s18 =	simm.s32 $0x1;
	v30 =	vadd.f32 v36, v30;
	v38 =	vor.u32 v9, v25;
	v40 =	vld.idx.msk [tilespmem:v40+s20+$0x0], $0xffff  }
0x349: {  	v0 =	vadd.s32 s18, v45;
	v41 =	vld.idx.msk [tilespmem:v50+s20+$0x0], $0xffff  }
0x34a: {  	v1 =	vadd.f32 v1, v30;
	v56 =	vor.u32 v7, v25;
	v0 =	vand.u32 $0x3F, v0;
	v42 =	vld.idx.msk [tilespmem:v51+s20+$0x0], $0xffff  }
0x34b: {  	v16 =	vor.u32 v49, v35;
	v43 =	vld.idx.msk [tilespmem:v53+s20+$0x0], $0xffff;
	v47 =	vor.u32 v7, v0  }
0x34c: {  	v21 =	vor.u32 v55, v35;
	v1 =	vadd.f32 v33, v1;
	v44 =	vld.idx.msk [tilespmem:v44+s20+$0x0], $0xffff;
	v37 =	vor.u32 v9, v0  }
0x34d: {  	v26 =	vmov v23;
	v31 =	vor.u32 v5, v35;
	v51 =	vor.u32 v17, v25;
	v38 =	vld.idx.msk [tilespmem:v38+s20+$0x0], $0xffff  }
0x34e: {  	v36 =	vor.u32 v15, v0;
	v7 =	vor.u32 v23, v35;
	v23 =	vmovc v5;
	v5 =	vor.u32 v57, v35  }
0x34f: {  	v24 =	vmov v52;
	v45 =	vld.idx.msk [tilespmem:v56+s20+$0x0], $0xffff;
	v56 =	vor.u32 v52, v35;
	v52 =	vor.u32 v58, v25;
	[tilespmem:$0x1F360] =	vst v7  }
0x350: {  	v53 =	vor.u32 v63, v35;
	v30 =	vld.idx.msk [tilespmem:v47+s20+$0x0], $0xffff;
	[tilespmem:$0x1F3A0] =	vst v5;
	v5 =	vor.u32 v20, v35  }
0x351: {  	v58 =	vor.u32 v58, v0;
	v37 =	vld.idx.msk [tilespmem:v37+s20+$0x0], $0xffff;
	[tilespmem:$0x1F3D0] =	vst v5;
	v5 =	vor.u32 v62, v35  }
0x352: {  	v43 =	vadd.f32 v44, v43;
	v47 =	vor.u32 v17, v0;
	v51 =	vld.idx.msk [tilespmem:v51+s20+$0x0], $0xffff;
	[tilespmem:$0x1F400] =	vst v5  }
0x353: {  	v22 =	vor.u32 v60, v35;
	v1 =	vadd.f32 v34, v1;
	v62 =	vor.u32 v2, v35;
	v36 =	vld.idx.msk [tilespmem:v36+s20+$0x0], $0xffff  }
0x354: {  	v33 =	vor.u32 v12, v35;
	v41 =	vadd.f32 v41, v43;
	v34 =	vld.idx.msk [tilespmem:v52+s20+$0x0], $0xffff;
	v52 =	vor.u32 v63, v25  }
0x355: {  	v1 =	vadd.f32 v11, v1;
	v53 =	vld.idx.msk [tilespmem:v53+s20+$0x0], $0xffff;
	v38 =	vadd.f32 v38, v45;
	v45 =	vor.u32 v3, v35  }
0x356: {  	v11 =	vor.u32 v63, v0;
	v7 =	vor.u32 v13, v35;
	v40 =	vadd.f32 v40, v41;
	v58 =	vld.idx.msk [tilespmem:v58+s20+$0x0], $0xffff  }
0x357: {  	v47 =	vld.idx.msk [tilespmem:v47+s20+$0x0], $0xffff;
	[tilespmem:$0x1F120] =	vst v7;
	v30 =	vadd.f32 v37, v30;
	v37 =	vor.u32 v4, v35  }
0x358: {  	v1 =	vadd.f32 v6, v1;
	v8 =	vor.u32 v46, v35;
	v38 =	vadd.f32 v42, v38;
	v42 =	vld.idx.msk [tilespmem:v62+s20+$0x0], $0xffff  }
0x359: {  	v50 =	vor.u32 v19, v35;
	v15 =	vor.u32 v59, v35;
	v6 =	vadd.f32 v39, v40;
	v52 =	vld.idx.msk [tilespmem:v52+s20+$0x0], $0xffff  }
0x35a: {  	v9 =	vor.u32 v54, v35;
	v41 =	vor.u32 v2, v0;
	v39 =	vld.idx.msk [tilespmem:v45+s20+$0x0], $0xffff;
	[tilespmem:$0x1F130] =	vst v15  }
0x35b: {  	v44 =	vor.u32 v10, v35;
	v62 =	vor.u32 v48, v35;
	v6 =	vadd.f32 v53, v6;
	v53 =	vld.idx.msk [tilespmem:v11+s20+$0x0], $0xffff  }
0x35c: {  	v35 =	vor.u32 v2, v25;
	v2 =	vor.u32 v32, v25;
	v30 =	vadd.f32 v36, v30;
	v37 =	vld.idx.msk [tilespmem:v37+s20+$0x0], $0xffff  }
0x35d: {  	[tilespmem:$0x1F510] =	vst v2;
	v2 =	vld [tilespmem:$0x1F170]  }
0x35e: {  	v30 =	vadd.f32 v47, v30;
	v47 =	vadd.f32 v29, v1;
	v1 =	vor.u32 v61, v25  }
0x35f: {  	v41 =	vld.idx.msk [tilespmem:v41+s20+$0x0], $0xffff;
	[tilespmem:$0x1F530] =	vst v1  }
0x360: {  	v29 =	vadd.f32 v58, v30;
	v30 =	vld.idx.msk [tilespmem:v62+s20+$0x0], $0xffff  }
0x361: {  	v1 =	vor.u32 v46, v25;
	v58 =	vor.u32 v48, v25;
	v63 =	vld.idx.msk [tilespmem:v8+s22+$0x0], $0xffff  }
0x362: {  	[tilespmem:$0x1F560] =	vst v1;
	v1 =	vor.u32 v49, v25;
	v62 =	vor.u32 v48, v0;
	v48 =	vmul.f32 v2, v47;
	v2 =	vld [tilespmem:$0x1F180]  }
0x363: {  	v38 =	vadd.f32 v51, v38;
	[tilespmem:$0x1F5A0] =	vst v1  }
0x364: {  	v35 =	vld.idx.msk [tilespmem:v35+s20+$0x0], $0xffff  }
0x365: {  	v34 =	vadd.f32 v34, v38;
	v1 =	vor.u32 v54, v25;
	v51 =	vld.idx.msk [tilespmem:v16+s22+$0x0], $0xffff  }
0x366: {  	v42 =	vadd.f32 v42, v6;
	[tilespmem:$0x1F140] =	vst v1;
	v1 =	vld [tilespmem:$0x1F150]  }
0x367: {  	v34 =	vadd.f32 v52, v34;
	v52 =	vmul.f32 v2, v47;
	v2 =	vld [tilespmem:$0x1F190]  }
0x368: {  	v39 =	vadd.f32 v39, v42;
	_ =	sdelay $0x1  }
0x369: {  	v37 =	vadd.f32 v37, v39  }
0x36a: {  	v45 =	vor.u32 v3, v0;
	v10 =	vmul.f32 v1, v47;
	v1 =	vld [tilespmem:$0x1F160]  }
0x36b: {  	v29 =	vadd.f32 v53, v29;
	v53 =	vadd.f32 v30, v37;
	v37 =	vmul.f32 v2, v47;
	v2 =	vld [tilespmem:$0x1F1A0];
	_ =	sdelay $0x3  }
0x36c: {  	v38 =	vor.u32 v4, v0;
	v45 =	vld.idx.msk [tilespmem:v45+s20+$0x0], $0xffff;
	v1 =	vmul.f32 v1, v47  }
0x36d: {  	v15 =	vmul.f32 v2, v47;
	v2 =	vld [tilespmem:$0x1F1B0]  }
0x36e: {  	v29 =	vadd.f32 v41, v29;
	v41 =	vld.idx.msk [tilespmem:v9+s22+$0x0], $0xffff;
	[tilespmem:$0x1F4F0] =	vst v1;
	v1 =	vmul.f32 v27, v47;
	_ =	sdelay $0x1  }
0x36f: {  	v42 =	vor.u32 v3, v25;
	[tilespmem:$0x1F500] =	vst v1  }
0x370: {  	v13 =	vld.idx.msk [tilespmem:v38+s20+$0x0], $0xffff  }
0x371: {  	v38 =	vmul.f32 v2, v47;
	v2 =	vld [tilespmem:$0x1F1C0];
	_ =	sdelay $0x2  }
0x372: {  	v42 =	vld.idx.msk [tilespmem:v42+s20+$0x0], $0xffff  }
0x373: {  	v1 =	vld.idx.msk [tilespmem:v50+s22+$0x0], $0xffff  }
0x374: {  	v12 =	vadd.f32 v35, v34;
	v35 =	vld.idx.msk [tilespmem:v21+s22+$0x0], $0xffff;
	v17 =	vmul.f32 v2, v47;
	v2 =	vor.u32 v19, v25  }
0x375: {  	[tilespmem:$0x1F1D0] =	vst v2;
	v2 =	vld [tilespmem:$0x1F1E0];
	_ =	sdelay $0x4  }
0x376: {  	v27 =	vmul.f32 v2, v47;
	v2 =	vld [tilespmem:$0x1F1F0];
	_ =	sdelay $0x4  }
0x377: {  	v30 =	vmul.f32 v2, v47;
	v2 =	vld [tilespmem:$0x1F200];
	_ =	sdelay $0x3  }
0x378: {  	v11 =	vmov v49;
	v49 =	vor.u32 v4, v25  }
0x379: {  	v16 =	vmul.f32 v2, v47;
	v2 =	vld [tilespmem:$0x1F210];
	_ =	sdelay $0x3  }
0x37a: {  	v7 =	vor.u32 v14, v25;
	v34 =	vor.u32 v14, v0;
	v14 =	vld.idx.msk [tilespmem:v49+s20+$0x0], $0xffff  }
0x37b: {  	v5 =	vadd.f32 v45, v29;
	v45 =	vld.idx.msk [tilespmem:v62+s20+$0x0], $0xffff;
	v29 =	vmul.f32 v2, v47;
	v2 =	vor.u32 v55, v25  }
0x37c: {  	[tilespmem:$0x1F220] =	vst v2;
	v2 =	vld [tilespmem:$0x1F230];
	_ =	sdelay $0x4  }
0x37d: {  	v2 =	vmul.f32 v2, v47;
	_ =	sdelay $0x1  }
0x37e: {  	[tilespmem:$0x1F240] =	vst v2;
	v2 =	vld [tilespmem:$0x1F250];
	_ =	sdelay $0x4  }
0x37f: {  	v2 =	vmul.f32 v2, v47;
	_ =	sdelay $0x1  }
0x380: {  	[tilespmem:$0x1F260] =	vst v2;
	v2 =	vld [tilespmem:$0x1F270];
	_ =	sdelay $0x4  }
0x381: {  	v2 =	vmul.f32 v2, v47  }
0x382: {  	v62 =	vld.idx.msk [tilespmem:v58+s20+$0x0], $0xffff  }
0x383: {  	[tilespmem:$0x1F280] =	vst v2;
	v2 =	vld [tilespmem:$0x1F290];
	_ =	sdelay $0x4  }
0x384: {  	v2 =	vmul.f32 v2, v47;
	_ =	sdelay $0x1  }
0x385: {  	[tilespmem:$0x1F2A0] =	vst v2  }
0x386: {  	v21 =	vmov v19;
	v19 =	vld.idx.msk [tilespmem:v34+s22+$0x0], $0xffff  }
0x387: {  	v2 =	vor.u32 v60, v25;
	v22 =	vld.idx.msk [tilespmem:v22+s22+$0x0], $0xffff  }
0x388: {  	[tilespmem:$0x1F2B0] =	vst v2;
	v2 =	vld [tilespmem:$0x1F2C0];
	_ =	sdelay $0x4  }
0x389: {  	v2 =	vmul.f32 v2, v47;
	_ =	sdelay $0x1  }
0x38a: {  	[tilespmem:$0x1F2D0] =	vst v2;
	v2 =	vld [tilespmem:$0x1F2E0];
	_ =	sdelay $0x4  }
0x38b: {  	v2 =	vmul.f32 v2, v47;
	_ =	sdelay $0x1  }
0x38c: {  	[tilespmem:$0x1F2F0] =	vst v2;
	v2 =	vld [tilespmem:$0x1F300];
	_ =	sdelay $0x4  }
0x38d: {  	v2 =	vmul.f32 v2, v47;
	_ =	sdelay $0x1  }
0x38e: {  	[tilespmem:$0x1F310] =	vst v2;
	v2 =	vld [tilespmem:$0x1F320];
	_ =	sdelay $0x4  }
0x38f: {  	v47 =	vmul.f32 v2, v47;
	v2 =	vor.u32 v24, v25  }
0x390: {  	[tilespmem:$0x1F330] =	vst v2  }
0x391: {  	v3 =	vor.u32 v26, v25;
	v9 =	vld.idx.msk [tilespmem:v7+s22+$0x0], $0xffff  }
0x392: {  	v39 =	vld.idx.msk [tilespmem:v56+s22+$0x0], $0xffff;
	[tilespmem:$0x1F340] =	vst v3;
	v3 =	vor.u32 v23, v25  }
0x393: {  	[tilespmem:$0x1F350] =	vst v3;
	v3 =	vld [tilespmem:$0x1F360];
	_ =	sdelay $0x5  }
0x394: {  	v5 =	vadd.f32 v13, v5;
	_ =	sdelay $0x1  }
0x395: {  	v7 =	vadd.f32 v45, v5;
	v5 =	vld.idx.msk [tilespmem:v3+s22+$0x0], $0xffff  }
0x396: {  	v3 =	vld [tilespmem:$0x1F370];
	_ =	sdelay $0x2  }
0x397: {  	v42 =	vadd.f32 v42, v12  }
0x398: {  	v4 =	vld [tilespmem:$0x1F3D0]  }
0x399: {  	v2 =	vadd.f32 v14, v42;
	v14 =	vmul.f32 v3, v53;
	v3 =	vld [tilespmem:$0x1F380];
	_ =	sdelay $0x4  }
0x39a: {  	v6 =	vld.idx.msk [tilespmem:v31+s22+$0x0], $0xffff;
	v58 =	vmul.f32 v3, v53;
	v3 =	vor.u32 v57, v25  }
0x39b: {  	[tilespmem:$0x1F390] =	vst v3;
	v3 =	vld [tilespmem:$0x1F3A0];
	_ =	sdelay $0x1  }
0x39c: {  	v40 =	vmov v26;
	v26 =	vld.idx.msk [tilespmem:v4+s22+$0x0], $0xffff  }
0x39d: {  	v4 =	vld [tilespmem:$0x1F3E0];
	_ =	sdelay $0x3  }
0x39e: {  	v42 =	vmov v23  }
0x39f: {  	v2 =	vadd.f32 v62, v2;
	v62 =	vmul.f32 v4, v53;
	v4 =	vor.u32 v20, v25;
	v23 =	vld.idx.msk [tilespmem:v3+s22+$0x0], $0xffff  }
0x3a0: {  	[tilespmem:$0x1F3F0] =	vst v4;
	v4 =	vld [tilespmem:$0x1F400];
	_ =	sdelay $0x2  }
0x3a1: {  	v50 =	vmul.f32 v63, v53;
	v63 =	vld [tilespmem:$0x1FEE0];
	_ =	sdelay $0x1  }
0x3a2: {  	v12 =	vimm.f32 $0.0e+00  }
0x3a3: {  	v36 =	vor.u32 v18, v25;
	v10 =	vadd.f32 v10, v12;
	v19 =	vmul.f32 v19, v7;
	_ =	sdelay $0x1  }
0x3a4: {  	v10 =	vadd.f32 v19, v10;
	v9 =	vmul.f32 v9, v2;
	v19 =	vld.idx.msk [tilespmem:v4+s22+$0x0], $0xffff;
	v4 =	vor.u32 v63, v25  }
0x3a5: {  	v31 =	vld.idx.msk [tilespmem:v44+s22+$0x0], $0xffff;
	[tilespmem:$0x1F410] =	vst v4  }
0x3a6: {  	v49 =	vmul.f32 v1, v53;
	v1 =	vadd.f32 v9, v10;
	v9 =	vld.idx.msk [tilespmem:v33+s22+$0x0], $0xffff  }
0x3a7: {  	v34 =	vmul.f32 v35, v53;
	v10 =	vld.idx.msk [tilespmem:v36+s22+$0x0], $0xffff  }
0x3a8: {  	v43 =	vor.u32 v28, v25;
	v33 =	vmul.f32 v22, v53;
	v22 =	vmul.f32 v26, v53;
	v26 =	vld [tilespmem:$0x1FED0]  }
0x3a9: {  	v35 =	vmul.f32 v39, v53;
	v36 =	vmul.f32 v5, v53;
	v5 =	vor.u32 v28, v0;
	v28 =	vld [tilespmem:$0x1FF90]  }
0x3aa: {  	v39 =	vadd.f32 v14, v1;
	v1 =	vor.u32 v18, v0;
	v18 =	vmul.f32 v6, v53;
	v6 =	vld [tilespmem:$0x1FF80];
	_ =	sdelay $0x2  }
0x3ab: {  	v4 =	vor.u32 v26, v25  }
0x3ac: {  	[tilespmem:$0x1F420] =	vst v4;
	v4 =	vor.u32 v28, v25  }
0x3ad: {  	[tilespmem:$0x1F430] =	vst v4;
	v4 =	vor.u32 v6, v25  }
0x3ae: {  	[tilespmem:$0x1F440] =	vst v4;
	v4 =	vor.u32 v59, v25  }
0x3af: {  	v14 =	vor.u32 v32, v0;
	[tilespmem:$0x1F450] =	vst v4  }
0x3b0: {  	v8 =	vmov v57;
	v45 =	vmul.f32 v51, v53;
	v57 =	vld.idx.msk [tilespmem:v43+s22+$0x0], $0xffff  }
0x3b1: {  	v51 =	vmul.f32 v41, v53;
	v41 =	vmul.f32 v9, v53;
	v9 =	vld.idx.msk [tilespmem:v5+s22+$0x0], $0xffff;
	v5 =	vor.u32 v21, v0  }
0x3b2: {  	v13 =	vmov v24;
	v1 =	vld.idx.msk [tilespmem:v1+s22+$0x0], $0xffff;
	[tilespmem:$0x1F460] =	vst v5;
	v5 =	vor.u32 v55, v0  }
0x3b3: {  	v24 =	vmul.f32 v19, v53;
	v19 =	vor.u32 v46, v0;
	[tilespmem:$0x1F470] =	vst v5;
	v5 =	vor.u32 v13, v0  }
0x3b4: {  	v46 =	vor.u32 v54, v0;
	v54 =	vld.idx.msk [tilespmem:v14+s22+$0x0], $0xffff;
	[tilespmem:$0x1F480] =	vst v5;
	v5 =	vor.u32 v40, v0  }
0x3b5: {  	[tilespmem:$0x1F490] =	vst v5;
	v5 =	vor.u32 v42, v0  }
0x3b6: {  	[tilespmem:$0x1F4A0] =	vst v5;
	v5 =	vor.u32 v8, v0  }
0x3b7: {  	v61 =	vor.u32 v61, v0;
	v32 =	vor.u32 v11, v0;
	[tilespmem:$0x1F4B0] =	vst v5;
	v5 =	vor.u32 v20, v0  }
0x3b8: {  	v21 =	vor.u32 v28, v0;
	v43 =	vor.u32 v59, v0;
	[tilespmem:$0x1F4C0] =	vst v5;
	v5 =	vor.u32 v63, v0  }
0x3b9: {  	v55 =	vor.u32 v60, v0;
	v40 =	vor.u32 v6, v0;
	[tilespmem:$0x1F4D0] =	vst v5;
	v5 =	vor.u32 v26, v0;
	v0 =	vld [tilespmem:$0x1F4F0];
	_ =	sdelay $0x4  }
0x3ba: {  	v4 =	vmul.f32 v10, v2;
	v10 =	vadd.f32 v0, v12;
	v0 =	vld [tilespmem:$0x1F500];
	_ =	sdelay $0x4  }
0x3bb: {  	[tilespmem:$0x1F4E0] =	vst v5;
	v5 =	vmul.f32 v57, v2;
	v57 =	vmul.f32 v9, v7;
	v9 =	vadd.f32 v0, v12;
	v0 =	vld [tilespmem:$0x1F510];
	_ =	sdelay $0x6  }
0x3bc: {  	v61 =	vld.idx.msk [tilespmem:v61+s22+$0x0], $0xffff  }
0x3bd: {  	v8 =	vld.idx.msk [tilespmem:v0+s22+$0x0], $0xffff;
	v0 =	vimm.f32 $0.0e+00  }
0x3be: {  	[tilespmem:$0x1F520] =	vst v0;
	v0 =	vld [tilespmem:$0x1F530];
	_ =	sdelay $0x7  }
0x3bf: {  	v11 =	vld.idx.msk [tilespmem:v0+s22+$0x0], $0xffff;
	v0 =	vimm.f32 $0.0e+00  }
0x3c0: {  	[tilespmem:$0x1F540] =	vst v0;
	v0 =	vimm.f32 $0.0e+00  }
0x3c1: {  	[tilespmem:$0x1F550] =	vst v0;
	v0 =	vld [tilespmem:$0x1F560];
	_ =	sdelay $0x7  }
0x3c2: {  	v59 =	vmul.f32 v1, v7;
	v1 =	vld.idx.msk [tilespmem:v0+s22+$0x0], $0xffff;
	v0 =	vimm.f32 $0.0e+00  }
0x3c3: {  	v3 =	vld [tilespmem:$0x1F3B0];
	[tilespmem:$0x1F570] =	vst v0;
	v0 =	vimm.f32 $0.0e+00  }
0x3c4: {  	[tilespmem:$0x1F580] =	vst v0;
	v0 =	vimm.f32 $0.0e+00  }
0x3c5: {  	[tilespmem:$0x1F590] =	vst v0;
	v0 =	vld [tilespmem:$0x1F5A0];
	_ =	sdelay $0x2  }
0x3c6: {  	v56 =	vmul.f32 v3, v53;
	v3 =	vld [tilespmem:$0x1F3C0];
	_ =	sdelay $0x3  }
0x3c7: {  	v23 =	vmul.f32 v23, v53;
	v44 =	vmul.f32 v31, v53;
	v13 =	vimm.f32 $0.0e+00  }
0x3c8: {  	v31 =	vimm.f32 $0.0e+00;
	v3 =	vmul.f32 v3, v53;
	v0 =	vld.idx.msk [tilespmem:v0+s22+$0x0], $0xffff;
	[tilespmem:$0x1F5B0] =	vst v13;
	v13 =	vimm.f32 $0.0e+00  }
0x3c9: {  	v25 =	vimm.f32 $0.0e+00;
	v28 =	vimm.f32 $0.0e+00;
	[tilespmem:$0x1F5C0] =	vst v13;
	v13 =	vimm.f32 $0.0e+00  }
0x3ca: {  	v14 =	vimm.f32 $0.0e+00;
	v42 =	vimm.f32 $0.0e+00;
	[tilespmem:$0x1F5D0] =	vst v13;
	v13 =	vimm.f32 $0.0e+00  }
0x3cb: {  	s13 =	simm.s32 $0x4;
	v60 =	vmul.f32 v54, v7;
	v26 =	vimm.f32 $0.0e+00;
	v54 =	vimm.f32 $0.0e+00;
	v6 =	vld.idx.msk [tilespmem:v19+s22+$0x0], $0xffff;
	[tilespmem:$0x1F5E0] =	vst v13  }
.LBB2_5:
0x3cc: {  	_ = 	snop  }
0x3cd: {  	v13 =	vld [tilespmem:$0x1F470];
	v10 =	vadd.f32 v59, v10  }
0x3ce: {  	[tilespmem:$0x1EFE0] =	vst v39;
	v39 =	vld.idx.msk [tilespmem:v32+s22+$0x0], $0xffff;
	v9 =	vadd.f32 v57, v9  }
0x3cf: {  	v46 =	vld.idx.msk [tilespmem:v46+s22+$0x0], $0xffff;
	v4 =	vadd.f32 v4, v10;
	v48 =	vadd.f32 v48, v12  }
0x3d0: {  	v61 =	vmul.f32 v61, v7;
	v5 =	vadd.f32 v5, v9;
	v9 =	vld [tilespmem:$0x1F140];
	v52 =	vadd.f32 v52, v14  }
0x3d1: {  	v8 =	vmul.f32 v8, v2;
	v12 =	vld [tilespmem:$0x1F460];
	v4 =	vadd.f32 v58, v4;
	v48 =	vadd.f32 v60, v48  }
0x3d2: {  	v11 =	vmul.f32 v11, v2;
	v14 =	vld [tilespmem:$0x1F520];
	v52 =	vadd.f32 v61, v52  }
0x3d3: {  	[tilespmem:$0x1F0D0] =	vst v4;
	v4 =	vadd.f32 v56, v5;
	v5 =	vld [tilespmem:$0x1F2B0];
	v8 =	vadd.f32 v8, v48  }
0x3d4: {  	v10 =	vadd.f32 v11, v52;
	v11 =	vld [tilespmem:$0x1F1D0]  }
0x3d5: {  	v13 =	vld.idx.msk [tilespmem:v13+s22+$0x0], $0xffff;
	v3 =	vadd.f32 v3, v8  }
0x3d6: {  	v48 =	vld.idx.msk [tilespmem:v55+s22+$0x0], $0xffff  }
0x3d7: {  	[tilespmem:$0x1F0C0] =	vst v3;
	v3 =	vadd.f32 v62, v10;
	v10 =	vmul.f32 v46, v7;
	v46 =	vadd.f32 v17, v14;
	v14 =	vld [tilespmem:$0x1F490]  }
0x3d8: {  	v8 =	vadd.f32 v15, v25;
	v15 =	vld [tilespmem:$0x1F280]  }
0x3d9: {  	v9 =	vld.idx.msk [tilespmem:v9+s22+$0x0], $0xffff  }
0x3da: {  	[tilespmem:$0x1F0F0] =	vst v4;
	v4 =	vmul.f32 v39, v7;
	v61 =	vld.idx.msk [tilespmem:v12+s22+$0x0], $0xffff  }
0x3db: {  	v12 =	vld [tilespmem:$0x1F220]  }
0x3dc: {  	v0 =	vmul.f32 v0, v2;
	v4 =	vadd.f32 v4, v8;
	v17 =	vld.idx.msk [tilespmem:v21+s22+$0x0], $0xffff  }
0x3dd: {  	v11 =	vld.idx.msk [tilespmem:v11+s22+$0x0], $0xffff  }
0x3de: {  	v0 =	vadd.f32 v0, v4;
	v4 =	vld [tilespmem:$0x1F330]  }
0x3df: {  	v6 =	vmul.f32 v6, v7;
	[tilespmem:$0x1F080] =	vst v3;
	v3 =	vadd.f32 v37, v31;
	v31 =	vld.idx.msk [tilespmem:v14+s22+$0x0], $0xffff  }
0x3e0: {  	v63 =	vmovc v41;
	v41 =	vmov v47;
	v62 =	vadd.f32 v38, v26;
	v47 =	vmul.f32 v61, v7;
	v14 =	vld [tilespmem:$0x1F550]  }
0x3e1: {  	v1 =	vmul.f32 v1, v2;
	v3 =	vadd.f32 v6, v3;
	v6 =	vld [tilespmem:$0x1F480];
	v8 =	vmul.f32 v9, v2  }
0x3e2: {  	v5 =	vld.idx.msk [tilespmem:v5+s22+$0x0], $0xffff;
	v9 =	vadd.f32 v10, v62;
	v10 =	vadd.f32 v47, v46;
	v11 =	vmul.f32 v11, v2  }
0x3e3: {  	v1 =	vadd.f32 v1, v3;
	v12 =	vld.idx.msk [tilespmem:v12+s22+$0x0], $0xffff  }
0x3e4: {  	v8 =	vadd.f32 v8, v9;
	v9 =	vadd.f32 v11, v10;
	v10 =	vld [tilespmem:$0x1F340]  }
0x3e5: {  	v1 =	vadd.f32 v50, v1;
	v25 =	vadd.f32 v16, v14;
	v14 =	vld [tilespmem:$0x1F570]  }
0x3e6: {  	v8 =	vadd.f32 v51, v8;
	v4 =	vld.idx.msk [tilespmem:v4+s22+$0x0], $0xffff  }
0x3e7: {  	[tilespmem:$0x1F100] =	vst v1;
	v1 =	vld [tilespmem:$0x1F390]  }
0x3e8: {  	[tilespmem:$0x1F0A0] =	vst v8;
	v11 =	vmul.f32 v13, v7;
	v13 =	vld [tilespmem:$0x1F4A0];
	v8 =	vadd.f32 v49, v9  }
0x3e9: {  	v6 =	vld.idx.msk [tilespmem:v6+s22+$0x0], $0xffff  }
0x3ea: {  	[tilespmem:$0x1F520] =	vst v8;
	v8 =	vadd.f32 v27, v28;
	v27 =	vadd.f32 v29, v14;
	v14 =	vld [tilespmem:$0x1F4B0]  }
0x3eb: {  	v3 =	vmul.f32 v12, v2;
	v12 =	vld [tilespmem:$0x1F350]  }
0x3ec: {  	v9 =	vld [tilespmem:$0x1F540]  }
0x3ed: {  	v10 =	vld.idx.msk [tilespmem:v10+s22+$0x0], $0xffff  }
0x3ee: {  	v16 =	vld [tilespmem:$0x1F2A0];
	v6 =	vmul.f32 v6, v7  }
0x3ef: {  	v8 =	vadd.f32 v11, v8;
	v1 =	vld.idx.msk [tilespmem:v1+s22+$0x0], $0xffff  }
0x3f0: {  	v28 =	vmul.f32 v31, v7;
	v4 =	vmul.f32 v4, v2;
	v13 =	vld.idx.msk [tilespmem:v13+s22+$0x0], $0xffff;
	v6 =	vadd.f32 v6, v25  }
0x3f1: {  	v0 =	vadd.f32 v45, v0;
	v3 =	vadd.f32 v3, v8;
	v8 =	vld [tilespmem:$0x1F3F0]  }
0x3f2: {  	v11 =	vadd.f32 v28, v27;
	v4 =	vadd.f32 v4, v6;
	v10 =	vmul.f32 v10, v2;
	v20 =	vld.idx.msk [tilespmem:v14+s22+$0x0], $0xffff  }
0x3f3: {  	[tilespmem:$0x1F0E0] =	vst v0;
	v0 =	vmul.f32 v48, v7;
	v9 =	vadd.f32 v30, v9;
	v14 =	vld [tilespmem:$0x1F4D0]  }
0x3f4: {  	v12 =	vld.idx.msk [tilespmem:v12+s22+$0x0], $0xffff;
	v4 =	vadd.f32 v35, v4;
	v6 =	vadd.f32 v10, v11  }
0x3f5: {  	v0 =	vadd.f32 v0, v9;
	v9 =	vld [tilespmem:$0x1F4C0]  }
0x3f6: {  	[tilespmem:$0x1F550] =	vst v4;
	v10 =	vld [tilespmem:$0x1F410];
	v4 =	vadd.f32 v36, v6  }
0x3f7: {  	v5 =	vmul.f32 v5, v2;
	v6 =	vld [tilespmem:$0x1F240]  }
0x3f8: {  	[tilespmem:$0x1F570] =	vst v4;
	v4 =	vld [tilespmem:$0x1F580]  }
0x3f9: {  	v0 =	vadd.f32 v5, v0;
	v5 =	vmul.f32 v12, v2;
	v12 =	vld [tilespmem:$0x1F420]  }
0x3fa: {  	v11 =	vmul.f32 v13, v7;
	v13 =	vld [tilespmem:$0x1F260]  }
0x3fb: {  	v19 =	vld.idx.msk [tilespmem:v14+s22+$0x0], $0xffff  }
0x3fc: {  	v3 =	vadd.f32 v34, v3;
	v14 =	vld [tilespmem:$0x1F5B0]  }
0x3fd: {  	v4 =	vadd.f32 v6, v4;
	v6 =	vld [tilespmem:$0x1F590]  }
0x3fe: {  	[tilespmem:$0x1EDC0] =	vst v3;
	v3 =	vld [tilespmem:$0x1F430]  }
0x3ff: {  	v9 =	vld.idx.msk [tilespmem:v9+s22+$0x0], $0xffff  }
0x400: {  	v8 =	vld.idx.msk [tilespmem:v8+s22+$0x0], $0xffff  }
0x401: {  	v14 =	vadd.f32 v15, v14;
	v15 =	vld [tilespmem:$0x1F5C0]  }
0x402: {  	v6 =	vadd.f32 v13, v6;
	v13 =	vld [tilespmem:$0x1F4E0]  }
0x403: {  	v0 =	vadd.f32 v33, v0;
	v10 =	vld.idx.msk [tilespmem:v10+s22+$0x0], $0xffff  }
0x404: {  	v9 =	vmul.f32 v9, v7;
	v12 =	vld.idx.msk [tilespmem:v12+s22+$0x0], $0xffff  }
0x405: {  	[tilespmem:$0x1F540] =	vst v0;
	v0 =	vmul.f32 v20, v7;
	v8 =	vmul.f32 v8, v2;
	v4 =	vadd.f32 v11, v4  }
0x406: {  	v3 =	vld.idx.msk [tilespmem:v3+s22+$0x0], $0xffff;
	v9 =	vadd.f32 v9, v14;
	v15 =	vadd.f32 v16, v15;
	v16 =	vmul.f32 v19, v7  }
0x407: {  	v1 =	vmul.f32 v1, v2;
	v4 =	vadd.f32 v5, v4;
	v5 =	vld [tilespmem:$0x1F440];
	v0 =	vadd.f32 v0, v6  }
0x408: {  	v10 =	vmul.f32 v10, v2;
	v14 =	vld.idx.msk [tilespmem:v43+s22+$0x0], $0xffff;
	v8 =	vadd.f32 v8, v9;
	v11 =	vadd.f32 v16, v15  }
0x409: {  	v0 =	vadd.f32 v1, v0;
	v1 =	vmul.f32 v12, v2;
	v12 =	vld [tilespmem:$0x1F2D0]  }
0x40a: {  	v8 =	vadd.f32 v22, v8;
	v13 =	vld.idx.msk [tilespmem:v13+s22+$0x0], $0xffff;
	v9 =	vadd.f32 v10, v11  }
0x40b: {  	v0 =	vadd.f32 v23, v0;
	v10 =	vld [tilespmem:$0x1F450]  }
0x40c: {  	[tilespmem:$0x1F5B0] =	vst v8;
	v8 =	vadd.f32 v24, v9;
	v9 =	vld [tilespmem:$0x1F5D0]  }
0x40d: {  	[tilespmem:$0x1F590] =	vst v0;
	v0 =	vld [tilespmem:$0x1F120]  }
0x40e: {  	v6 =	vld.idx.msk [tilespmem:v40+s22+$0x0], $0xffff  }
0x40f: {  	[tilespmem:$0x1F5C0] =	vst v8;
	v8 =	vld [tilespmem:$0x1F130]  }
0x410: {  	v11 =	vmul.f32 v13, v7;
	v13 =	vld [tilespmem:$0x1F310]  }
0x411: {  	v9 =	vadd.f32 v12, v9;
	v12 =	vld [tilespmem:$0x1F2F0]  }
0x412: {  	v15 =	vld [tilespmem:$0x1F5E0]  }
0x413: {  	v4 =	vadd.f32 v18, v4;
	v5 =	vld.idx.msk [tilespmem:v5+s22+$0x0], $0xffff  }
0x414: {  	v10 =	vld.idx.msk [tilespmem:v10+s22+$0x0], $0xffff  }
0x415: {  	v3 =	vmul.f32 v3, v2;
	[tilespmem:$0x1F580] =	vst v4;
	v4 =	vmul.f32 v17, v7;
	v0 =	vld.idx.msk [tilespmem:v0+s22+$0x0], $0xffff  }
0x416: {  	v6 =	vmul.f32 v6, v7;
	v13 =	vadd.f32 v13, v42;
	v12 =	vadd.f32 v12, v54  }
0x417: {  	v15 =	vadd.f32 v41, v15;
	v7 =	vmul.f32 v14, v7;
	v9 =	vadd.f32 v11, v9;
	v8 =	vld.idx.msk [tilespmem:v8+s22+$0x0], $0xffff  }
0x418: {  	v5 =	vmul.f32 v5, v2;
	v6 =	vadd.f32 v6, v13;
	v4 =	vadd.f32 v4, v12  }
0x419: {  	v7 =	vadd.f32 v7, v15;
	v1 =	vadd.f32 v1, v9;
	v2 =	vmul.f32 v10, v2  }
0x41a: {  	v60 =	vmovc v44;
	v0 =	vmul.f32 v0, v53;
	v3 =	vadd.f32 v3, v4;
	v4 =	vadd.f32 v5, v6  }
0x41b: {  	v1 =	vadd.f32 v60, v1;
	v12 =	vld [tilespmem:$0x1FE10]  }
0x41c: {  	v2 =	vadd.f32 v2, v7;
	v5 =	vmul.f32 v8, v53;
	v0 =	vadd.f32 v0, v4  }
0x41d: {  	v9 =	vlaneseq.u32;
	[tilespmem:$0x1F5D0] =	vst v1;
	v1 =	vadd.f32 v63, v3  }
0x41e: {  	v6 =	vadd.s32 s13, v9;
	[tilespmem:$0x1EDE0] =	vst v0;
	v0 =	vadd.f32 v5, v2  }
0x41f: {  	[tilespmem:$0x1EDD0] =	vst v1;
	v1 =	vand.u32 $0x3F, v6  }
0x420: {  	v18 =	vld [tilespmem:$0x1FE60];
	[tilespmem:$0x1F5E0] =	vst v0;
	v0 =	vor.u32 v12, v1;
	_ =	sdelay $0x4  }
0x421: {  	v53 =	vld.idx.msk [tilespmem:v0+s22+$0x0], $0xffff;
	v0 =	vor.u32 v18, v1;
	_ =	sdelay $0x3  }
0x422: {  	v29 =	vld [tilespmem:$0x1FEB0]  }
0x423: {  	v0 =	vld.idx.msk [tilespmem:v0+s22+$0x0], $0xffff;
	_ =	sdelay $0x4  }
0x424: {  	[tilespmem:$0x1EE30] =	vst v0;
	v0 =	vor.u32 v29, v1;
	_ =	sdelay $0x1  }
0x425: {  	v16 =	vld [tilespmem:$0x1FE40];
	_ =	sdelay $0x1  }
0x426: {  	v36 =	vld [tilespmem:$0x1FF50]  }
0x427: {  	v0 =	vld.idx.msk [tilespmem:v0+s22+$0x0], $0xffff  }
0x428: {  	v57 =	vld [tilespmem:$0x1FE30]  }
0x429: {  	v55 =	vld [tilespmem:$0x1FE20];
	v4 =	vor.u32 v16, v1  }
0x42a: {  	v59 =	vld [tilespmem:$0x1FF80]  }
0x42b: {  	v27 =	vld [tilespmem:$0x1FEA0]  }
0x42c: {  	v20 =	vld [tilespmem:$0x1FE80];
	[tilespmem:$0x1EE80] =	vst v0;
	v0 =	vor.u32 v36, v1  }
0x42d: {  	v19 =	vld [tilespmem:$0x1FE50];
	v3 =	vor.u32 v57, v1  }
0x42e: {  	v2 =	vor.u32 v55, v1;
	v4 =	vld.idx.msk [tilespmem:v4+s22+$0x0], $0xffff  }
0x42f: {  	v22 =	vld [tilespmem:$0x1FE70]  }
0x430: {  	v63 =	vld [tilespmem:$0x1FF70]  }
0x431: {  	v0 =	vld.idx.msk [tilespmem:v0+s22+$0x0], $0xffff  }
0x432: {  	v5 =	vor.u32 v19, v1;
	v3 =	vld.idx.msk [tilespmem:v3+s22+$0x0], $0xffff  }
0x433: {  	v2 =	vld.idx.msk [tilespmem:v2+s22+$0x0], $0xffff;
	[tilespmem:$0x1EE10] =	vst v4;
	v4 =	vor.u32 v27, v1  }
0x434: {  	v47 =	vld [tilespmem:$0x1FF00]  }
0x435: {  	v30 =	vld [tilespmem:$0x1FEF0]  }
0x436: {  	v24 =	vld [tilespmem:$0x1FE90];
	[tilespmem:$0x1EED0] =	vst v0;
	v0 =	vor.u32 v63, v1  }
0x437: {  	v5 =	vld.idx.msk [tilespmem:v5+s22+$0x0], $0xffff;
	[tilespmem:$0x1EE00] =	vst v3;
	v3 =	vor.u32 v20, v1  }
0x438: {  	[tilespmem:$0x1EDF0] =	vst v2;
	v2 =	vor.u32 v22, v1;
	v4 =	vld.idx.msk [tilespmem:v4+s22+$0x0], $0xffff  }
0x439: {  	v17 =	vld [tilespmem:$0x1FFE0]  }
0x43a: {  	v14 =	vld [tilespmem:$0x1FEC0]  }
0x43b: {  	v0 =	vld.idx.msk [tilespmem:v0+s22+$0x0], $0xffff  }
0x43c: {  	[tilespmem:$0x1EE20] =	vst v5;
	v5 =	vor.u32 v24, v1;
	v3 =	vld.idx.msk [tilespmem:v3+s22+$0x0], $0xffff  }
0x43d: {  	v2 =	vld.idx.msk [tilespmem:v2+s22+$0x0], $0xffff;
	[tilespmem:$0x1EE60] =	vst v4;
	v4 =	vor.u32 v30, v1  }
0x43e: {  	v39 =	vld [tilespmem:$0x1FF60]  }
0x43f: {  	v40 =	vld [tilespmem:$0x1FF90]  }
0x440: {  	v23 =	vld [tilespmem:$0x1FF30];
	[tilespmem:$0x1EF20] =	vst v0;
	v0 =	vor.u32 v17, v1  }
0x441: {  	v5 =	vld.idx.msk [tilespmem:v5+s22+$0x0], $0xffff;
	[tilespmem:$0x1EE50] =	vst v3;
	v3 =	vor.u32 v47, v1  }
0x442: {  	s16 =	sadd.s32 $0x3, s13;
	[tilespmem:$0x1EE40] =	vst v2;
	v2 =	vor.u32 v14, v1;
	v4 =	vld.idx.msk [tilespmem:v4+s22+$0x0], $0xffff  }
0x443: {  	v35 =	vld [tilespmem:$0x1FEE0];
	v7 =	vadd.s32 s16, v9  }
0x444: {  	v33 =	vld [tilespmem:$0x1FED0];
	v60 =	vand.u32 $0x3F, v7  }
0x445: {  	v48 =	vld.idx.msk [tilespmem:v0+s20+$0x0], $0xffff;
	v0 =	vor.u32 v12, v60  }
0x446: {  	[tilespmem:$0x1EE70] =	vst v5;
	v5 =	vor.u32 v23, v1;
	v3 =	vld.idx.msk [tilespmem:v3+s22+$0x0], $0xffff  }
0x447: {  	v2 =	vld.idx.msk [tilespmem:v2+s22+$0x0], $0xffff;
	[tilespmem:$0x1EEB0] =	vst v4;
	v4 =	vor.u32 v40, v1  }
0x448: {  	v38 =	vld [tilespmem:$0x1FF40]  }
0x449: {  	v37 =	vld [tilespmem:$0x1FF20]  }
0x44a: {  	v0 =	vld.idx.msk [tilespmem:v0+s22+$0x0], $0xffff  }
0x44b: {  	v5 =	vld.idx.msk [tilespmem:v5+s22+$0x0], $0xffff;
	[tilespmem:$0x1EEA0] =	vst v3;
	v3 =	vor.u32 v33, v1  }
0x44c: {  	[tilespmem:$0x1EE90] =	vst v2;
	v2 =	vor.u32 v35, v1;
	v4 =	vld.idx.msk [tilespmem:v4+s22+$0x0], $0xffff  }
0x44d: {  	v28 =	vld [tilespmem:$0x1FF10]  }
0x44e: {  	v34 =	vld [tilespmem:$0x1FFF0]  }
0x44f: {  	v15 =	vld [tilespmem:$0x1FFD0];
	[tilespmem:$0x1EF30] =	vst v0;
	v0 =	vor.u32 v18, v60  }
0x450: {  	[tilespmem:$0x1EEC0] =	vst v5;
	v5 =	vor.u32 v59, v1;
	v3 =	vld.idx.msk [tilespmem:v3+s22+$0x0], $0xffff  }
0x451: {  	v2 =	vld.idx.msk [tilespmem:v2+s22+$0x0], $0xffff;
	[tilespmem:$0x1EF00] =	vst v4;
	v4 =	vor.u32 v38, v1  }
0x452: {  	v13 =	vld [tilespmem:$0x1FFC0]  }
0x453: {  	v8 =	vld [tilespmem:$0x1FFA0]  }
0x454: {  	v6 =	vor.u32 v28, v1;
	v0 =	vld.idx.msk [tilespmem:v0+s22+$0x0], $0xffff  }
0x455: {  	v5 =	vld.idx.msk [tilespmem:v5+s22+$0x0], $0xffff;
	[tilespmem:$0x1EEF0] =	vst v3;
	v3 =	vor.u32 v39, v1  }
0x456: {  	[tilespmem:$0x1EEE0] =	vst v2;
	v2 =	vor.u32 v37, v1;
	v61 =	vld.idx.msk [tilespmem:v4+s20+$0x0], $0xffff  }
0x457: {  	v4 =	vld [tilespmem:$0x1FFB0];
	_ =	sdelay $0x1  }
0x458: {  	v51 =	vld.idx.msk [tilespmem:v6+s20+$0x0], $0xffff;
	[tilespmem:$0x1EF70] =	vst v0;
	v0 =	vor.u32 v14, v60  }
0x459: {  	v50 =	vld.idx.msk [tilespmem:v3+s20+$0x0], $0xffff;
	v3 =	vor.u32 v8, v1  }
0x45a: {  	v52 =	vld.idx.msk [tilespmem:v2+s20+$0x0], $0xffff;
	v2 =	vor.u32 v13, v1  }
0x45b: {  	v6 =	vor.u32 v15, v1;
	[tilespmem:$0x1EF10] =	vst v5;
	v5 =	vor.u32 v34, v1;
	v1 =	vor.u32 v4, v1;
	_ =	sdelay $0x1  }
0x45c: {  	v0 =	vld.idx.msk [tilespmem:v0+s22+$0x0], $0xffff  }
0x45d: {  	v21 =	vld.idx.msk [tilespmem:v3+s20+$0x0], $0xffff;
	v3 =	vor.u32 v16, v60  }
0x45e: {  	s18 =	sadd.s32 $0x2, s13;
	v41 =	vld.idx.msk [tilespmem:v2+s20+$0x0], $0xffff;
	v2 =	vor.u32 v57, v60  }
0x45f: {  	v11 =	vor.u32 v47, v60;
	v25 =	vld.idx.msk [tilespmem:v1+s20+$0x0], $0xffff;
	v1 =	vadd.s32 s18, v9  }
0x460: {  	v45 =	vld.idx.msk [tilespmem:v6+s20+$0x0], $0xffff;
	v1 =	vand.u32 $0x3F, v1  }
0x461: {  	v49 =	vld.idx.msk [tilespmem:v5+s20+$0x0], $0xffff;
	v5 =	vor.u32 v55, v60;
	[tilespmem:$0x1EFF0] =	vst v0;
	v0 =	vor.u32 v14, v1  }
0x462: {  	v6 =	vor.u32 v19, v60;
	v3 =	vld.idx.msk [tilespmem:v3+s22+$0x0], $0xffff;
	[tilespmem:$0x1F330] =	vst v0;
	v0 =	vor.u32 v47, v1  }
0x463: {  	v56 =	vld.idx.msk [tilespmem:v2+s22+$0x0], $0xffff;
	v2 =	vor.u32 v20, v60;
	[tilespmem:$0x1F340] =	vst v0;
	v0 =	vor.u32 v30, v1  }
0x464: {  	[tilespmem:$0x1F350] =	vst v0;
	v0 =	vld.idx.msk [tilespmem:v11+s22+$0x0], $0xffff;
	_ =	sdelay $0x1  }
0x465: {  	v26 =	vor.u32 v30, v60;
	v58 =	vld.idx.msk [tilespmem:v5+s22+$0x0], $0xffff  }
0x466: {  	[tilespmem:$0x1EF40] =	vst v3;
	v3 =	vld.idx.msk [tilespmem:v6+s22+$0x0], $0xffff  }
0x467: {  	v5 =	vor.u32 v22, v60;
	v2 =	vld.idx.msk [tilespmem:v2+s22+$0x0], $0xffff  }
0x468: {  	s17 =	sadd.s32 $0x1, s13;
	[tilespmem:$0x1F000] =	vst v0;
	v0 =	vor.u32 v23, v1  }
0x469: {  	v7 =	vadd.s32 s17, v9;
	v9 =	vor.u32 v27, v60;
	[tilespmem:$0x1F390] =	vst v0;
	v0 =	vor.u32 v36, v1  }
0x46a: {  	[tilespmem:$0x1F3F0] =	vst v0;
	v0 =	vld.idx.msk [tilespmem:v26+s22+$0x0], $0xffff  }
0x46b: {  	[tilespmem:$0x1EF50] =	vst v3  }
0x46c: {  	v3 =	vld.idx.msk [tilespmem:v5+s22+$0x0], $0xffff;
	v5 =	vor.u32 v23, v60;
	[tilespmem:$0x1EFA0] =	vst v2;
	v2 =	vor.u32 v59, v60  }
0x46d: {  	[tilespmem:$0x1F120] =	vst v2;
	v2 =	vor.u32 v55, v1  }
0x46e: {  	[tilespmem:$0x1EF60] =	vst v2;
	v2 =	vld.idx.msk [tilespmem:v9+s22+$0x0], $0xffff  }
0x46f: {  	[tilespmem:$0x1F010] =	vst v0;
	v0 =	vor.u32 v35, v1  }
0x470: {  	[tilespmem:$0x1F410] =	vst v0;
	v0 =	vor.u32 v33, v1  }
0x471: {  	[tilespmem:$0x1F420] =	vst v0;
	v0 =	vld.idx.msk [tilespmem:v5+s22+$0x0], $0xffff;
	_ =	sdelay $0x1  }
0x472: {  	v31 =	vor.u32 v36, v60;
	[tilespmem:$0x1EFB0] =	vst v2;
	v2 =	vor.u32 v63, v60  }
0x473: {  	[tilespmem:$0x1F130] =	vst v2;
	v2 =	vor.u32 v57, v1  }
0x474: {  	v6 =	vor.u32 v24, v60;
	[tilespmem:$0x1EF90] =	vst v2  }
0x475: {  	[tilespmem:$0x1F020] =	vst v0;
	v0 =	vor.u32 v40, v1  }
0x476: {  	[tilespmem:$0x1F430] =	vst v0;
	v0 =	vor.u32 v59, v1  }
0x477: {  	v2 =	vor.u32 v16, v1;
	[tilespmem:$0x1F440] =	vst v0;
	v0 =	vld.idx.msk [tilespmem:v31+s22+$0x0], $0xffff  }
0x478: {  	v32 =	vor.u32 v35, v60;
	[tilespmem:$0x1F030] =	vst v2;
	v2 =	vor.u32 v19, v1  }
0x479: {  	[tilespmem:$0x1F060] =	vst v2;
	v2 =	vld.idx.msk [tilespmem:v6+s22+$0x0], $0xffff;
	_ =	sdelay $0x2  }
0x47a: {  	v10 =	vor.u32 v29, v60;
	[tilespmem:$0x1F040] =	vst v0;
	v0 =	vor.u32 v63, v1  }
0x47b: {  	v42 =	vor.u32 v33, v60;
	[tilespmem:$0x1F450] =	vst v0;
	v0 =	vld.idx.msk [tilespmem:v32+s22+$0x0], $0xffff  }
0x47c: {  	[tilespmem:$0x1EFC0] =	vst v2;
	v2 =	vor.u32 v18, v1  }
0x47d: {  	[tilespmem:$0x1F090] =	vst v2;
	v2 =	vor.u32 v22, v1  }
0x47e: {  	v43 =	vand.u32 $0x3F, v7;
	v7 =	vor.u32 v12, v1;
	[tilespmem:$0x1F0B0] =	vst v2;
	v2 =	vor.u32 v20, v1  }
0x47f: {  	[tilespmem:$0x1F140] =	vst v2;
	v2 =	vld.idx.msk [tilespmem:v10+s22+$0x0], $0xffff;
	v11 =	vor.u32 v12, v43;
	v12 =	vor.u32 v4, v60  }
0x480: {  	v6 =	vor.u32 v55, v43;
	v55 =	vor.u32 v8, v60;
	[tilespmem:$0x1F050] =	vst v0;
	v0 =	vld.idx.msk [tilespmem:v42+s22+$0x0], $0xffff;
	_ =	sdelay $0x1  }
0x481: {  	v54 =	vor.u32 v13, v60;
	[tilespmem:$0x1EF80] =	vst v3;
	v3 =	vor.u32 v27, v43  }
0x482: {  	v44 =	vor.u32 v17, v60;
	v46 =	vor.u32 v15, v60;
	v21 =	vadd.f32 v25, v21;
	[tilespmem:$0x1F460] =	vst v3  }
0x483: {  	v25 =	vor.u32 v4, v1;
	[tilespmem:$0x1EFD0] =	vst v2;
	v2 =	vor.u32 v27, v1;
	v12 =	vld.idx.msk [tilespmem:v12+s20+$0x0], $0xffff  }
0x484: {  	[tilespmem:$0x1F070] =	vst v0;
	v0 =	vor.u32 v18, v43;
	v18 =	vadd.f32 v41, v21;
	v21 =	vld.idx.msk [tilespmem:v55+s20+$0x0], $0xffff  }
0x485: {  	v9 =	vor.u32 v16, v43;
	v16 =	vor.u32 v8, v43;
	[tilespmem:$0x1F1D0] =	vst v2;
	v2 =	vor.u32 v24, v1  }
0x486: {  	v54 =	vld.idx.msk [tilespmem:v54+s20+$0x0], $0xffff;
	[tilespmem:$0x1F220] =	vst v2;
	v2 =	vor.u32 v29, v1;
	v31 =	vor.u32 v13, v1  }
0x487: {  	v44 =	vld.idx.msk [tilespmem:v44+s20+$0x0], $0xffff;
	v3 =	vor.u32 v24, v43;
	v24 =	vor.u32 v34, v60;
	[tilespmem:$0x1F2B0] =	vst v2  }
0x488: {  	v2 =	vld.idx.msk [tilespmem:v46+s20+$0x0], $0xffff;
	[tilespmem:$0x1F110] =	vst v0;
	v0 =	vor.u32 v8, v1;
	v18 =	vadd.f32 v45, v18  }
0x489: {  	v25 =	vld.idx.msk [tilespmem:v25+s20+$0x0], $0xffff;
	v12 =	vadd.f32 v12, v21  }
0x48a: {  	[tilespmem:$0x1F470] =	vst v3;
	v3 =	vor.u32 v14, v43;
	v14 =	vld.idx.msk [tilespmem:v16+s20+$0x0], $0xffff;
	v18 =	vadd.f32 v48, v18  }
0x48b: {  	v16 =	vor.u32 v15, v43;
	v42 =	vld.idx.msk [tilespmem:v31+s20+$0x0], $0xffff;
	v31 =	vor.u32 v15, v1;
	v12 =	vadd.f32 v54, v12  }
0x48c: {  	v46 =	vor.u32 v20, v43;
	v20 =	vor.u32 v4, v43;
	v15 =	vld.idx.msk [tilespmem:v24+s20+$0x0], $0xffff;
	v4 =	vadd.f32 v49, v18  }
0x48d: {  	v0 =	vld.idx.msk [tilespmem:v0+s20+$0x0], $0xffff;
	v2 =	vadd.f32 v2, v12  }
0x48e: {  	v4 =	vadd.f32 v61, v4  }
0x48f: {  	v2 =	vadd.f32 v44, v2  }
0x490: {  	v31 =	vld.idx.msk [tilespmem:v31+s20+$0x0], $0xffff;
	v4 =	vadd.f32 v50, v4  }
0x491: {  	v2 =	vadd.f32 v15, v2;
	v15 =	vld [tilespmem:$0x1EE00]  }
0x492: {  	v0 =	vadd.f32 v25, v0;
	v4 =	vadd.f32 v52, v4;
	_ =	sdelay $0x1  }
0x493: {  	v26 =	vor.u32 v38, v60;
	v0 =	vadd.f32 v42, v0;
	v4 =	vadd.f32 v51, v4;
	_ =	sdelay $0x1  }
0x494: {  	v0 =	vadd.f32 v31, v0;
	v31 =	vmul.f32 v15, v4;
	v15 =	vld [tilespmem:$0x1EE10];
	_ =	sdelay $0x2  }
0x495: {  	v5 =	vor.u32 v28, v60;
	v12 =	vld.idx.msk [tilespmem:v26+s20+$0x0], $0xffff;
	_ =	sdelay $0x1  }
0x496: {  	v48 =	vmul.f32 v15, v4;
	v15 =	vld [tilespmem:$0x1EE20];
	_ =	sdelay $0x1  }
0x497: {  	v20 =	vld.idx.msk [tilespmem:v20+s20+$0x0], $0xffff  }
0x498: {  	v32 =	vor.u32 v22, v43;
	v22 =	vor.u32 v13, v43;
	v2 =	vadd.f32 v12, v2;
	v12 =	vld.idx.msk [tilespmem:v5+s20+$0x0], $0xffff  }
0x499: {  	v25 =	vor.u32 v39, v60;
	v5 =	vld [tilespmem:$0x1EE40]  }
0x49a: {  	[tilespmem:$0x1F480] =	vst v3;
	v3 =	vor.u32 v47, v43;
	v52 =	vmul.f32 v15, v4;
	v15 =	vld [tilespmem:$0x1EE30]  }
0x49b: {  	[tilespmem:$0x1F490] =	vst v3;
	v3 =	vor.u32 v30, v43  }
0x49c: {  	[tilespmem:$0x1F4A0] =	vst v3;
	v3 =	vor.u32 v23, v43;
	v27 =	vor.u32 v37, v60  }
0x49d: {  	[tilespmem:$0x1F4B0] =	vst v3;
	v3 =	vor.u32 v36, v43;
	v22 =	vld.idx.msk [tilespmem:v22+s20+$0x0], $0xffff;
	v18 =	vor.u32 v17, v43  }
0x49e: {  	v23 =	vor.u32 v17, v1;
	v14 =	vadd.f32 v20, v14;
	v20 =	vor.u32 v37, v43;
	v13 =	vld.idx.msk [tilespmem:v25+s20+$0x0], $0xffff  }
0x49f: {  	v21 =	vor.u32 v37, v1;
	v37 =	vmul.f32 v15, v4;
	v15 =	vmul.f32 v5, v4;
	v5 =	vld [tilespmem:$0x1EE50]  }
0x4a0: {  	[tilespmem:$0x1F4C0] =	vst v3;
	v3 =	vor.u32 v35, v43;
	v16 =	vld.idx.msk [tilespmem:v16+s20+$0x0], $0xffff  }
0x4a1: {  	[tilespmem:$0x1F4D0] =	vst v3;
	v3 =	vor.u32 v33, v43;
	v26 =	vld.idx.msk [tilespmem:v27+s20+$0x0], $0xffff  }
0x4a2: {  	[tilespmem:$0x1F4E0] =	vst v3;
	v3 =	vor.u32 v28, v1;
	v17 =	vor.u32 v38, v43;
	v18 =	vld.idx.msk [tilespmem:v18+s20+$0x0], $0xffff  }
0x4a3: {  	v23 =	vld.idx.msk [tilespmem:v23+s20+$0x0], $0xffff;
	v24 =	vor.u32 v39, v1;
	v14 =	vadd.f32 v22, v14;
	v49 =	vor.u32 v34, v1  }
0x4a4: {  	v1 =	vor.u32 v38, v1;
	v2 =	vadd.f32 v13, v2;
	v38 =	vmul.f32 v5, v4;
	v5 =	vld [tilespmem:$0x1EE60]  }
0x4a5: {  	v14 =	vadd.f32 v16, v14  }
0x4a6: {  	v2 =	vadd.f32 v26, v2  }
0x4a7: {  	v14 =	vadd.f32 v18, v14;
	v18 =	vld.idx.msk [tilespmem:v17+s20+$0x0], $0xffff  }
0x4a8: {  	v0 =	vadd.f32 v23, v0;
	v23 =	vmul.f32 v53, v4;
	v53 =	vadd.f32 v12, v2;
	v2 =	vld [tilespmem:$0x1EF00]  }
0x4a9: {  	v17 =	vmul.f32 v5, v4;
	v5 =	vld [tilespmem:$0x1EE70];
	_ =	sdelay $0x3  }
0x4aa: {  	v8 =	vor.u32 v34, v43  }
0x4ab: {  	v2 =	vmul.f32 v2, v4;
	v27 =	vmul.f32 v5, v4;
	v5 =	vld [tilespmem:$0x1EE80];
	_ =	sdelay $0x1  }
0x4ac: {  	[tilespmem:$0x1F2F0] =	vst v2;
	v2 =	vld [tilespmem:$0x1EF10]  }
0x4ad: {  	v16 =	vor.u32 v39, v43;
	v22 =	vld.idx.msk [tilespmem:v49+s20+$0x0], $0xffff  }
0x4ae: {  	v8 =	vld.idx.msk [tilespmem:v8+s20+$0x0], $0xffff  }
0x4af: {  	v30 =	vmul.f32 v5, v4;
	v5 =	vld [tilespmem:$0x1EE90];
	_ =	sdelay $0x1  }
0x4b0: {  	v2 =	vmul.f32 v2, v4  }
0x4b1: {  	v10 =	vor.u32 v19, v43;
	v19 =	vor.u32 v28, v43;
	v0 =	vadd.f32 v22, v0;
	v22 =	vld.idx.msk [tilespmem:v16+s20+$0x0], $0xffff  }
0x4b2: {  	[tilespmem:$0x1F310] =	vst v2;
	v2 =	vld [tilespmem:$0x1EF20]  }
0x4b3: {  	v8 =	vadd.f32 v8, v14;
	v16 =	vmul.f32 v5, v4;
	v5 =	vld [tilespmem:$0x1EEA0]  }
0x4b4: {  	v14 =	vld.idx.msk [tilespmem:v20+s20+$0x0], $0xffff  }
0x4b5: {  	v8 =	vadd.f32 v18, v8  }
0x4b6: {  	v19 =	vld.idx.msk [tilespmem:v19+s20+$0x0], $0xffff  }
0x4b7: {  	v47 =	vmul.f32 v2, v4;
	v2 =	vadd.f32 v22, v8  }
0x4b8: {  	v55 =	vor.u32 v29, v43;
	v29 =	vmul.f32 v5, v4;
	v5 =	vld [tilespmem:$0x1EEB0]  }
0x4b9: {  	v2 =	vadd.f32 v14, v2  }
0x4ba: {  	v8 =	vld.idx.msk [tilespmem:v7+s22+$0x0], $0xffff  }
0x4bb: {  	v7 =	vadd.f32 v19, v2;
	v2 =	vld [tilespmem:$0x1EF90];
	_ =	sdelay $0x1  }
0x4bc: {  	v5 =	vmul.f32 v5, v4;
	_ =	sdelay $0x1  }
0x4bd: {  	[tilespmem:$0x1F240] =	vst v5;
	v5 =	vld [tilespmem:$0x1EEC0];
	_ =	sdelay $0x2  }
0x4be: {  	v1 =	vld.idx.msk [tilespmem:v1+s20+$0x0], $0xffff  }
0x4bf: {  	v19 =	vld.idx.msk [tilespmem:v2+s22+$0x0], $0xffff  }
0x4c0: {  	v2 =	vld [tilespmem:$0x1EFA0];
	v5 =	vmul.f32 v5, v4  }
0x4c1: {  	v13 =	vld.idx.msk [tilespmem:v24+s20+$0x0], $0xffff  }
0x4c2: {  	[tilespmem:$0x1F260] =	vst v5;
	v5 =	vld [tilespmem:$0x1EED0]  }
0x4c3: {  	v18 =	vld.idx.msk [tilespmem:v21+s20+$0x0], $0xffff  }
0x4c4: {  	v0 =	vadd.f32 v1, v0;
	v1 =	vld.idx.msk [tilespmem:v3+s20+$0x0], $0xffff  }
0x4c5: {  	v51 =	vmul.f32 v2, v53;
	v2 =	vld [tilespmem:$0x1EFB0]  }
0x4c6: {  	v0 =	vadd.f32 v13, v0  }
0x4c7: {  	v5 =	vmul.f32 v5, v4  }
0x4c8: {  	v0 =	vadd.f32 v18, v0  }
0x4c9: {  	[tilespmem:$0x1F280] =	vst v5;
	v5 =	vld [tilespmem:$0x1EEE0]  }
0x4ca: {  	v49 =	vmul.f32 v2, v53;
	v2 =	vadd.f32 v1, v0;
	v0 =	vld [tilespmem:$0x1EFC0];
	_ =	sdelay $0x3  }
0x4cb: {  	v25 =	vld [tilespmem:$0x1EDF0];
	v5 =	vmul.f32 v5, v4  }
0x4cc: {  	v34 =	vmul.f32 v0, v53;
	v0 =	vld [tilespmem:$0x1EFD0]  }
0x4cd: {  	[tilespmem:$0x1F2A0] =	vst v5;
	v5 =	vld [tilespmem:$0x1EEF0];
	_ =	sdelay $0x3  }
0x4ce: {  	v33 =	vmul.f32 v0, v53;
	v0 =	vld [tilespmem:$0x1EFE0]  }
0x4cf: {  	v25 =	vmul.f32 v25, v4;
	v5 =	vmul.f32 v5, v4;
	v4 =	vld.idx.msk [tilespmem:v11+s22+$0x0], $0xffff;
	_ =	sdelay $0x4  }
0x4d0: {  	v0 =	vadd.f32 v23, v0;
	v1 =	vmul.f32 v4, v7;
	v4 =	vld [tilespmem:$0x1EFF0];
	_ =	sdelay $0x1  }
0x4d1: {  	v28 =	vld [tilespmem:$0x1EDC0];
	v0 =	vadd.f32 v1, v0;
	v1 =	vmul.f32 v8, v2  }
0x4d2: {  	v62 =	vor.u32 v40, v60;
	v60 =	vld.idx.msk [tilespmem:v9+s22+$0x0], $0xffff  }
0x4d3: {  	v9 =	vadd.f32 v1, v0;
	v0 =	vld [tilespmem:$0x1F060]  }
0x4d4: {  	v35 =	vmul.f32 v4, v53;
	v4 =	vld [tilespmem:$0x1F000]  }
0x4d5: {  	v54 =	vld [tilespmem:$0x1EDD0]  }
0x4d6: {  	v61 =	vld.idx.msk [tilespmem:v10+s22+$0x0], $0xffff  }
0x4d7: {  	v20 =	vld.idx.msk [tilespmem:v6+s22+$0x0], $0xffff  }
0x4d8: {  	v6 =	vld [tilespmem:$0x1F0D0]  }
0x4d9: {  	v36 =	vmul.f32 v4, v53;
	v4 =	vld [tilespmem:$0x1F010]  }
0x4da: {  	v3 =	vld [tilespmem:$0x1EF30]  }
0x4db: {  	[tilespmem:$0x1F2D0] =	vst v5;
	v5 =	vld [tilespmem:$0x1EF50]  }
0x4dc: {  	v11 =	vld.idx.msk [tilespmem:v0+s22+$0x0], $0xffff  }
0x4dd: {  	v0 =	vld [tilespmem:$0x1F070]  }
0x4de: {  	v18 =	vmul.f32 v4, v53;
	v4 =	vld [tilespmem:$0x1F020]  }
0x4df: {  	v13 =	vld.idx.msk [tilespmem:v62+s22+$0x0], $0xffff  }
0x4e0: {  	v57 =	vor.u32 v57, v43;
	v62 =	vmul.f32 v5, v53;
	v5 =	vld [tilespmem:$0x1EF60]  }
0x4e1: {  	v10 =	vadd.f32 v25, v6;
	v6 =	vld [tilespmem:$0x1F0F0]  }
0x4e2: {  	v44 =	vmul.f32 v0, v53;
	v0 =	vld [tilespmem:$0x1F090]  }
0x4e3: {  	v23 =	vmul.f32 v4, v53;
	v4 =	vld [tilespmem:$0x1F030]  }
0x4e4: {  	v42 =	vld [tilespmem:$0x1EDE0]  }
0x4e5: {  	v26 =	vld.idx.msk [tilespmem:v57+s22+$0x0], $0xffff;
	v12 =	vmul.f32 v3, v53  }
0x4e6: {  	v25 =	vld [tilespmem:$0x1F0E0]  }
0x4e7: {  	v39 =	vadd.f32 v12, v9;
	v9 =	vadd.f32 v31, v6;
	v6 =	vld [tilespmem:$0x1F110]  }
0x4e8: {  	v14 =	vld.idx.msk [tilespmem:v5+s22+$0x0], $0xffff  }
0x4e9: {  	v5 =	vld [tilespmem:$0x1EF70]  }
0x4ea: {  	v1 =	vld.idx.msk [tilespmem:v0+s22+$0x0], $0xffff  }
0x4eb: {  	v8 =	vld.idx.msk [tilespmem:v4+s22+$0x0], $0xffff  }
0x4ec: {  	v4 =	vld [tilespmem:$0x1F040]  }
0x4ed: {  	v0 =	vld [tilespmem:$0x1F0B0]  }
0x4ee: {  	v3 =	vld [tilespmem:$0x1EF40]  }
0x4ef: {  	v57 =	vmul.f32 v26, v7;
	v26 =	vld [tilespmem:$0x1F0A0]  }
0x4f0: {  	v50 =	vmul.f32 v5, v53;
	v5 =	vld [tilespmem:$0x1EF80]  }
0x4f1: {  	p0 =	slt.u32 s13, $0x3C;
	v22 =	vmul.f32 v4, v53;
	v4 =	vld [tilespmem:$0x1F050]  }
.Ltmp1:
0x4f2: {  	v58 =	vmul.f32 v58, v53;
	v56 =	vmul.f32 v56, v53;
	v12 =	vld [tilespmem:$0x1F0C0];
	(pc) =	sbr.rel @p0 .LBB2_5-.Ltmp1, $4  }
0x4f3: {  	v21 =	vor.u32 v40, v43;
	v41 =	vmul.f32 v13, v53;
	v3 =	vmul.f32 v3, v53;
	v31 =	vld [tilespmem:$0x1F100]  }
0x4f4: {  	v40 =	vor.u32 v59, v43;
	v59 =	vmul.f32 v20, v7;
	v60 =	vmul.f32 v60, v7;
	v6 =	vld.idx.msk [tilespmem:v6+s22+$0x0], $0xffff  }
0x4f5: {  	v45 =	vmul.f32 v5, v53;
	v5 =	vmul.f32 v19, v2;
	v0 =	vld.idx.msk [tilespmem:v0+s22+$0x0], $0xffff  }
0x4f6: {  	s13 =	sadd.s32 $0x4, s13;
	v43 =	vor.u32 v63, v43;
	v24 =	vmul.f32 v4, v53;
	v4 =	vmul.f32 v14, v2;
	v14 =	vld [tilespmem:$0x1F080]  }
0x4f7: {  	v25 =	vadd.f32 v15, v25;
	v15 =	vld [tilespmem:$0x1F470];
	_ =	sdelay $0x3  }
0x4f8: {  	v13 =	vadd.f32 v52, v14;
	v14 =	vmul.f32 v61, v7;
	_ =	sdelay $0x1  }
0x4f9: {  	v11 =	vmul.f32 v11, v2;
	v13 =	vadd.f32 v14, v13;
	_ =	sdelay $0x1  }
0x4fa: {  	v11 =	vadd.f32 v11, v13;
	v13 =	vadd.f32 v37, v31;
	v31 =	vld.idx.msk [tilespmem:v15+s22+$0x0], $0xffff  }
0x4fb: {  	v15 =	vld [tilespmem:$0x1F520];
	_ =	sdelay $0x4  }
0x4fc: {  	v63 =	vadd.f32 v17, v15;
	v15 =	vld [tilespmem:$0x1F480]  }
0x4fd: {  	v19 =	vld.idx.msk [tilespmem:v32+s22+$0x0], $0xffff;
	_ =	sdelay $0x4  }
0x4fe: {  	v19 =	vmul.f32 v19, v7;
	_ =	sdelay $0x1  }
0x4ff: {  	v19 =	vadd.f32 v19, v25;
	v25 =	vld.idx.msk [tilespmem:v15+s22+$0x0], $0xffff  }
0x500: {  	v15 =	vld [tilespmem:$0x1F490]  }
0x501: {  	v20 =	vld.idx.msk [tilespmem:v46+s22+$0x0], $0xffff;
	_ =	sdelay $0x2  }
0x502: {  	v6 =	vmul.f32 v6, v7;
	_ =	sdelay $0x1  }
0x503: {  	v26 =	vadd.f32 v38, v26;
	v6 =	vadd.f32 v6, v13;
	v13 =	vmul.f32 v20, v7;
	_ =	sdelay $0x1  }
0x504: {  	v13 =	vadd.f32 v13, v26;
	v26 =	vld.idx.msk [tilespmem:v15+s22+$0x0], $0xffff  }
0x505: {  	v15 =	vld [tilespmem:$0x1F390];
	_ =	sdelay $0x5  }
0x506: {  	v0 =	vmul.f32 v0, v2;
	_ =	sdelay $0x1  }
0x507: {  	v0 =	vadd.f32 v0, v19;
	v19 =	vld.idx.msk [tilespmem:v15+s22+$0x0], $0xffff  }
0x508: {  	v15 =	vld [tilespmem:$0x1F4A0];
	_ =	sdelay $0x7  }
0x509: {  	v27 =	vadd.f32 v27, v28;
	v28 =	vmul.f32 v31, v7;
	v31 =	vld.idx.msk [tilespmem:v15+s22+$0x0], $0xffff  }
0x50a: {  	v15 =	vld [tilespmem:$0x1F540];
	_ =	sdelay $0x4  }
0x50b: {  	v30 =	vadd.f32 v30, v15;
	v15 =	vld [tilespmem:$0x1F550];
	_ =	sdelay $0x4  }
0x50c: {  	v16 =	vadd.f32 v16, v15;
	v15 =	vld [tilespmem:$0x1F4B0];
	_ =	sdelay $0x7  }
0x50d: {  	v37 =	vld.idx.msk [tilespmem:v15+s22+$0x0], $0xffff  }
0x50e: {  	v15 =	vld [tilespmem:$0x1F570];
	_ =	sdelay $0x4  }
0x50f: {  	v29 =	vadd.f32 v29, v15;
	v15 =	vld [tilespmem:$0x1F4C0];
	_ =	sdelay $0x7  }
0x510: {  	v27 =	vadd.f32 v28, v27;
	v28 =	vld.idx.msk [tilespmem:v15+s22+$0x0], $0xffff  }
0x511: {  	v15 =	vld [tilespmem:$0x1F4D0]  }
0x512: {  	v20 =	vld.idx.msk [tilespmem:v55+s22+$0x0], $0xffff;
	_ =	sdelay $0x1  }
0x513: {  	v12 =	vadd.f32 v48, v12;
	_ =	sdelay $0x1  }
0x514: {  	v8 =	vmul.f32 v8, v2;
	v12 =	vadd.f32 v60, v12  }
0x515: {  	v20 =	vmul.f32 v20, v7  }
0x516: {  	v8 =	vadd.f32 v8, v12;
	v12 =	vld [tilespmem:$0x1F1D0]  }
0x517: {  	v20 =	vadd.f32 v20, v30;
	v30 =	vld.idx.msk [tilespmem:v15+s22+$0x0], $0xffff  }
0x518: {  	v15 =	vld [tilespmem:$0x1F3F0];
	_ =	sdelay $0x1  }
0x519: {  	v3 =	vadd.f32 v3, v8;
	v8 =	vld [tilespmem:$0x1F220];
	_ =	sdelay $0x3  }
0x51a: {  	v12 =	vld.idx.msk [tilespmem:v12+s22+$0x0], $0xffff;
	v25 =	vmul.f32 v25, v7;
	_ =	sdelay $0x1  }
0x51b: {  	v16 =	vadd.f32 v25, v16;
	v25 =	vld.idx.msk [tilespmem:v15+s22+$0x0], $0xffff  }
0x51c: {  	v1 =	vmul.f32 v1, v2;
	v15 =	vld [tilespmem:$0x1F410]  }
0x51d: {  	v8 =	vld.idx.msk [tilespmem:v8+s22+$0x0], $0xffff  }
0x51e: {  	v1 =	vadd.f32 v1, v6;
	v6 =	vmul.f32 v12, v2;
	v12 =	vld [tilespmem:$0x1F330]  }
0x51f: {  	v9 =	vadd.f32 v57, v9;
	_ =	sdelay $0x1  }
0x520: {  	v5 =	vadd.f32 v5, v9;
	v9 =	vld [tilespmem:$0x1F140]  }
0x521: {  	v8 =	vmul.f32 v8, v2;
	_ =	sdelay $0x1  }
0x522: {  	v8 =	vadd.f32 v8, v27;
	v27 =	vld.idx.msk [tilespmem:v15+s22+$0x0], $0xffff  }
0x523: {  	v15 =	vld [tilespmem:$0x1F420]  }
0x524: {  	v12 =	vld.idx.msk [tilespmem:v12+s22+$0x0], $0xffff  }
0x525: {  	v14 =	vld [tilespmem:$0x1F2B0];
	_ =	sdelay $0x1  }
0x526: {  	v9 =	vld.idx.msk [tilespmem:v9+s22+$0x0], $0xffff  }
0x527: {  	v10 =	vadd.f32 v59, v10  }
0x528: {  	v12 =	vmul.f32 v12, v2  }
0x529: {  	v4 =	vadd.f32 v4, v10;
	v10 =	vld [tilespmem:$0x1F460]  }
0x52a: {  	v12 =	vadd.f32 v12, v16;
	v16 =	vld.idx.msk [tilespmem:v15+s22+$0x0], $0xffff  }
0x52b: {  	v9 =	vmul.f32 v9, v2;
	v15 =	vld [tilespmem:$0x1F430]  }
0x52c: {  	v14 =	vld.idx.msk [tilespmem:v14+s22+$0x0], $0xffff  }
0x52d: {  	v9 =	vadd.f32 v9, v13;
	v13 =	vld [tilespmem:$0x1F340];
	_ =	sdelay $0x3  }
0x52e: {  	v14 =	vmul.f32 v14, v2  }
0x52f: {  	v10 =	vld.idx.msk [tilespmem:v10+s22+$0x0], $0xffff  }
0x530: {  	v14 =	vadd.f32 v14, v20;
	v20 =	vld.idx.msk [tilespmem:v15+s22+$0x0], $0xffff  }
0x531: {  	v15 =	vld [tilespmem:$0x1F4E0]  }
0x532: {  	v13 =	vld.idx.msk [tilespmem:v13+s22+$0x0], $0xffff  }
0x533: {  	v38 =	vld [tilespmem:$0x1F280]  }
0x534: {  	v46 =	vld [tilespmem:$0x1F2A0];
	v10 =	vmul.f32 v10, v7  }
0x535: {  	v48 =	vld [tilespmem:$0x1F440];
	v26 =	vmul.f32 v26, v7  }
0x536: {  	v0 =	vadd.f32 v45, v0;
	v45 =	vld.idx.msk [tilespmem:v40+s22+$0x0], $0xffff;
	v10 =	vadd.f32 v10, v63  }
0x537: {  	v17 =	vld [tilespmem:$0x1F240];
	v13 =	vmul.f32 v13, v2;
	v26 =	vadd.f32 v26, v29  }
0x538: {  	v6 =	vadd.f32 v6, v10;
	v10 =	vld [tilespmem:$0x1F350]  }
0x539: {  	v11 =	vadd.f32 v62, v11;
	v13 =	vadd.f32 v13, v26;
	v26 =	vld.idx.msk [tilespmem:v15+s22+$0x0], $0xffff  }
0x53a: {  	v15 =	vld [tilespmem:$0x1F580]  }
0x53b: {  	v52 =	vmul.f32 $1.000000010e-01, v11;
	v11 =	vld [tilespmem:$0x1F5D0]  }
0x53c: {  	v6 =	vadd.f32 v49, v6;
	v49 =	vld [tilespmem:$0x1F450]  }
0x53d: {  	v29 =	vmul.f32 v31, v7;
	v31 =	vld.idx.msk [tilespmem:v21+s22+$0x0], $0xffff  }
0x53e: {  	v21 =	vld [tilespmem:$0x1F260]  }
0x53f: {  	v15 =	vadd.f32 v17, v15;
	v17 =	vld [tilespmem:$0x1F590]  }
0x540: {  	v8 =	vadd.f32 v34, v8;
	v34 =	vld [tilespmem:$0x1FF70]  }
0x541: {  	v10 =	vld.idx.msk [tilespmem:v10+s22+$0x0], $0xffff  }
0x542: {  	v5 =	vadd.f32 v56, v5;
	v56 =	vmul.f32 v31, v7;
	v31 =	vld [tilespmem:$0x1FF90]  }
0x543: {  	v15 =	vadd.f32 v29, v15;
	v29 =	vld.idx.msk [tilespmem:v43+s22+$0x0], $0xffff  }
0x544: {  	v57 =	vmul.f32 v45, v7;
	v32 =	vmul.f32 v37, v7;
	v17 =	vadd.f32 v21, v17;
	v21 =	vld [tilespmem:$0x1F5B0]  }
0x545: {  	v4 =	vadd.f32 v58, v4;
	v58 =	vmul.f32 $1.000000010e-01, v6;
	v6 =	vmul.f32 v16, v2;
	v16 =	vld [tilespmem:$0x1FEC0]  }
0x546: {  	v10 =	vmul.f32 v10, v2;
	v19 =	vmul.f32 v19, v2;
	v17 =	vadd.f32 v32, v17;
	v32 =	vld.idx.msk [tilespmem:v48+s22+$0x0], $0xffff  }
0x547: {  	v14 =	vadd.f32 v33, v14;
	v28 =	vmul.f32 v28, v7;
	v30 =	vmul.f32 v30, v7;
	v48 =	vld [tilespmem:$0x1FE60]  }
0x548: {  	v55 =	vmul.f32 v26, v7;
	v10 =	vadd.f32 v10, v15;
	v7 =	vmul.f32 v29, v7;
	v29 =	vld [tilespmem:$0x1FF30]  }
0x549: {  	v15 =	vadd.f32 v19, v17;
	v33 =	vadd.f32 v38, v21;
	v21 =	vld [tilespmem:$0x1F5C0]  }
0x54a: {  	v17 =	vld [tilespmem:$0x1F130]  }
0x54b: {  	v15 =	vadd.f32 v23, v15;
	v23 =	vld [tilespmem:$0x1FEE0]  }
0x54c: {  	v25 =	vmul.f32 v25, v2;
	v28 =	vadd.f32 v28, v33;
	v33 =	vld.idx.msk [tilespmem:v49+s22+$0x0], $0xffff  }
0x54d: {  	v49 =	vld [tilespmem:$0x1FFB0]  }
0x54e: {  	v19 =	vadd.f32 v25, v28;
	v28 =	vld [tilespmem:$0x1FF60];
	v21 =	vadd.f32 v46, v21  }
0x54f: {  	v46 =	vld [tilespmem:$0x1FE10]  }
0x550: {  	v21 =	vadd.f32 v30, v21;
	v30 =	vld [tilespmem:$0x1F120]  }
0x551: {  	v9 =	vadd.f32 v51, v9;
	v51 =	vadd.f32 v22, v19;
	v19 =	vld [tilespmem:$0x1F2D0]  }
0x552: {  	v22 =	vld [tilespmem:$0x1F5E0]  }
0x553: {  	v27 =	vmul.f32 v27, v2;
	v17 =	vld.idx.msk [tilespmem:v17+s22+$0x0], $0xffff  }
0x554: {  	v60 =	vmul.f32 v33, v2;
	v33 =	vld [tilespmem:$0x1FF80]  }
0x555: {  	v21 =	vadd.f32 v27, v21;
	v27 =	vld [tilespmem:$0x1FF40]  }
0x556: {  	s0 =	sshll.u32 s0, $0x4;
	v1 =	vadd.f32 v50, v1;
	v50 =	vmul.f32 $1.000000010e-01, v39;
	v11 =	vadd.f32 v19, v11;
	v19 =	vld [tilespmem:$0x1F2F0]  }
0x557: {  	s0 =	sand.u32 $0x3FFFFFF0, s0;
	v4 =	vmul.f32 $1.000000010e-01, v4;
	v10 =	vadd.f32 v18, v10;
	v18 =	vadd.f32 v24, v21;
	v21 =	vld [tilespmem:$0x1F310]  }
0x558: {  	v5 =	vmul.f32 $1.000000010e-01, v5;
	v30 =	vld.idx.msk [tilespmem:v30+s22+$0x0], $0xffff;
	[tilespmem:s0+$0x13600] =	vst v50  }
0x559: {  	v22 =	vadd.f32 v47, v22;
	v47 =	vld [tilespmem:$0x1FFA0];
	[tilespmem:s0+$0x13800] =	vst v4  }
0x55a: {  	v3 =	vmul.f32 $1.000000010e-01, v3;
	v1 =	vmul.f32 $1.000000010e-01, v1;
	v12 =	vadd.f32 v35, v12;
	v24 =	vld [tilespmem:$0x1FF20];
	[tilespmem:s0+$0x13A00] =	vst v5  }
0x55b: {  	v8 =	vmul.f32 $1.000000010e-01, v8;
	v59 =	vmul.f32 v20, v2;
	v7 =	vadd.f32 v7, v22;
	[tilespmem:s0+$0x13E00] =	vst v52;
	v52 =	vld [tilespmem:$0x1FFC0]  }
0x55c: {  	v61 =	vmul.f32 $1.000000010e-01, v10;
	[tilespmem:s0+$0x13C00] =	vst v3;
	v3 =	vadd.f32 v55, v11;
	v11 =	vmul.f32 $1.000000010e-01, v12;
	v12 =	vld [tilespmem:$0x1FE20]  }
0x55d: {  	[tilespmem:s0+$0x14800] =	vst v8;
	v8 =	vmul.f32 v32, v2;
	v2 =	vadd.f32 v60, v7;
	v7 =	vmul.f32 v17, v53;
	v17 =	vld [tilespmem:$0x1FE30]  }
0x55e: {  	v0 =	vmul.f32 $1.000000010e-01, v0;
	[tilespmem:s0+$0x14000] =	vst v1;
	v55 =	vld [tilespmem:$0x1FE40]  }
0x55f: {  	v9 =	vmul.f32 $1.000000010e-01, v9;
	[tilespmem:s0+$0x15000] =	vst v61;
	v61 =	vld [tilespmem:$0x1FE70]  }
0x560: {  	[tilespmem:s0+$0x14200] =	vst v0;
	v50 =	vld [tilespmem:$0x1FE80]  }
0x561: {  	v13 =	vadd.f32 v36, v13;
	[tilespmem:s0+$0x14400] =	vst v9;
	v9 =	vmul.f32 $1.000000010e-01, v14;
	v60 =	vld [tilespmem:$0x1FF00];
	v19 =	vadd.f32 v19, v54  }
0x562: {  	[tilespmem:s0+$0x14600] =	vst v58;
	v4 =	vmul.f32 $1.000000010e-01, v51;
	v32 =	vld [tilespmem:$0x1FF50];
	v21 =	vadd.f32 v21, v42  }
0x563: {  	[tilespmem:s0+$0x14A00] =	vst v9;
	v9 =	vmul.f32 $1.000000010e-01, v13;
	v3 =	vadd.f32 v6, v3;
	v13 =	vld [tilespmem:$0x1FEA0];
	v5 =	vadd.f32 v56, v19  }
0x564: {  	[tilespmem:s0+$0x14C00] =	vst v11;
	v6 =	vmul.f32 $1.000000010e-01, v15;
	v2 =	vadd.f32 v7, v2;
	v15 =	vld [tilespmem:$0x1FEB0];
	v1 =	vadd.f32 v57, v21  }
0x565: {  	[tilespmem:s0+$0x15400] =	vst v4;
	v57 =	vld [tilespmem:$0x1FFE0];
	v3 =	vadd.f32 v44, v3;
	v0 =	vadd.f32 v59, v5  }
0x566: {  	s1 =	sadd.s32 $0x1, s1;
	v21 =	vld [tilespmem:$0x1FF10];
	[tilespmem:s0+$0x15200] =	vst v6;
	v6 =	vmul.f32 $1.000000010e-01, v18;
	v1 =	vadd.f32 v8, v1;
	v62 =	vmul.f32 v30, v53  }
0x567: {  	p0 =	sne.s32 s1, $0x10;
	v56 =	vld [tilespmem:$0x1FE90];
	[tilespmem:s0+$0x14E00] =	vst v9;
	v63 =	vmul.f32 $1.000000010e-01, v2;
	v0 =	vadd.f32 v41, v0  }
.Ltmp2:
0x568: {  	v53 =	vld [tilespmem:$0x1FFD0];
	v3 =	vmul.f32 $1.000000010e-01, v3;
	[tilespmem:s0+$0x15600] =	vst v6;
	v1 =	vadd.f32 v62, v1;
	(pc) =	sbr.rel @p0 .LBB2_2-.Ltmp2, $4  }
0x569: {  	v59 =	vld [tilespmem:$0x1FE50];
	[tilespmem:s0+$0x15E00] =	vst v63;
	v0 =	vmul.f32 $1.000000010e-01, v0  }
0x56a: {  	v8 =	vld [tilespmem:$0x1FED0];
	[tilespmem:s0+$0x15800] =	vst v3;
	v1 =	vmul.f32 $1.000000010e-01, v1  }
0x56b: {  	v63 =	vld [tilespmem:$0x1FFF0];
	[tilespmem:s0+$0x15A00] =	vst v0  }
0x56c: {  	v45 =	vlaneseq.u32;
	v62 =	vld [tilespmem:$0x1FEF0];
	[tilespmem:s0+$0x15C00] =	vst v1  }
0x56d: {  	s31 =	sadd.s32 $0x1, s31  }
0x56e: {  	p0 =	sne.s32 s31, s8  }
.Ltmp3:
0x56f: {  	_ = 	snop;
	(pc) =	sbr.rel @p0 .LBB2_1-.Ltmp3, $4  }
0x570: {  	[hbm4b:s7+s28] =	stream.strided.scatter [tilespmem:s30], [sflag:$0x3], $0x2A00, s29, s28, $0x38;
	[tilespmem:$0x16000] =	vst v63  }
0x571: {  	_ =	swait.ge [sflag:s9], $0x2A00  }
0x572: {  	[sflag:s9] =	ssyncset.done $0x0  }
0x573: {  	[sflag:s9] =	ssyncadd.s32 $0xFFFFD600  }
0x574: {  	_ =	sfence.sel $0x180000  }
0x575: {  	[bflag:$0x0] =	sbarrier.arrive $0xFFFF  }
0x576: {  	_ =	strace $0x90000047  }
0x577: {  	s0 =	stileid.u32;
	[bflag:$0x2] =	sbarrier.arrive $0xFFFF  }
0x578: {  	p0 =	sne.s32 s0, $0x0;
	s0 =	rddreg [dreg:$0x1]  }
0x579: {  	s0 =	sadd.s32 @!p0 $0x100000, s0  }
0x57a: {  	[sflag:s0] =	ssyncadd.tile.s32 @!p0 $0x1;
	_ =	shalt  }
.Lfunc_end2:
_tile_overlayer_lowered:
.L_overlay_start_2:
0x57b: {  	(tag) =	ssettag $0x2  }
0x57c: {  	s0 =	rddreg [dreg:$0x0];
	s2 =	stileid.u32  }
0x57d: {  	s1 =	rddreg [dreg:$0x1];
	p0 =	sne.s32 s2, $0x0  }
0x57e: {  	s3 =	rddreg [dreg:$0x2];
	[bflag:$0x3] =	sbarrier.arrive $0xFFFF;
	s2 =	simm.s32 @!p0 $0x1C03  }
0x57f: {  	[timem:s3], [sflag:s2] =	dma.local @!p0 [hbm:s0], s1  }
0x580: {  	s0 =	simm.s32 @!p0 $0x3  }
0x581: {  	_ =	swait.ge @!p0 [sflag:s0], s1  }
0x582: {  	s1 =	ssub.s32 @!p0 $0x0, s1;
	[sflag:s0] =	ssyncset.done @!p0 $0x0  }
0x583: {  	[sflag:s0] =	ssyncadd.s32 @!p0 s1  }
0x584: {  	[bflag:$0x3] =	sbarrier.arrive $0xFFFF  }
0x585: {  	_ =	shalt  }

</sc_bundles>
